<compile_context>
chip_gen: v7x
topology: tpu7x:2x2x1
jax: 0.10.2.dev20260603
libtpu: 0.0.44.dev20260713+nightly
codegen_flags: <defaults>
</compile_context>

<pallas_src>
import functools
import math

import jax
import jax.numpy as jnp
from jax import lax
from jax.experimental import pallas as pl
from jax.experimental.pallas import tpu as pltpu
from jax.experimental.pallas import tpu_sc as plsc

D_MODEL = 64
SCALE = math.sqrt(D_MODEL)

_info = plsc.get_sparse_core_info()
NC = _info.num_cores
NS = _info.num_subcores
L = _info.num_lanes
NW = NC * NS

B = 4096
S = 200
IDX_W = 128
TI = B // IDX_W
N_UNITS = S * TI
UPW = N_UNITS // NW
VPR = D_MODEL // L
NBUF = 4
LOOK = 2


def _make_kernel():
  mesh = plsc.VectorSubcoreMesh(core_axis_name="c", subcore_axis_name="s")

  @functools.partial(
      pl.kernel,
      mesh=mesh,
      out_type=jax.ShapeDtypeStruct((S, 8, TI, 8, IDX_W), jnp.float32),
      scratch_types=[
          pltpu.VMEM((UPW, IDX_W), jnp.int32),
          pltpu.VMEM((IDX_W, D_MODEL), jnp.float32),
          pltpu.VMEM((IDX_W, D_MODEL), jnp.float32),
          pltpu.VMEM((IDX_W, D_MODEL), jnp.float32),
          pltpu.VMEM((IDX_W, D_MODEL), jnp.float32),
          pltpu.VMEM((8, 8, IDX_W + 1), jnp.float32),
          pltpu.VMEM((8, 8, IDX_W + 1), jnp.float32),
          pltpu.VMEM((8, 8, IDX_W + 1), jnp.float32),
          pltpu.VMEM((8, 8, IDX_W + 1), jnp.float32),
          pltpu.SemaphoreType.DMA,
          pltpu.SemaphoreType.DMA,
          pltpu.SemaphoreType.DMA,
          pltpu.SemaphoreType.DMA,
          pltpu.SemaphoreType.DMA,
          pltpu.SemaphoreType.DMA,
          pltpu.SemaphoreType.DMA,
          pltpu.SemaphoreType.DMA,
      ],
      compiler_params=pltpu.CompilerParams(use_tc_tiling_on_sc=False,
                                           needs_layout_passes=False),
  )
  def emb_kernel(xt_hbm, table_hbm, out_hbm, idx_v, b0, b1, b2, b3,
                 t0, t1, t2, t3, g0, g1, g2, g3, o0, o1, o2, o3):
    bufs = (b0, b1, b2, b3)
    tbufs = (t0, t1, t2, t3)
    gsems = (g0, g1, g2, g3)
    osems = (o0, o1, o2, o3)
    wid = lax.axis_index("s") * NC + lax.axis_index("c")
    ubase = wid * UPW
    pltpu.sync_copy(xt_hbm.at[pl.ds(ubase, UPW)], idx_v)

    def unit_j_ti(u):
      return (u // (8 * TI)) * 8 + lax.rem(u, 8), lax.rem(u // 8, TI)

    def fire_gather(lu, buf, sem):
      return pltpu.async_copy(table_hbm.at[idx_v.at[lu]], buf, sem)

    def drain_gather(buf, sem):
      pltpu.make_async_copy(table_hbm.at[idx_v.at[0]], buf, sem).wait()

    def transpose_scale(buf, tbuf):
      @plsc.parallel_loop(0, IDX_W, step=1, unroll=2)
      def _(r):
        rv = jnp.zeros((L,), jnp.int32) + r
        for c in range(VPR):
          dvec = lax.iota(jnp.int32, L) + (c * L)
          v = buf[r, pl.ds(c * L, L)]
          plsc.store_scatter(tbuf, [dvec // 8, lax.rem(dvec, 8), rv],
                             v * SCALE)

    def fire_out(lu, tbuf, sem):
      j, ti = unit_j_ti(ubase + lu)
      return pltpu.async_copy(
          tbuf.at[pl.ds(0, 8), pl.ds(0, 8), pl.ds(0, IDX_W)],
          out_hbm.at[j, pl.ds(0, 8), ti, pl.ds(0, 8)], sem)

    def drain_out(tbuf, sem):
      pltpu.make_async_copy(
          tbuf.at[pl.ds(0, 8), pl.ds(0, 8), pl.ds(0, IDX_W)],
          out_hbm.at[0, pl.ds(0, 8), 0, pl.ds(0, 8)], sem).wait()

    for p in range(LOOK):
      fire_gather(p, bufs[p], gsems[p])

    def body(i, carry):
      for p in range(NBUF):
        lu = i * NBUF + p
        pn = (p + LOOK) % NBUF
        if p + LOOK < NBUF:
          fire_gather(lu + LOOK, bufs[pn], gsems[pn])
        else:
          @pl.when(i < UPW // NBUF - 1)
          def _():
            fire_gather(lu + LOOK, bufs[pn], gsems[pn])
        drain_gather(bufs[p], gsems[p])
        @pl.when(i > 0)
        def _():
          drain_out(tbufs[p], osems[p])
        transpose_scale(bufs[p], tbufs[p])
        fire_out(lu, tbufs[p], osems[p])
      return carry

    lax.fori_loop(0, UPW // NBUF, body, 0)
    for p in range(NBUF):
      drain_out(tbufs[p], osems[p])

  return emb_kernel


_emb_kernel = _make_kernel()


@jax.jit
def kernel(x, table):
  xt = (
      x.astype(jnp.int32)
      .T.reshape(25, 8, TI, IDX_W)
      .transpose(0, 2, 1, 3)
      .reshape(N_UNITS, IDX_W)
  )
  out = _emb_kernel(xt, table)
  return out.transpose(2, 4, 0, 1, 3).reshape(B, S, D_MODEL)

# --- scband reference (transcript-rebuilt; emitter-appended) ---
"""Pipeline reference for scband-input-embeddings-59382217834678 (READ-ONLY COPY).

The authoritative reference and input builder live on the scoring server;
editing this copy changes nothing except your own understanding.
"""

import jax, jax.numpy as jnp
import numpy as np
import math

D_MODEL = 64
VOCAB_SIZE = 1000000

def setup_inputs(seed: int = 0) -> dict:
    key = jax.random.key(seed)
    k1, k2 = jax.random.split(key)
    x = jax.random.randint(k1, (4096, 200), 0, VOCAB_SIZE, dtype=jnp.int64 if jax.config.jax_enable_x64 else jnp.int32)
    table = jax.random.normal(k2, (VOCAB_SIZE, D_MODEL), dtype=jnp.float32)
    return {"x": x, "table": table}

def reference(x, table):
    # embedding lookup then scale by sqrt(d_model)
    emb = jnp.take(table, x, axis=0)
    return emb * math.sqrt(D_MODEL)

if __name__ == "__main__":
    import jax
    _d = setup_inputs()
    print(jax.jit(kernel)(*tuple(_d.values())))

</pallas_src>

<mosaic_0001>
#map = affine_map<(d0, d1) -> (0, 0)>
#map1 = affine_map<(d0, d1) -> (0, 0, 0, 0, 0)>
module attributes {stable_mosaic.version = 14 : i64} {
  func.func @emb_kernel(%arg0: i32, %arg1: i32, %arg2: memref<6400x128xi32, #tpu.memory_space<hbm>>, %arg3: memref<1000000x64xf32, #tpu.memory_space<hbm>>, %arg4: memref<200x8x32x8x128xf32, #tpu.memory_space<hbm>>, %arg5: memref<200x128xi32, #tpu.memory_space<vmem>>, %arg6: memref<128x64xf32, #tpu.memory_space<vmem>>, %arg7: memref<128x64xf32, #tpu.memory_space<vmem>>, %arg8: memref<128x64xf32, #tpu.memory_space<vmem>>, %arg9: memref<128x64xf32, #tpu.memory_space<vmem>>, %arg10: memref<8x8x129xf32, #tpu.memory_space<vmem>>, %arg11: memref<8x8x129xf32, #tpu.memory_space<vmem>>, %arg12: memref<8x8x129xf32, #tpu.memory_space<vmem>>, %arg13: memref<8x8x129xf32, #tpu.memory_space<vmem>>, %arg14: memref<!tpu.dma_semaphore, #tpu.memory_space<semaphore_mem>>, %arg15: memref<!tpu.dma_semaphore, #tpu.memory_space<semaphore_mem>>, %arg16: memref<!tpu.dma_semaphore, #tpu.memory_space<semaphore_mem>>, %arg17: memref<!tpu.dma_semaphore, #tpu.memory_space<semaphore_mem>>, %arg18: memref<!tpu.dma_semaphore, #tpu.memory_space<semaphore_mem>>, %arg19: memref<!tpu.dma_semaphore, #tpu.memory_space<semaphore_mem>>, %arg20: memref<!tpu.dma_semaphore, #tpu.memory_space<semaphore_mem>>, %arg21: memref<!tpu.dma_semaphore, #tpu.memory_space<semaphore_mem>>) attributes {dimension_semantics = [#tpu.dimension_semantics<core_parallel>, #tpu.dimension_semantics<subcore_parallel>], iteration_bounds = array<i64: 2, 16>, scalar_prefetch = 0 : i64, scratch_operands = 17 : i64, tpu.core_type = #tpu.core_type<sc_vector_subcore>, window_params = [{transform_indices = #map}, {transform_indices = #map}, {transform_indices = #map1}]} {
    %mul3A = arith.constant 2 : i32
    %mul3A_0 = arith.muli %arg1, %mul3A : i32
    %add3A = arith.addi %mul3A_0, %arg0 : i32
    %mul3A_1 = arith.constant 200 : i32
    %mul3A_2 = arith.muli %add3A, %mul3A_1 : i32
    "tpu.region"() ({
      %run_scoped3A = tpu.sem_alloc : memref<!tpu.dma_semaphore, #tpu.memory_space<semaphore_mem>>
      %dma_start3A_100 = arith.constant 0 : i32
      %dma_start3A_101 = tpu.memref_slice %arg2[%mul3A_2, %dma_start3A_100] : memref<6400x128xi32, #tpu.memory_space<hbm>> -> memref<200x128xi32, #tpu.memory_space<hbm>>
      %dma_start3A_102 = arith.constant 0 : i32
      %dma_start3A_103 = tpu.memref_slice %arg2[%mul3A_2, %dma_start3A_102] : memref<6400x128xi32, #tpu.memory_space<hbm>> -> memref<200x128xi32, #tpu.memory_space<hbm>>
      tpu.enqueue_dma source(%dma_start3A_103 : memref<200x128xi32, #tpu.memory_space<hbm>>) target(%arg5 : memref<200x128xi32, #tpu.memory_space<vmem>>) target_semaphore(%run_scoped3A : memref<!tpu.dma_semaphore, #tpu.memory_space<semaphore_mem>>)
      %dma_wait3A_104 = arith.constant 0 : i32
      %dma_wait3A_105 = tpu.memref_slice %arg2[%mul3A_2, %dma_wait3A_104] : memref<6400x128xi32, #tpu.memory_space<hbm>> -> memref<200x128xi32, #tpu.memory_space<hbm>>
      %dma_wait3A_106 = arith.constant 0 : i32
      %dma_wait3A_107 = tpu.memref_slice %arg2[%mul3A_2, %dma_wait3A_106] : memref<6400x128xi32, #tpu.memory_space<hbm>> -> memref<200x128xi32, #tpu.memory_space<hbm>>
      tpu.wait_dma2 semaphore(%run_scoped3A : memref<!tpu.dma_semaphore, #tpu.memory_space<semaphore_mem>>) src(%dma_wait3A_107 : memref<200x128xi32, #tpu.memory_space<hbm>>) dst(%arg5 : memref<200x128xi32, #tpu.memory_space<vmem>>)
      tpu.yield
    }) : () -> ()
    %dma_start3A = arith.constant 0 : i32
    %dma_start3A_3 = arith.constant 0 : i32
    %dma_start3A_4 = tpu.memref_slice %arg5[%dma_start3A, %dma_start3A_3] : memref<200x128xi32, #tpu.memory_space<vmem>> -> memref<1x128xi32, #tpu.memory_space<vmem>>
    %dma_start3A_5 = tpu.memref_squeeze %dma_start3A_4 : memref<1x128xi32, #tpu.memory_space<vmem>> -> memref<128xi32, #tpu.memory_space<vmem>>
    %dma_start3A_6 = arith.constant 0 : i32
    %dma_start3A_7 = arith.constant 0 : i32
    %dma_start3A_8 = tpu.memref_slice %arg3[%dma_start3A_6, %dma_start3A_7] : memref<1000000x64xf32, #tpu.memory_space<hbm>> -> memref<1000000x64xf32, #tpu.memory_space<hbm>>
    tpu.enqueue_indirect_dma source(%dma_start3A_8 : memref<1000000x64xf32, #tpu.memory_space<hbm>>) target(%arg6 : memref<128x64xf32, #tpu.memory_space<vmem>>) offsets(%dma_start3A_5 : memref<128xi32, #tpu.memory_space<vmem>>) semaphore(%arg14 : memref<!tpu.dma_semaphore, #tpu.memory_space<semaphore_mem>>)
    %dma_start3A_9 = arith.constant 1 : i32
    %dma_start3A_10 = arith.constant 0 : i32
    %dma_start3A_11 = tpu.memref_slice %arg5[%dma_start3A_9, %dma_start3A_10] : memref<200x128xi32, #tpu.memory_space<vmem>> -> memref<1x128xi32, #tpu.memory_space<vmem>>
    %dma_start3A_12 = tpu.memref_squeeze %dma_start3A_11 : memref<1x128xi32, #tpu.memory_space<vmem>> -> memref<128xi32, #tpu.memory_space<vmem>>
    %dma_start3A_13 = arith.constant 0 : i32
    %dma_start3A_14 = arith.constant 0 : i32
    %dma_start3A_15 = tpu.memref_slice %arg3[%dma_start3A_13, %dma_start3A_14] : memref<1000000x64xf32, #tpu.memory_space<hbm>> -> memref<1000000x64xf32, #tpu.memory_space<hbm>>
    tpu.enqueue_indirect_dma source(%dma_start3A_15 : memref<1000000x64xf32, #tpu.memory_space<hbm>>) target(%arg7 : memref<128x64xf32, #tpu.memory_space<vmem>>) offsets(%dma_start3A_12 : memref<128xi32, #tpu.memory_space<vmem>>) semaphore(%arg15 : memref<!tpu.dma_semaphore, #tpu.memory_space<semaphore_mem>>)
    %scan3A = arith.constant 0 : i32
    %scan3A_16 = arith.constant 0 : i32
    %scan3A_17 = arith.constant 50 : i32
    %scan3A_18 = arith.addi %scan3A_16, %scan3A_17 : i32
    %scan3A_19 = arith.constant 1 : i32
    scf.for %scan3A_100 = %scan3A_16 to %scan3A_18 step %scan3A_19  : i32 {
      %mul3A_101 = arith.constant 4 : i32
      %mul3A_102 = arith.muli %scan3A_100, %mul3A_101 : i32
      %add3A_103 = arith.constant 0 : i32
      %add3A_104 = arith.addi %mul3A_102, %add3A_103 : i32
      %add3A_105 = arith.constant 2 : i32
      %add3A_106 = arith.addi %add3A_104, %add3A_105 : i32
      %dma_start3A_107 = arith.constant 0 : i32
      %dma_start3A_108 = tpu.memref_slice %arg5[%add3A_106, %dma_start3A_107] : memref<200x128xi32, #tpu.memory_space<vmem>> -> memref<1x128xi32, #tpu.memory_space<vmem>>
      %dma_start3A_109 = tpu.memref_squeeze %dma_start3A_108 : memref<1x128xi32, #tpu.memory_space<vmem>> -> memref<128xi32, #tpu.memory_space<vmem>>
      %dma_start3A_110 = arith.constant 0 : i32
      %dma_start3A_111 = arith.constant 0 : i32
      %dma_start3A_112 = tpu.memref_slice %arg3[%dma_start3A_110, %dma_start3A_111] : memref<1000000x64xf32, #tpu.memory_space<hbm>> -> memref<1000000x64xf32, #tpu.memory_space<hbm>>
      tpu.enqueue_indirect_dma source(%dma_start3A_112 : memref<1000000x64xf32, #tpu.memory_space<hbm>>) target(%arg8 : memref<128x64xf32, #tpu.memory_space<vmem>>) offsets(%dma_start3A_109 : memref<128xi32, #tpu.memory_space<vmem>>) semaphore(%arg16 : memref<!tpu.dma_semaphore, #tpu.memory_space<semaphore_mem>>)
      %dma_wait3A_113 = arith.constant 0 : i32
      %dma_wait3A_114 = arith.constant 0 : i32
      %dma_wait3A_115 = tpu.memref_slice %arg5[%dma_wait3A_113, %dma_wait3A_114] : memref<200x128xi32, #tpu.memory_space<vmem>> -> memref<1x128xi32, #tpu.memory_space<vmem>>
      %dma_wait3A_116 = tpu.memref_squeeze %dma_wait3A_115 : memref<1x128xi32, #tpu.memory_space<vmem>> -> memref<128xi32, #tpu.memory_space<vmem>>
      %dma_wait3A_117 = arith.constant 0 : i32
      %dma_wait3A_118 = arith.constant 0 : i32
      %dma_wait3A_119 = tpu.memref_slice %arg3[%dma_wait3A_117, %dma_wait3A_118] : memref<1000000x64xf32, #tpu.memory_space<hbm>> -> memref<1000000x64xf32, #tpu.memory_space<hbm>>
      tpu.wait_indirect_dma semaphore(%arg14 : memref<!tpu.dma_semaphore, #tpu.memory_space<semaphore_mem>>) src(%dma_wait3A_119 : memref<1000000x64xf32, #tpu.memory_space<hbm>>) dst(%arg6 : memref<128x64xf32, #tpu.memory_space<vmem>>)
      %gt3A = arith.constant 0 : i32
      %gt3A_120 = arith.cmpi sgt, %scan3A_100, %gt3A : i32
      %convert_element_type3A = arith.extui %gt3A_120 : i1 to i32
      %cond3A = arith.constant 0 : i32
      %cond3A_121 = arith.cmpi ne, %convert_element_type3A, %cond3A : i32
      scf.if %cond3A_121 {
        %dma_wait3A_486 = arith.constant 0 : i32
        %dma_wait3A_487 = arith.constant 0 : i32
        %dma_wait3A_488 = arith.constant 0 : i32
        %dma_wait3A_489 = arith.constant 0 : i32
        %dma_wait3A_490 = arith.constant 0 : i32
        %dma_wait3A_491 = tpu.memref_slice %arg10[%dma_wait3A_488, %dma_wait3A_489, %dma_wait3A_490] : memref<8x8x129xf32, #tpu.memory_space<vmem>> -> memref<8x8x128xf32, #tpu.memory_space<vmem>>
        %dma_wait3A_492 = arith.constant 0 : i32
        %dma_wait3A_493 = arith.constant 0 : i32
        %dma_wait3A_494 = arith.constant 0 : i32
        %dma_wait3A_495 = tpu.memref_slice %arg4[%dma_wait3A_486, %dma_wait3A_492, %dma_wait3A_487, %dma_wait3A_493, %dma_wait3A_494] : memref<200x8x32x8x128xf32, #tpu.memory_space<hbm>> -> memref<1x8x1x8x128xf32, #tpu.memory_space<hbm>>
        %dma_wait3A_496 = tpu.memref_squeeze %dma_wait3A_495 : memref<1x8x1x8x128xf32, #tpu.memory_space<hbm>> -> memref<8x8x128xf32, #tpu.memory_space<hbm>>
        %dma_wait3A_497 = arith.constant 0 : i32
        %dma_wait3A_498 = arith.constant 0 : i32
        %dma_wait3A_499 = arith.constant 0 : i32
        %dma_wait3A_500 = tpu.memref_slice %arg4[%dma_wait3A_486, %dma_wait3A_497, %dma_wait3A_487, %dma_wait3A_498, %dma_wait3A_499] : memref<200x8x32x8x128xf32, #tpu.memory_space<hbm>> -> memref<1x8x1x8x128xf32, #tpu.memory_space<hbm>>
        %dma_wait3A_501 = tpu.memref_squeeze %dma_wait3A_500 : memref<1x8x1x8x128xf32, #tpu.memory_space<hbm>> -> memref<8x8x128xf32, #tpu.memory_space<hbm>>
        %dma_wait3A_502 = arith.constant 0 : i32
        %dma_wait3A_503 = arith.constant 0 : i32
        %dma_wait3A_504 = arith.constant 0 : i32
        %dma_wait3A_505 = tpu.memref_slice %arg10[%dma_wait3A_502, %dma_wait3A_503, %dma_wait3A_504] : memref<8x8x129xf32, #tpu.memory_space<vmem>> -> memref<8x8x128xf32, #tpu.memory_space<vmem>>
        tpu.wait_dma2 semaphore(%arg18 : memref<!tpu.dma_semaphore, #tpu.memory_space<semaphore_mem>>) src(%dma_wait3A_505 : memref<8x8x128xf32, #tpu.memory_space<vmem>>) dst(%dma_wait3A_501 : memref<8x8x128xf32, #tpu.memory_space<hbm>>)
      } else {
      }
      %parallel_loop3A = arith.constant 0 : i32
      %parallel_loop3A_122 = arith.constant 128 : i32
      %parallel_loop3A_123 = arith.constant 1 : i32
      scf.for %parallel_loop3A_486 = %parallel_loop3A to %parallel_loop3A_122 step %parallel_loop3A_123  : i32 {
        %parallel_loop3A_487 = arith.constant 0 : i32
        %parallel_loop3A_488 = vector.broadcast %parallel_loop3A_487 : i32 to vector<16xi32>
        %parallel_loop3A_489 = vector.broadcast %parallel_loop3A_486 : i32 to vector<16xi32>
        %parallel_loop3A_490 = arith.addi %parallel_loop3A_488, %parallel_loop3A_489 : vector<16xi32>
        %parallel_loop3A_491 = tpu.iota {dimensions = array<i32: 0>} : vector<16xi32>
        %parallel_loop3A_492 = arith.constant 0 : i32
        %parallel_loop3A_493 = vector.broadcast %parallel_loop3A_492 : i32 to vector<16xi32>
        %parallel_loop3A_494 = arith.addi %parallel_loop3A_491, %parallel_loop3A_493 : vector<16xi32>
        %parallel_loop3A_495 = arith.index_cast %parallel_loop3A_486 : i32 to index
        %parallel_loop3A_496 = arith.constant 0 : index
        %parallel_loop3A_497 = tpu.vector_load %arg6[%parallel_loop3A_495, %parallel_loop3A_496] {strides = array<i32>} : memref<128x64xf32, #tpu.memory_space<vmem>>, vector<16xf32>,
        %parallel_loop3A_498 = arith.constant 8 : i32
        %parallel_loop3A_499 = vector.broadcast %parallel_loop3A_498 : i32 to vector<16xi32>
        %parallel_loop3A_500 = arith.divsi %parallel_loop3A_494, %parallel_loop3A_499 : vector<16xi32>
        %parallel_loop3A_501 = arith.constant 0 : i32
        %parallel_loop3A_502 = vector.broadcast %parallel_loop3A_501 : i32 to vector<16xi32>
        %parallel_loop3A_503 = arith.cmpi sgt, %parallel_loop3A_494, %parallel_loop3A_502 : vector<16xi32>
        %parallel_loop3A_504 = arith.extui %parallel_loop3A_503 : vector<16xi1> to vector<16xi32>
        %parallel_loop3A_505 = arith.constant 0 : i32
        %parallel_loop3A_506 = vector.broadcast %parallel_loop3A_505 : i32 to vector<16xi32>
        %parallel_loop3A_507 = arith.cmpi slt, %parallel_loop3A_494, %parallel_loop3A_506 : vector<16xi32>
        %parallel_loop3A_508 = arith.extui %parallel_loop3A_507 : vector<16xi1> to vector<16xi32>
        %parallel_loop3A_509 = arith.subi %parallel_loop3A_504, %parallel_loop3A_508 : vector<16xi32>
        %parallel_loop3A_510 = arith.constant 0 : i32
        %parallel_loop3A_511 = arith.cmpi sgt, %parallel_loop3A_498, %parallel_loop3A_510 : i32
        %parallel_loop3A_512 = arith.extui %parallel_loop3A_511 : i1 to i32
        %parallel_loop3A_513 = arith.constant 0 : i32
        %parallel_loop3A_514 = arith.cmpi slt, %parallel_loop3A_498, %parallel_loop3A_513 : i32
        %parallel_loop3A_515 = arith.extui %parallel_loop3A_514 : i1 to i32
        %parallel_loop3A_516 = arith.subi %parallel_loop3A_512, %parallel_loop3A_515 : i32
        %parallel_loop3A_517 = vector.broadcast %parallel_loop3A_516 : i32 to vector<16xi32>
        %parallel_loop3A_518 = arith.cmpi ne, %parallel_loop3A_509, %parallel_loop3A_517 : vector<16xi32>
        %parallel_loop3A_519 = vector.broadcast %parallel_loop3A_498 : i32 to vector<16xi32>
        %parallel_loop3A_520 = arith.remsi %parallel_loop3A_494, %parallel_loop3A_519 : vector<16xi32>
        %parallel_loop3A_521 = arith.constant 0 : i32
        %parallel_loop3A_522 = vector.broadcast %parallel_loop3A_521 : i32 to vector<16xi32>
        %parallel_loop3A_523 = arith.cmpi ne, %parallel_loop3A_520, %parallel_loop3A_522 : vector<16xi32>
        %parallel_loop3A_524 = arith.andi %parallel_loop3A_518, %parallel_loop3A_523 : vector<16xi1>
        %parallel_loop3A_525 = arith.constant 1 : i32
        %parallel_loop3A_526 = vector.broadcast %parallel_loop3A_525 : i32 to vector<16xi32>
        %parallel_loop3A_527 = arith.subi %parallel_loop3A_500, %parallel_loop3A_526 : vector<16xi32>
        %parallel_loop3A_528 = arith.select %parallel_loop3A_524, %parallel_loop3A_527, %parallel_loop3A_500 : vector<16xi1>, vector<16xi32>
        %parallel_loop3A_529 = arith.constant 8 : i32
        %parallel_loop3A_530 = vector.broadcast %parallel_loop3A_529 : i32 to vector<16xi32>
        %parallel_loop3A_531 = arith.remsi %parallel_loop3A_494, %parallel_loop3A_530 : vector<16xi32>
        %parallel_loop3A_532 = arith.constant 8.000000e+00 : f32
        %parallel_loop3A_533 = vector.broadcast %parallel_loop3A_532 : f32 to vector<16xf32>
        %parallel_loop3A_534 = arith.mulf %parallel_loop3A_497, %parallel_loop3A_533 : vector<16xf32>
        tpu.vector_store_idx %arg10[%parallel_loop3A_528, %parallel_loop3A_531, %parallel_loop3A_490], %parallel_loop3A_534 : memref<8x8x129xf32, #tpu.memory_space<vmem>>[vector<16xi32>, vector<16xi32>, vector<16xi32>], vector<16xf32>,
        %parallel_loop3A_535 = tpu.iota {dimensions = array<i32: 0>} : vector<16xi32>
        %parallel_loop3A_536 = arith.constant 16 : i32
        %parallel_loop3A_537 = vector.broadcast %parallel_loop3A_536 : i32 to vector<16xi32>
        %parallel_loop3A_538 = arith.addi %parallel_loop3A_535, %parallel_loop3A_537 : vector<16xi32>
        %parallel_loop3A_539 = arith.index_cast %parallel_loop3A_486 : i32 to index
        %parallel_loop3A_540 = arith.constant 16 : index
        %parallel_loop3A_541 = tpu.vector_load %arg6[%parallel_loop3A_539, %parallel_loop3A_540] {strides = array<i32>} : memref<128x64xf32, #tpu.memory_space<vmem>>, vector<16xf32>,
        %parallel_loop3A_542 = arith.constant 8 : i32
        %parallel_loop3A_543 = vector.broadcast %parallel_loop3A_542 : i32 to vector<16xi32>
        %parallel_loop3A_544 = arith.divsi %parallel_loop3A_538, %parallel_loop3A_543 : vector<16xi32>
        %parallel_loop3A_545 = arith.constant 0 : i32
        %parallel_loop3A_546 = vector.broadcast %parallel_loop3A_545 : i32 to vector<16xi32>
        %parallel_loop3A_547 = arith.cmpi sgt, %parallel_loop3A_538, %parallel_loop3A_546 : vector<16xi32>
        %parallel_loop3A_548 = arith.extui %parallel_loop3A_547 : vector<16xi1> to vector<16xi32>
        %parallel_loop3A_549 = arith.constant 0 : i32
        %parallel_loop3A_550 = vector.broadcast %parallel_loop3A_549 : i32 to vector<16xi32>
        %parallel_loop3A_551 = arith.cmpi slt, %parallel_loop3A_538, %parallel_loop3A_550 : vector<16xi32>
        %parallel_loop3A_552 = arith.extui %parallel_loop3A_551 : vector<16xi1> to vector<16xi32>
        %parallel_loop3A_553 = arith.subi %parallel_loop3A_548, %parallel_loop3A_552 : vector<16xi32>
        %parallel_loop3A_554 = arith.constant 0 : i32
        %parallel_loop3A_555 = arith.cmpi sgt, %parallel_loop3A_542, %parallel_loop3A_554 : i32
        %parallel_loop3A_556 = arith.extui %parallel_loop3A_555 : i1 to i32
        %parallel_loop3A_557 = arith.constant 0 : i32
        %parallel_loop3A_558 = arith.cmpi slt, %parallel_loop3A_542, %parallel_loop3A_557 : i32
        %parallel_loop3A_559 = arith.extui %parallel_loop3A_558 : i1 to i32
        %parallel_loop3A_560 = arith.subi %parallel_loop3A_556, %parallel_loop3A_559 : i32
        %parallel_loop3A_561 = vector.broadcast %parallel_loop3A_560 : i32 to vector<16xi32>
        %parallel_loop3A_562 = arith.cmpi ne, %parallel_loop3A_553, %parallel_loop3A_561 : vector<16xi32>
        %parallel_loop3A_563 = vector.broadcast %parallel_loop3A_542 : i32 to vector<16xi32>
        %parallel_loop3A_564 = arith.remsi %parallel_loop3A_538, %parallel_loop3A_563 : vector<16xi32>
        %parallel_loop3A_565 = arith.constant 0 : i32
        %parallel_loop3A_566 = vector.broadcast %parallel_loop3A_565 : i32 to vector<16xi32>
        %parallel_loop3A_567 = arith.cmpi ne, %parallel_loop3A_564, %parallel_loop3A_566 : vector<16xi32>
        %parallel_loop3A_568 = arith.andi %parallel_loop3A_562, %parallel_loop3A_567 : vector<16xi1>
        %parallel_loop3A_569 = arith.constant 1 : i32
        %parallel_loop3A_570 = vector.broadcast %parallel_loop3A_569 : i32 to vector<16xi32>
        %parallel_loop3A_571 = arith.subi %parallel_loop3A_544, %parallel_loop3A_570 : vector<16xi32>
        %parallel_loop3A_572 = arith.select %parallel_loop3A_568, %parallel_loop3A_571, %parallel_loop3A_544 : vector<16xi1>, vector<16xi32>
        %parallel_loop3A_573 = arith.constant 8 : i32
        %parallel_loop3A_574 = vector.broadcast %parallel_loop3A_573 : i32 to vector<16xi32>
        %parallel_loop3A_575 = arith.remsi %parallel_loop3A_538, %parallel_loop3A_574 : vector<16xi32>
        %parallel_loop3A_576 = arith.constant 8.000000e+00 : f32
        %parallel_loop3A_577 = vector.broadcast %parallel_loop3A_576 : f32 to vector<16xf32>
        %parallel_loop3A_578 = arith.mulf %parallel_loop3A_541, %parallel_loop3A_577 : vector<16xf32>
        tpu.vector_store_idx %arg10[%parallel_loop3A_572, %parallel_loop3A_575, %parallel_loop3A_490], %parallel_loop3A_578 : memref<8x8x129xf32, #tpu.memory_space<vmem>>[vector<16xi32>, vector<16xi32>, vector<16xi32>], vector<16xf32>,
        %parallel_loop3A_579 = tpu.iota {dimensions = array<i32: 0>} : vector<16xi32>
        %parallel_loop3A_580 = arith.constant 32 : i32
        %parallel_loop3A_581 = vector.broadcast %parallel_loop3A_580 : i32 to vector<16xi32>
        %parallel_loop3A_582 = arith.addi %parallel_loop3A_579, %parallel_loop3A_581 : vector<16xi32>
        %parallel_loop3A_583 = arith.index_cast %parallel_loop3A_486 : i32 to index
        %parallel_loop3A_584 = arith.constant 32 : index
        %parallel_loop3A_585 = tpu.vector_load %arg6[%parallel_loop3A_583, %parallel_loop3A_584] {strides = array<i32>} : memref<128x64xf32, #tpu.memory_space<vmem>>, vector<16xf32>,
        %parallel_loop3A_586 = arith.constant 8 : i32
        %parallel_loop3A_587 = vector.broadcast %parallel_loop3A_586 : i32 to vector<16xi32>
        %parallel_loop3A_588 = arith.divsi %parallel_loop3A_582, %parallel_loop3A_587 : vector<16xi32>
        %parallel_loop3A_589 = arith.constant 0 : i32
        %parallel_loop3A_590 = vector.broadcast %parallel_loop3A_589 : i32 to vector<16xi32>
        %parallel_loop3A_591 = arith.cmpi sgt, %parallel_loop3A_582, %parallel_loop3A_590 : vector<16xi32>
        %parallel_loop3A_592 = arith.extui %parallel_loop3A_591 : vector<16xi1> to vector<16xi32>
        %parallel_loop3A_593 = arith.constant 0 : i32
        %parallel_loop3A_594 = vector.broadcast %parallel_loop3A_593 : i32 to vector<16xi32>
        %parallel_loop3A_595 = arith.cmpi slt, %parallel_loop3A_582, %parallel_loop3A_594 : vector<16xi32>
        %parallel_loop3A_596 = arith.extui %parallel_loop3A_595 : vector<16xi1> to vector<16xi32>
        %parallel_loop3A_597 = arith.subi %parallel_loop3A_592, %parallel_loop3A_596 : vector<16xi32>
        %parallel_loop3A_598 = arith.constant 0 : i32
        %parallel_loop3A_599 = arith.cmpi sgt, %parallel_loop3A_586, %parallel_loop3A_598 : i32
        %parallel_loop3A_600 = arith.extui %parallel_loop3A_599 : i1 to i32
        %parallel_loop3A_601 = arith.constant 0 : i32
        %parallel_loop3A_602 = arith.cmpi slt, %parallel_loop3A_586, %parallel_loop3A_601 : i32
        %parallel_loop3A_603 = arith.extui %parallel_loop3A_602 : i1 to i32
        %parallel_loop3A_604 = arith.subi %parallel_loop3A_600, %parallel_loop3A_603 : i32
        %parallel_loop3A_605 = vector.broadcast %parallel_loop3A_604 : i32 to vector<16xi32>
        %parallel_loop3A_606 = arith.cmpi ne, %parallel_loop3A_597, %parallel_loop3A_605 : vector<16xi32>
        %parallel_loop3A_607 = vector.broadcast %parallel_loop3A_586 : i32 to vector<16xi32>
        %parallel_loop3A_608 = arith.remsi %parallel_loop3A_582, %parallel_loop3A_607 : vector<16xi32>
        %parallel_loop3A_609 = arith.constant 0 : i32
        %parallel_loop3A_610 = vector.broadcast %parallel_loop3A_609 : i32 to vector<16xi32>
        %parallel_loop3A_611 = arith.cmpi ne, %parallel_loop3A_608, %parallel_loop3A_610 : vector<16xi32>
        %parallel_loop3A_612 = arith.andi %parallel_loop3A_606, %parallel_loop3A_611 : vector<16xi1>
        %parallel_loop3A_613 = arith.constant 1 : i32
        %parallel_loop3A_614 = vector.broadcast %parallel_loop3A_613 : i32 to vector<16xi32>
        %parallel_loop3A_615 = arith.subi %parallel_loop3A_588, %parallel_loop3A_614 : vector<16xi32>
        %parallel_loop3A_616 = arith.select %parallel_loop3A_612, %parallel_loop3A_615, %parallel_loop3A_588 : vector<16xi1>, vector<16xi32>
        %parallel_loop3A_617 = arith.constant 8 : i32
        %parallel_loop3A_618 = vector.broadcast %parallel_loop3A_617 : i32 to vector<16xi32>
        %parallel_loop3A_619 = arith.remsi %parallel_loop3A_582, %parallel_loop3A_618 : vector<16xi32>
        %parallel_loop3A_620 = arith.constant 8.000000e+00 : f32
        %parallel_loop3A_621 = vector.broadcast %parallel_loop3A_620 : f32 to vector<16xf32>
        %parallel_loop3A_622 = arith.mulf %parallel_loop3A_585, %parallel_loop3A_621 : vector<16xf32>
        tpu.vector_store_idx %arg10[%parallel_loop3A_616, %parallel_loop3A_619, %parallel_loop3A_490], %parallel_loop3A_622 : memref<8x8x129xf32, #tpu.memory_space<vmem>>[vector<16xi32>, vector<16xi32>, vector<16xi32>], vector<16xf32>,
        %parallel_loop3A_623 = tpu.iota {dimensions = array<i32: 0>} : vector<16xi32>
        %parallel_loop3A_624 = arith.constant 48 : i32
        %parallel_loop3A_625 = vector.broadcast %parallel_loop3A_624 : i32 to vector<16xi32>
        %parallel_loop3A_626 = arith.addi %parallel_loop3A_623, %parallel_loop3A_625 : vector<16xi32>
        %parallel_loop3A_627 = arith.index_cast %parallel_loop3A_486 : i32 to index
        %parallel_loop3A_628 = arith.constant 48 : index
        %parallel_loop3A_629 = tpu.vector_load %arg6[%parallel_loop3A_627, %parallel_loop3A_628] {strides = array<i32>} : memref<128x64xf32, #tpu.memory_space<vmem>>, vector<16xf32>,
        %parallel_loop3A_630 = arith.constant 8 : i32
        %parallel_loop3A_631 = vector.broadcast %parallel_loop3A_630 : i32 to vector<16xi32>
        %parallel_loop3A_632 = arith.divsi %parallel_loop3A_626, %parallel_loop3A_631 : vector<16xi32>
        %parallel_loop3A_633 = arith.constant 0 : i32
        %parallel_loop3A_634 = vector.broadcast %parallel_loop3A_633 : i32 to vector<16xi32>
        %parallel_loop3A_635 = arith.cmpi sgt, %parallel_loop3A_626, %parallel_loop3A_634 : vector<16xi32>
        %parallel_loop3A_636 = arith.extui %parallel_loop3A_635 : vector<16xi1> to vector<16xi32>
        %parallel_loop3A_637 = arith.constant 0 : i32
        %parallel_loop3A_638 = vector.broadcast %parallel_loop3A_637 : i32 to vector<16xi32>
        %parallel_loop3A_639 = arith.cmpi slt, %parallel_loop3A_626, %parallel_loop3A_638 : vector<16xi32>
        %parallel_loop3A_640 = arith.extui %parallel_loop3A_639 : vector<16xi1> to vector<16xi32>
        %parallel_loop3A_641 = arith.subi %parallel_loop3A_636, %parallel_loop3A_640 : vector<16xi32>
        %parallel_loop3A_642 = arith.constant 0 : i32
        %parallel_loop3A_643 = arith.cmpi sgt, %parallel_loop3A_630, %parallel_loop3A_642 : i32
        %parallel_loop3A_644 = arith.extui %parallel_loop3A_643 : i1 to i32
        %parallel_loop3A_645 = arith.constant 0 : i32
        %parallel_loop3A_646 = arith.cmpi slt, %parallel_loop3A_630, %parallel_loop3A_645 : i32
        %parallel_loop3A_647 = arith.extui %parallel_loop3A_646 : i1 to i32
        %parallel_loop3A_648 = arith.subi %parallel_loop3A_644, %parallel_loop3A_647 : i32
        %parallel_loop3A_649 = vector.broadcast %parallel_loop3A_648 : i32 to vector<16xi32>
        %parallel_loop3A_650 = arith.cmpi ne, %parallel_loop3A_641, %parallel_loop3A_649 : vector<16xi32>
        %parallel_loop3A_651 = vector.broadcast %parallel_loop3A_630 : i32 to vector<16xi32>
        %parallel_loop3A_652 = arith.remsi %parallel_loop3A_626, %parallel_loop3A_651 : vector<16xi32>
        %parallel_loop3A_653 = arith.constant 0 : i32
        %parallel_loop3A_654 = vector.broadcast %parallel_loop3A_653 : i32 to vector<16xi32>
        %parallel_loop3A_655 = arith.cmpi ne, %parallel_loop3A_652, %parallel_loop3A_654 : vector<16xi32>
        %parallel_loop3A_656 = arith.andi %parallel_loop3A_650, %parallel_loop3A_655 : vector<16xi1>
        %parallel_loop3A_657 = arith.constant 1 : i32
        %parallel_loop3A_658 = vector.broadcast %parallel_loop3A_657 : i32 to vector<16xi32>
        %parallel_loop3A_659 = arith.subi %parallel_loop3A_632, %parallel_loop3A_658 : vector<16xi32>
        %parallel_loop3A_660 = arith.select %parallel_loop3A_656, %parallel_loop3A_659, %parallel_loop3A_632 : vector<16xi1>, vector<16xi32>
        %parallel_loop3A_661 = arith.constant 8 : i32
        %parallel_loop3A_662 = vector.broadcast %parallel_loop3A_661 : i32 to vector<16xi32>
        %parallel_loop3A_663 = arith.remsi %parallel_loop3A_626, %parallel_loop3A_662 : vector<16xi32>
        %parallel_loop3A_664 = arith.constant 8.000000e+00 : f32
        %parallel_loop3A_665 = vector.broadcast %parallel_loop3A_664 : f32 to vector<16xf32>
        %parallel_loop3A_666 = arith.mulf %parallel_loop3A_629, %parallel_loop3A_665 : vector<16xf32>
        tpu.vector_store_idx %arg10[%parallel_loop3A_660, %parallel_loop3A_663, %parallel_loop3A_490], %parallel_loop3A_666 : memref<8x8x129xf32, #tpu.memory_space<vmem>>[vector<16xi32>, vector<16xi32>, vector<16xi32>], vector<16xf32>,
      } {sc.loop_unroll_factor = 2 : i64, sc.parallel_access}
      %add3A_124 = arith.addi %mul3A_2, %add3A_104 : i32
      %jit3A = arith.constant 256 : i32
      %div3A = arith.divsi %add3A_124, %jit3A : i32
      %sign3A = arith.constant 0 : i32
      %sign3A_125 = arith.cmpi sgt, %add3A_124, %sign3A : i32
      %sign3A_126 = arith.extui %sign3A_125 : i1 to i32
      %sign3A_127 = arith.constant 0 : i32
      %sign3A_128 = arith.cmpi slt, %add3A_124, %sign3A_127 : i32
      %sign3A_129 = arith.extui %sign3A_128 : i1 to i32
      %sign3A_130 = arith.subi %sign3A_126, %sign3A_129 : i32
      %sign3A_131 = arith.constant 0 : i32
      %sign3A_132 = arith.cmpi sgt, %jit3A, %sign3A_131 : i32
      %sign3A_133 = arith.extui %sign3A_132 : i1 to i32
      %sign3A_134 = arith.constant 0 : i32
      %sign3A_135 = arith.cmpi slt, %jit3A, %sign3A_134 : i32
      %sign3A_136 = arith.extui %sign3A_135 : i1 to i32
      %sign3A_137 = arith.subi %sign3A_133, %sign3A_136 : i32
      %ne3A = arith.cmpi ne, %sign3A_130, %sign3A_137 : i32
      %rem3A = arith.remsi %add3A_124, %jit3A : i32
      %ne3A_138 = arith.constant 0 : i32
      %ne3A_139 = arith.cmpi ne, %rem3A, %ne3A_138 : i32
      %and3A = arith.andi %ne3A, %ne3A_139 : i1
      %sub3A = arith.constant 1 : i32
      %sub3A_140 = arith.subi %div3A, %sub3A : i32
      %select_n3A = arith.select %and3A, %sub3A_140, %div3A : i32
      %mul3A_141 = arith.constant 8 : i32
      %mul3A_142 = arith.muli %select_n3A, %mul3A_141 : i32
      %rem3A_143 = arith.constant 8 : i32
      %rem3A_144 = arith.remsi %add3A_124, %rem3A_143 : i32
      %add3A_145 = arith.addi %mul3A_142, %rem3A_144 : i32
      %jit3A_146 = arith.constant 8 : i32
      %div3A_147 = arith.divsi %add3A_124, %jit3A_146 : i32
      %sign3A_148 = arith.constant 0 : i32
      %sign3A_149 = arith.cmpi sgt, %add3A_124, %sign3A_148 : i32
      %sign3A_150 = arith.extui %sign3A_149 : i1 to i32
      %sign3A_151 = arith.constant 0 : i32
      %sign3A_152 = arith.cmpi slt, %add3A_124, %sign3A_151 : i32
      %sign3A_153 = arith.extui %sign3A_152 : i1 to i32
      %sign3A_154 = arith.subi %sign3A_150, %sign3A_153 : i32
      %sign3A_155 = arith.constant 0 : i32
      %sign3A_156 = arith.cmpi sgt, %jit3A_146, %sign3A_155 : i32
      %sign3A_157 = arith.extui %sign3A_156 : i1 to i32
      %sign3A_158 = arith.constant 0 : i32
      %sign3A_159 = arith.cmpi slt, %jit3A_146, %sign3A_158 : i32
      %sign3A_160 = arith.extui %sign3A_159 : i1 to i32
      %sign3A_161 = arith.subi %sign3A_157, %sign3A_160 : i32
      %ne3A_162 = arith.cmpi ne, %sign3A_154, %sign3A_161 : i32
      %rem3A_163 = arith.remsi %add3A_124, %jit3A_146 : i32
      %ne3A_164 = arith.constant 0 : i32
      %ne3A_165 = arith.cmpi ne, %rem3A_163, %ne3A_164 : i32
      %and3A_166 = arith.andi %ne3A_162, %ne3A_165 : i1
      %sub3A_167 = arith.constant 1 : i32
      %sub3A_168 = arith.subi %div3A_147, %sub3A_167 : i32
      %select_n3A_169 = arith.select %and3A_166, %sub3A_168, %div3A_147 : i32
      %rem3A_170 = arith.constant 32 : i32
      %rem3A_171 = arith.remsi %select_n3A_169, %rem3A_170 : i32
      %dma_start3A_172 = arith.constant 0 : i32
      %dma_start3A_173 = arith.constant 0 : i32
      %dma_start3A_174 = arith.constant 0 : i32
      %dma_start3A_175 = tpu.memref_slice %arg10[%dma_start3A_172, %dma_start3A_173, %dma_start3A_174] : memref<8x8x129xf32, #tpu.memory_space<vmem>> -> memref<8x8x128xf32, #tpu.memory_space<vmem>>
      %dma_start3A_176 = arith.constant 0 : i32
      %dma_start3A_177 = arith.constant 0 : i32
      %dma_start3A_178 = arith.constant 0 : i32
      %dma_start3A_179 = tpu.memref_slice %arg4[%add3A_145, %dma_start3A_176, %rem3A_171, %dma_start3A_177, %dma_start3A_178] : memref<200x8x32x8x128xf32, #tpu.memory_space<hbm>> -> memref<1x8x1x8x128xf32, #tpu.memory_space<hbm>>
      %dma_start3A_180 = tpu.memref_squeeze %dma_start3A_179 : memref<1x8x1x8x128xf32, #tpu.memory_space<hbm>> -> memref<8x8x128xf32, #tpu.memory_space<hbm>>
      %dma_start3A_181 = arith.constant 0 : i32
      %dma_start3A_182 = arith.constant 0 : i32
      %dma_start3A_183 = arith.constant 0 : i32
      %dma_start3A_184 = tpu.memref_slice %arg4[%add3A_145, %dma_start3A_181, %rem3A_171, %dma_start3A_182, %dma_start3A_183] : memref<200x8x32x8x128xf32, #tpu.memory_space<hbm>> -> memref<1x8x1x8x128xf32, #tpu.memory_space<hbm>>
      %dma_start3A_185 = tpu.memref_squeeze %dma_start3A_184 : memref<1x8x1x8x128xf32, #tpu.memory_space<hbm>> -> memref<8x8x128xf32, #tpu.memory_space<hbm>>
      %dma_start3A_186 = arith.constant 0 : i32
      %dma_start3A_187 = arith.constant 0 : i32
      %dma_start3A_188 = arith.constant 0 : i32
      %dma_start3A_189 = tpu.memref_slice %arg10[%dma_start3A_186, %dma_start3A_187, %dma_start3A_188] : memref<8x8x129xf32, #tpu.memory_space<vmem>> -> memref<8x8x128xf32, #tpu.memory_space<vmem>>
      tpu.enqueue_dma source(%dma_start3A_189 : memref<8x8x128xf32, #tpu.memory_space<vmem>>) target(%dma_start3A_185 : memref<8x8x128xf32, #tpu.memory_space<hbm>>) target_semaphore(%arg18 : memref<!tpu.dma_semaphore, #tpu.memory_space<semaphore_mem>>)
      %mul3A_190 = arith.constant 4 : i32
      %mul3A_191 = arith.muli %scan3A_100, %mul3A_190 : i32
      %add3A_192 = arith.constant 1 : i32
      %add3A_193 = arith.addi %mul3A_191, %add3A_192 : i32
      %add3A_194 = arith.constant 2 : i32
      %add3A_195 = arith.addi %add3A_193, %add3A_194 : i32
      %dma_start3A_196 = arith.constant 0 : i32
      %dma_start3A_197 = tpu.memref_slice %arg5[%add3A_195, %dma_start3A_196] : memref<200x128xi32, #tpu.memory_space<vmem>> -> memref<1x128xi32, #tpu.memory_space<vmem>>
      %dma_start3A_198 = tpu.memref_squeeze %dma_start3A_197 : memref<1x128xi32, #tpu.memory_space<vmem>> -> memref<128xi32, #tpu.memory_space<vmem>>
      %dma_start3A_199 = arith.constant 0 : i32
      %dma_start3A_200 = arith.constant 0 : i32
      %dma_start3A_201 = tpu.memref_slice %arg3[%dma_start3A_199, %dma_start3A_200] : memref<1000000x64xf32, #tpu.memory_space<hbm>> -> memref<1000000x64xf32, #tpu.memory_space<hbm>>
      tpu.enqueue_indirect_dma source(%dma_start3A_201 : memref<1000000x64xf32, #tpu.memory_space<hbm>>) target(%arg9 : memref<128x64xf32, #tpu.memory_space<vmem>>) offsets(%dma_start3A_198 : memref<128xi32, #tpu.memory_space<vmem>>) semaphore(%arg17 : memref<!tpu.dma_semaphore, #tpu.memory_space<semaphore_mem>>)
      %dma_wait3A_202 = arith.constant 0 : i32
      %dma_wait3A_203 = arith.constant 0 : i32
      %dma_wait3A_204 = tpu.memref_slice %arg5[%dma_wait3A_202, %dma_wait3A_203] : memref<200x128xi32, #tpu.memory_space<vmem>> -> memref<1x128xi32, #tpu.memory_space<vmem>>
      %dma_wait3A_205 = tpu.memref_squeeze %dma_wait3A_204 : memref<1x128xi32, #tpu.memory_space<vmem>> -> memref<128xi32, #tpu.memory_space<vmem>>
      %dma_wait3A_206 = arith.constant 0 : i32
      %dma_wait3A_207 = arith.constant 0 : i32
      %dma_wait3A_208 = tpu.memref_slice %arg3[%dma_wait3A_206, %dma_wait3A_207] : memref<1000000x64xf32, #tpu.memory_space<hbm>> -> memref<1000000x64xf32, #tpu.memory_space<hbm>>
      tpu.wait_indirect_dma semaphore(%arg15 : memref<!tpu.dma_semaphore, #tpu.memory_space<semaphore_mem>>) src(%dma_wait3A_208 : memref<1000000x64xf32, #tpu.memory_space<hbm>>) dst(%arg7 : memref<128x64xf32, #tpu.memory_space<vmem>>)
      %gt3A_209 = arith.constant 0 : i32
      %gt3A_210 = arith.cmpi sgt, %scan3A_100, %gt3A_209 : i32
      %convert_element_type3A_211 = arith.extui %gt3A_210 : i1 to i32
      %cond3A_212 = arith.constant 0 : i32
      %cond3A_213 = arith.cmpi ne, %convert_element_type3A_211, %cond3A_212 : i32
      scf.if %cond3A_213 {
        %dma_wait3A_486 = arith.constant 0 : i32
        %dma_wait3A_487 = arith.constant 0 : i32
        %dma_wait3A_488 = arith.constant 0 : i32
        %dma_wait3A_489 = arith.constant 0 : i32
        %dma_wait3A_490 = arith.constant 0 : i32
        %dma_wait3A_491 = tpu.memref_slice %arg11[%dma_wait3A_488, %dma_wait3A_489, %dma_wait3A_490] : memref<8x8x129xf32, #tpu.memory_space<vmem>> -> memref<8x8x128xf32, #tpu.memory_space<vmem>>
        %dma_wait3A_492 = arith.constant 0 : i32
        %dma_wait3A_493 = arith.constant 0 : i32
        %dma_wait3A_494 = arith.constant 0 : i32
        %dma_wait3A_495 = tpu.memref_slice %arg4[%dma_wait3A_486, %dma_wait3A_492, %dma_wait3A_487, %dma_wait3A_493, %dma_wait3A_494] : memref<200x8x32x8x128xf32, #tpu.memory_space<hbm>> -> memref<1x8x1x8x128xf32, #tpu.memory_space<hbm>>
        %dma_wait3A_496 = tpu.memref_squeeze %dma_wait3A_495 : memref<1x8x1x8x128xf32, #tpu.memory_space<hbm>> -> memref<8x8x128xf32, #tpu.memory_space<hbm>>
        %dma_wait3A_497 = arith.constant 0 : i32
        %dma_wait3A_498 = arith.constant 0 : i32
        %dma_wait3A_499 = arith.constant 0 : i32
        %dma_wait3A_500 = tpu.memref_slice %arg4[%dma_wait3A_486, %dma_wait3A_497, %dma_wait3A_487, %dma_wait3A_498, %dma_wait3A_499] : memref<200x8x32x8x128xf32, #tpu.memory_space<hbm>> -> memref<1x8x1x8x128xf32, #tpu.memory_space<hbm>>
        %dma_wait3A_501 = tpu.memref_squeeze %dma_wait3A_500 : memref<1x8x1x8x128xf32, #tpu.memory_space<hbm>> -> memref<8x8x128xf32, #tpu.memory_space<hbm>>
        %dma_wait3A_502 = arith.constant 0 : i32
        %dma_wait3A_503 = arith.constant 0 : i32
        %dma_wait3A_504 = arith.constant 0 : i32
        %dma_wait3A_505 = tpu.memref_slice %arg11[%dma_wait3A_502, %dma_wait3A_503, %dma_wait3A_504] : memref<8x8x129xf32, #tpu.memory_space<vmem>> -> memref<8x8x128xf32, #tpu.memory_space<vmem>>
        tpu.wait_dma2 semaphore(%arg19 : memref<!tpu.dma_semaphore, #tpu.memory_space<semaphore_mem>>) src(%dma_wait3A_505 : memref<8x8x128xf32, #tpu.memory_space<vmem>>) dst(%dma_wait3A_501 : memref<8x8x128xf32, #tpu.memory_space<hbm>>)
      } else {
      }
      %parallel_loop3A_214 = arith.constant 0 : i32
      %parallel_loop3A_215 = arith.constant 128 : i32
      %parallel_loop3A_216 = arith.constant 1 : i32
      scf.for %parallel_loop3A_486 = %parallel_loop3A_214 to %parallel_loop3A_215 step %parallel_loop3A_216  : i32 {
        %parallel_loop3A_487 = arith.constant 0 : i32
        %parallel_loop3A_488 = vector.broadcast %parallel_loop3A_487 : i32 to vector<16xi32>
        %parallel_loop3A_489 = vector.broadcast %parallel_loop3A_486 : i32 to vector<16xi32>
        %parallel_loop3A_490 = arith.addi %parallel_loop3A_488, %parallel_loop3A_489 : vector<16xi32>
        %parallel_loop3A_491 = tpu.iota {dimensions = array<i32: 0>} : vector<16xi32>
        %parallel_loop3A_492 = arith.constant 0 : i32
        %parallel_loop3A_493 = vector.broadcast %parallel_loop3A_492 : i32 to vector<16xi32>
        %parallel_loop3A_494 = arith.addi %parallel_loop3A_491, %parallel_loop3A_493 : vector<16xi32>
        %parallel_loop3A_495 = arith.index_cast %parallel_loop3A_486 : i32 to index
        %parallel_loop3A_496 = arith.constant 0 : index
        %parallel_loop3A_497 = tpu.vector_load %arg7[%parallel_loop3A_495, %parallel_loop3A_496] {strides = array<i32>} : memref<128x64xf32, #tpu.memory_space<vmem>>, vector<16xf32>,
        %parallel_loop3A_498 = arith.constant 8 : i32
        %parallel_loop3A_499 = vector.broadcast %parallel_loop3A_498 : i32 to vector<16xi32>
        %parallel_loop3A_500 = arith.divsi %parallel_loop3A_494, %parallel_loop3A_499 : vector<16xi32>
        %parallel_loop3A_501 = arith.constant 0 : i32
        %parallel_loop3A_502 = vector.broadcast %parallel_loop3A_501 : i32 to vector<16xi32>
        %parallel_loop3A_503 = arith.cmpi sgt, %parallel_loop3A_494, %parallel_loop3A_502 : vector<16xi32>
        %parallel_loop3A_504 = arith.extui %parallel_loop3A_503 : vector<16xi1> to vector<16xi32>
        %parallel_loop3A_505 = arith.constant 0 : i32
        %parallel_loop3A_506 = vector.broadcast %parallel_loop3A_505 : i32 to vector<16xi32>
        %parallel_loop3A_507 = arith.cmpi slt, %parallel_loop3A_494, %parallel_loop3A_506 : vector<16xi32>
        %parallel_loop3A_508 = arith.extui %parallel_loop3A_507 : vector<16xi1> to vector<16xi32>
        %parallel_loop3A_509 = arith.subi %parallel_loop3A_504, %parallel_loop3A_508 : vector<16xi32>
        %parallel_loop3A_510 = arith.constant 0 : i32
        %parallel_loop3A_511 = arith.cmpi sgt, %parallel_loop3A_498, %parallel_loop3A_510 : i32
        %parallel_loop3A_512 = arith.extui %parallel_loop3A_511 : i1 to i32
        %parallel_loop3A_513 = arith.constant 0 : i32
        %parallel_loop3A_514 = arith.cmpi slt, %parallel_loop3A_498, %parallel_loop3A_513 : i32
        %parallel_loop3A_515 = arith.extui %parallel_loop3A_514 : i1 to i32
        %parallel_loop3A_516 = arith.subi %parallel_loop3A_512, %parallel_loop3A_515 : i32
        %parallel_loop3A_517 = vector.broadcast %parallel_loop3A_516 : i32 to vector<16xi32>
        %parallel_loop3A_518 = arith.cmpi ne, %parallel_loop3A_509, %parallel_loop3A_517 : vector<16xi32>
        %parallel_loop3A_519 = vector.broadcast %parallel_loop3A_498 : i32 to vector<16xi32>
        %parallel_loop3A_520 = arith.remsi %parallel_loop3A_494, %parallel_loop3A_519 : vector<16xi32>
        %parallel_loop3A_521 = arith.constant 0 : i32
        %parallel_loop3A_522 = vector.broadcast %parallel_loop3A_521 : i32 to vector<16xi32>
        %parallel_loop3A_523 = arith.cmpi ne, %parallel_loop3A_520, %parallel_loop3A_522 : vector<16xi32>
        %parallel_loop3A_524 = arith.andi %parallel_loop3A_518, %parallel_loop3A_523 : vector<16xi1>
        %parallel_loop3A_525 = arith.constant 1 : i32
        %parallel_loop3A_526 = vector.broadcast %parallel_loop3A_525 : i32 to vector<16xi32>
        %parallel_loop3A_527 = arith.subi %parallel_loop3A_500, %parallel_loop3A_526 : vector<16xi32>
        %parallel_loop3A_528 = arith.select %parallel_loop3A_524, %parallel_loop3A_527, %parallel_loop3A_500 : vector<16xi1>, vector<16xi32>
        %parallel_loop3A_529 = arith.constant 8 : i32
        %parallel_loop3A_530 = vector.broadcast %parallel_loop3A_529 : i32 to vector<16xi32>
        %parallel_loop3A_531 = arith.remsi %parallel_loop3A_494, %parallel_loop3A_530 : vector<16xi32>
        %parallel_loop3A_532 = arith.constant 8.000000e+00 : f32
        %parallel_loop3A_533 = vector.broadcast %parallel_loop3A_532 : f32 to vector<16xf32>
        %parallel_loop3A_534 = arith.mulf %parallel_loop3A_497, %parallel_loop3A_533 : vector<16xf32>
        tpu.vector_store_idx %arg11[%parallel_loop3A_528, %parallel_loop3A_531, %parallel_loop3A_490], %parallel_loop3A_534 : memref<8x8x129xf32, #tpu.memory_space<vmem>>[vector<16xi32>, vector<16xi32>, vector<16xi32>], vector<16xf32>,
        %parallel_loop3A_535 = tpu.iota {dimensions = array<i32: 0>} : vector<16xi32>
        %parallel_loop3A_536 = arith.constant 16 : i32
        %parallel_loop3A_537 = vector.broadcast %parallel_loop3A_536 : i32 to vector<16xi32>
        %parallel_loop3A_538 = arith.addi %parallel_loop3A_535, %parallel_loop3A_537 : vector<16xi32>
        %parallel_loop3A_539 = arith.index_cast %parallel_loop3A_486 : i32 to index
        %parallel_loop3A_540 = arith.constant 16 : index
        %parallel_loop3A_541 = tpu.vector_load %arg7[%parallel_loop3A_539, %parallel_loop3A_540] {strides = array<i32>} : memref<128x64xf32, #tpu.memory_space<vmem>>, vector<16xf32>,
        %parallel_loop3A_542 = arith.constant 8 : i32
        %parallel_loop3A_543 = vector.broadcast %parallel_loop3A_542 : i32 to vector<16xi32>
        %parallel_loop3A_544 = arith.divsi %parallel_loop3A_538, %parallel_loop3A_543 : vector<16xi32>
        %parallel_loop3A_545 = arith.constant 0 : i32
        %parallel_loop3A_546 = vector.broadcast %parallel_loop3A_545 : i32 to vector<16xi32>
        %parallel_loop3A_547 = arith.cmpi sgt, %parallel_loop3A_538, %parallel_loop3A_546 : vector<16xi32>
        %parallel_loop3A_548 = arith.extui %parallel_loop3A_547 : vector<16xi1> to vector<16xi32>
        %parallel_loop3A_549 = arith.constant 0 : i32
        %parallel_loop3A_550 = vector.broadcast %parallel_loop3A_549 : i32 to vector<16xi32>
        %parallel_loop3A_551 = arith.cmpi slt, %parallel_loop3A_538, %parallel_loop3A_550 : vector<16xi32>
        %parallel_loop3A_552 = arith.extui %parallel_loop3A_551 : vector<16xi1> to vector<16xi32>
        %parallel_loop3A_553 = arith.subi %parallel_loop3A_548, %parallel_loop3A_552 : vector<16xi32>
        %parallel_loop3A_554 = arith.constant 0 : i32
        %parallel_loop3A_555 = arith.cmpi sgt, %parallel_loop3A_542, %parallel_loop3A_554 : i32
        %parallel_loop3A_556 = arith.extui %parallel_loop3A_555 : i1 to i32
        %parallel_loop3A_557 = arith.constant 0 : i32
        %parallel_loop3A_558 = arith.cmpi slt, %parallel_loop3A_542, %parallel_loop3A_557 : i32
        %parallel_loop3A_559 = arith.extui %parallel_loop3A_558 : i1 to i32
        %parallel_loop3A_560 = arith.subi %parallel_loop3A_556, %parallel_loop3A_559 : i32
        %parallel_loop3A_561 = vector.broadcast %parallel_loop3A_560 : i32 to vector<16xi32>
        %parallel_loop3A_562 = arith.cmpi ne, %parallel_loop3A_553, %parallel_loop3A_561 : vector<16xi32>
        %parallel_loop3A_563 = vector.broadcast %parallel_loop3A_542 : i32 to vector<16xi32>
        %parallel_loop3A_564 = arith.remsi %parallel_loop3A_538, %parallel_loop3A_563 : vector<16xi32>
        %parallel_loop3A_565 = arith.constant 0 : i32
        %parallel_loop3A_566 = vector.broadcast %parallel_loop3A_565 : i32 to vector<16xi32>
        %parallel_loop3A_567 = arith.cmpi ne, %parallel_loop3A_564, %parallel_loop3A_566 : vector<16xi32>
        %parallel_loop3A_568 = arith.andi %parallel_loop3A_562, %parallel_loop3A_567 : vector<16xi1>
        %parallel_loop3A_569 = arith.constant 1 : i32
        %parallel_loop3A_570 = vector.broadcast %parallel_loop3A_569 : i32 to vector<16xi32>
        %parallel_loop3A_571 = arith.subi %parallel_loop3A_544, %parallel_loop3A_570 : vector<16xi32>
        %parallel_loop3A_572 = arith.select %parallel_loop3A_568, %parallel_loop3A_571, %parallel_loop3A_544 : vector<16xi1>, vector<16xi32>
        %parallel_loop3A_573 = arith.constant 8 : i32
        %parallel_loop3A_574 = vector.broadcast %parallel_loop3A_573 : i32 to vector<16xi32>
        %parallel_loop3A_575 = arith.remsi %parallel_loop3A_538, %parallel_loop3A_574 : vector<16xi32>
        %parallel_loop3A_576 = arith.constant 8.000000e+00 : f32
        %parallel_loop3A_577 = vector.broadcast %parallel_loop3A_576 : f32 to vector<16xf32>
        %parallel_loop3A_578 = arith.mulf %parallel_loop3A_541, %parallel_loop3A_577 : vector<16xf32>
        tpu.vector_store_idx %arg11[%parallel_loop3A_572, %parallel_loop3A_575, %parallel_loop3A_490], %parallel_loop3A_578 : memref<8x8x129xf32, #tpu.memory_space<vmem>>[vector<16xi32>, vector<16xi32>, vector<16xi32>], vector<16xf32>,
        %parallel_loop3A_579 = tpu.iota {dimensions = array<i32: 0>} : vector<16xi32>
        %parallel_loop3A_580 = arith.constant 32 : i32
        %parallel_loop3A_581 = vector.broadcast %parallel_loop3A_580 : i32 to vector<16xi32>
        %parallel_loop3A_582 = arith.addi %parallel_loop3A_579, %parallel_loop3A_581 : vector<16xi32>
        %parallel_loop3A_583 = arith.index_cast %parallel_loop3A_486 : i32 to index
        %parallel_loop3A_584 = arith.constant 32 : index
        %parallel_loop3A_585 = tpu.vector_load %arg7[%parallel_loop3A_583, %parallel_loop3A_584] {strides = array<i32>} : memref<128x64xf32, #tpu.memory_space<vmem>>, vector<16xf32>,
        %parallel_loop3A_586 = arith.constant 8 : i32
        %parallel_loop3A_587 = vector.broadcast %parallel_loop3A_586 : i32 to vector<16xi32>
        %parallel_loop3A_588 = arith.divsi %parallel_loop3A_582, %parallel_loop3A_587 : vector<16xi32>
        %parallel_loop3A_589 = arith.constant 0 : i32
        %parallel_loop3A_590 = vector.broadcast %parallel_loop3A_589 : i32 to vector<16xi32>
        %parallel_loop3A_591 = arith.cmpi sgt, %parallel_loop3A_582, %parallel_loop3A_590 : vector<16xi32>
        %parallel_loop3A_592 = arith.extui %parallel_loop3A_591 : vector<16xi1> to vector<16xi32>
        %parallel_loop3A_593 = arith.constant 0 : i32
        %parallel_loop3A_594 = vector.broadcast %parallel_loop3A_593 : i32 to vector<16xi32>
        %parallel_loop3A_595 = arith.cmpi slt, %parallel_loop3A_582, %parallel_loop3A_594 : vector<16xi32>
        %parallel_loop3A_596 = arith.extui %parallel_loop3A_595 : vector<16xi1> to vector<16xi32>
        %parallel_loop3A_597 = arith.subi %parallel_loop3A_592, %parallel_loop3A_596 : vector<16xi32>
        %parallel_loop3A_598 = arith.constant 0 : i32
        %parallel_loop3A_599 = arith.cmpi sgt, %parallel_loop3A_586, %parallel_loop3A_598 : i32
        %parallel_loop3A_600 = arith.extui %parallel_loop3A_599 : i1 to i32
        %parallel_loop3A_601 = arith.constant 0 : i32
        %parallel_loop3A_602 = arith.cmpi slt, %parallel_loop3A_586, %parallel_loop3A_601 : i32
        %parallel_loop3A_603 = arith.extui %parallel_loop3A_602 : i1 to i32
        %parallel_loop3A_604 = arith.subi %parallel_loop3A_600, %parallel_loop3A_603 : i32
        %parallel_loop3A_605 = vector.broadcast %parallel_loop3A_604 : i32 to vector<16xi32>
        %parallel_loop3A_606 = arith.cmpi ne, %parallel_loop3A_597, %parallel_loop3A_605 : vector<16xi32>
        %parallel_loop3A_607 = vector.broadcast %parallel_loop3A_586 : i32 to vector<16xi32>
        %parallel_loop3A_608 = arith.remsi %parallel_loop3A_582, %parallel_loop3A_607 : vector<16xi32>
        %parallel_loop3A_609 = arith.constant 0 : i32
        %parallel_loop3A_610 = vector.broadcast %parallel_loop3A_609 : i32 to vector<16xi32>
        %parallel_loop3A_611 = arith.cmpi ne, %parallel_loop3A_608, %parallel_loop3A_610 : vector<16xi32>
        %parallel_loop3A_612 = arith.andi %parallel_loop3A_606, %parallel_loop3A_611 : vector<16xi1>
        %parallel_loop3A_613 = arith.constant 1 : i32
        %parallel_loop3A_614 = vector.broadcast %parallel_loop3A_613 : i32 to vector<16xi32>
        %parallel_loop3A_615 = arith.subi %parallel_loop3A_588, %parallel_loop3A_614 : vector<16xi32>
        %parallel_loop3A_616 = arith.select %parallel_loop3A_612, %parallel_loop3A_615, %parallel_loop3A_588 : vector<16xi1>, vector<16xi32>
        %parallel_loop3A_617 = arith.constant 8 : i32
        %parallel_loop3A_618 = vector.broadcast %parallel_loop3A_617 : i32 to vector<16xi32>
        %parallel_loop3A_619 = arith.remsi %parallel_loop3A_582, %parallel_loop3A_618 : vector<16xi32>
        %parallel_loop3A_620 = arith.constant 8.000000e+00 : f32
        %parallel_loop3A_621 = vector.broadcast %parallel_loop3A_620 : f32 to vector<16xf32>
        %parallel_loop3A_622 = arith.mulf %parallel_loop3A_585, %parallel_loop3A_621 : vector<16xf32>
        tpu.vector_store_idx %arg11[%parallel_loop3A_616, %parallel_loop3A_619, %parallel_loop3A_490], %parallel_loop3A_622 : memref<8x8x129xf32, #tpu.memory_space<vmem>>[vector<16xi32>, vector<16xi32>, vector<16xi32>], vector<16xf32>,
        %parallel_loop3A_623 = tpu.iota {dimensions = array<i32: 0>} : vector<16xi32>
        %parallel_loop3A_624 = arith.constant 48 : i32
        %parallel_loop3A_625 = vector.broadcast %parallel_loop3A_624 : i32 to vector<16xi32>
        %parallel_loop3A_626 = arith.addi %parallel_loop3A_623, %parallel_loop3A_625 : vector<16xi32>
        %parallel_loop3A_627 = arith.index_cast %parallel_loop3A_486 : i32 to index
        %parallel_loop3A_628 = arith.constant 48 : index
        %parallel_loop3A_629 = tpu.vector_load %arg7[%parallel_loop3A_627, %parallel_loop3A_628] {strides = array<i32>} : memref<128x64xf32, #tpu.memory_space<vmem>>, vector<16xf32>,
        %parallel_loop3A_630 = arith.constant 8 : i32
        %parallel_loop3A_631 = vector.broadcast %parallel_loop3A_630 : i32 to vector<16xi32>
        %parallel_loop3A_632 = arith.divsi %parallel_loop3A_626, %parallel_loop3A_631 : vector<16xi32>
        %parallel_loop3A_633 = arith.constant 0 : i32
        %parallel_loop3A_634 = vector.broadcast %parallel_loop3A_633 : i32 to vector<16xi32>
        %parallel_loop3A_635 = arith.cmpi sgt, %parallel_loop3A_626, %parallel_loop3A_634 : vector<16xi32>
        %parallel_loop3A_636 = arith.extui %parallel_loop3A_635 : vector<16xi1> to vector<16xi32>
        %parallel_loop3A_637 = arith.constant 0 : i32
        %parallel_loop3A_638 = vector.broadcast %parallel_loop3A_637 : i32 to vector<16xi32>
        %parallel_loop3A_639 = arith.cmpi slt, %parallel_loop3A_626, %parallel_loop3A_638 : vector<16xi32>
        %parallel_loop3A_640 = arith.extui %parallel_loop3A_639 : vector<16xi1> to vector<16xi32>
        %parallel_loop3A_641 = arith.subi %parallel_loop3A_636, %parallel_loop3A_640 : vector<16xi32>
        %parallel_loop3A_642 = arith.constant 0 : i32
        %parallel_loop3A_643 = arith.cmpi sgt, %parallel_loop3A_630, %parallel_loop3A_642 : i32
        %parallel_loop3A_644 = arith.extui %parallel_loop3A_643 : i1 to i32
        %parallel_loop3A_645 = arith.constant 0 : i32
        %parallel_loop3A_646 = arith.cmpi slt, %parallel_loop3A_630, %parallel_loop3A_645 : i32
        %parallel_loop3A_647 = arith.extui %parallel_loop3A_646 : i1 to i32
        %parallel_loop3A_648 = arith.subi %parallel_loop3A_644, %parallel_loop3A_647 : i32
        %parallel_loop3A_649 = vector.broadcast %parallel_loop3A_648 : i32 to vector<16xi32>
        %parallel_loop3A_650 = arith.cmpi ne, %parallel_loop3A_641, %parallel_loop3A_649 : vector<16xi32>
        %parallel_loop3A_651 = vector.broadcast %parallel_loop3A_630 : i32 to vector<16xi32>
        %parallel_loop3A_652 = arith.remsi %parallel_loop3A_626, %parallel_loop3A_651 : vector<16xi32>
        %parallel_loop3A_653 = arith.constant 0 : i32
        %parallel_loop3A_654 = vector.broadcast %parallel_loop3A_653 : i32 to vector<16xi32>
        %parallel_loop3A_655 = arith.cmpi ne, %parallel_loop3A_652, %parallel_loop3A_654 : vector<16xi32>
        %parallel_loop3A_656 = arith.andi %parallel_loop3A_650, %parallel_loop3A_655 : vector<16xi1>
        %parallel_loop3A_657 = arith.constant 1 : i32
        %parallel_loop3A_658 = vector.broadcast %parallel_loop3A_657 : i32 to vector<16xi32>
        %parallel_loop3A_659 = arith.subi %parallel_loop3A_632, %parallel_loop3A_658 : vector<16xi32>
        %parallel_loop3A_660 = arith.select %parallel_loop3A_656, %parallel_loop3A_659, %parallel_loop3A_632 : vector<16xi1>, vector<16xi32>
        %parallel_loop3A_661 = arith.constant 8 : i32
        %parallel_loop3A_662 = vector.broadcast %parallel_loop3A_661 : i32 to vector<16xi32>
        %parallel_loop3A_663 = arith.remsi %parallel_loop3A_626, %parallel_loop3A_662 : vector<16xi32>
        %parallel_loop3A_664 = arith.constant 8.000000e+00 : f32
        %parallel_loop3A_665 = vector.broadcast %parallel_loop3A_664 : f32 to vector<16xf32>
        %parallel_loop3A_666 = arith.mulf %parallel_loop3A_629, %parallel_loop3A_665 : vector<16xf32>
        tpu.vector_store_idx %arg11[%parallel_loop3A_660, %parallel_loop3A_663, %parallel_loop3A_490], %parallel_loop3A_666 : memref<8x8x129xf32, #tpu.memory_space<vmem>>[vector<16xi32>, vector<16xi32>, vector<16xi32>], vector<16xf32>,
      } {sc.loop_unroll_factor = 2 : i64, sc.parallel_access}
      %add3A_217 = arith.addi %mul3A_2, %add3A_193 : i32
      %jit3A_218 = arith.constant 256 : i32
      %div3A_219 = arith.divsi %add3A_217, %jit3A_218 : i32
      %sign3A_220 = arith.constant 0 : i32
      %sign3A_221 = arith.cmpi sgt, %add3A_217, %sign3A_220 : i32
      %sign3A_222 = arith.extui %sign3A_221 : i1 to i32
      %sign3A_223 = arith.constant 0 : i32
      %sign3A_224 = arith.cmpi slt, %add3A_217, %sign3A_223 : i32
      %sign3A_225 = arith.extui %sign3A_224 : i1 to i32
      %sign3A_226 = arith.subi %sign3A_222, %sign3A_225 : i32
      %sign3A_227 = arith.constant 0 : i32
      %sign3A_228 = arith.cmpi sgt, %jit3A_218, %sign3A_227 : i32
      %sign3A_229 = arith.extui %sign3A_228 : i1 to i32
      %sign3A_230 = arith.constant 0 : i32
      %sign3A_231 = arith.cmpi slt, %jit3A_218, %sign3A_230 : i32
      %sign3A_232 = arith.extui %sign3A_231 : i1 to i32
      %sign3A_233 = arith.subi %sign3A_229, %sign3A_232 : i32
      %ne3A_234 = arith.cmpi ne, %sign3A_226, %sign3A_233 : i32
      %rem3A_235 = arith.remsi %add3A_217, %jit3A_218 : i32
      %ne3A_236 = arith.constant 0 : i32
      %ne3A_237 = arith.cmpi ne, %rem3A_235, %ne3A_236 : i32
      %and3A_238 = arith.andi %ne3A_234, %ne3A_237 : i1
      %sub3A_239 = arith.constant 1 : i32
      %sub3A_240 = arith.subi %div3A_219, %sub3A_239 : i32
      %select_n3A_241 = arith.select %and3A_238, %sub3A_240, %div3A_219 : i32
      %mul3A_242 = arith.constant 8 : i32
      %mul3A_243 = arith.muli %select_n3A_241, %mul3A_242 : i32
      %rem3A_244 = arith.constant 8 : i32
      %rem3A_245 = arith.remsi %add3A_217, %rem3A_244 : i32
      %add3A_246 = arith.addi %mul3A_243, %rem3A_245 : i32
      %jit3A_247 = arith.constant 8 : i32
      %div3A_248 = arith.divsi %add3A_217, %jit3A_247 : i32
      %sign3A_249 = arith.constant 0 : i32
      %sign3A_250 = arith.cmpi sgt, %add3A_217, %sign3A_249 : i32
      %sign3A_251 = arith.extui %sign3A_250 : i1 to i32
      %sign3A_252 = arith.constant 0 : i32
      %sign3A_253 = arith.cmpi slt, %add3A_217, %sign3A_252 : i32
      %sign3A_254 = arith.extui %sign3A_253 : i1 to i32
      %sign3A_255 = arith.subi %sign3A_251, %sign3A_254 : i32
      %sign3A_256 = arith.constant 0 : i32
      %sign3A_257 = arith.cmpi sgt, %jit3A_247, %sign3A_256 : i32
      %sign3A_258 = arith.extui %sign3A_257 : i1 to i32
      %sign3A_259 = arith.constant 0 : i32
      %sign3A_260 = arith.cmpi slt, %jit3A_247, %sign3A_259 : i32
      %sign3A_261 = arith.extui %sign3A_260 : i1 to i32
      %sign3A_262 = arith.subi %sign3A_258, %sign3A_261 : i32
      %ne3A_263 = arith.cmpi ne, %sign3A_255, %sign3A_262 : i32
      %rem3A_264 = arith.remsi %add3A_217, %jit3A_247 : i32
      %ne3A_265 = arith.constant 0 : i32
      %ne3A_266 = arith.cmpi ne, %rem3A_264, %ne3A_265 : i32
      %and3A_267 = arith.andi %ne3A_263, %ne3A_266 : i1
      %sub3A_268 = arith.constant 1 : i32
      %sub3A_269 = arith.subi %div3A_248, %sub3A_268 : i32
      %select_n3A_270 = arith.select %and3A_267, %sub3A_269, %div3A_248 : i32
      %rem3A_271 = arith.constant 32 : i32
      %rem3A_272 = arith.remsi %select_n3A_270, %rem3A_271 : i32
      %dma_start3A_273 = arith.constant 0 : i32
      %dma_start3A_274 = arith.constant 0 : i32
      %dma_start3A_275 = arith.constant 0 : i32
      %dma_start3A_276 = tpu.memref_slice %arg11[%dma_start3A_273, %dma_start3A_274, %dma_start3A_275] : memref<8x8x129xf32, #tpu.memory_space<vmem>> -> memref<8x8x128xf32, #tpu.memory_space<vmem>>
      %dma_start3A_277 = arith.constant 0 : i32
      %dma_start3A_278 = arith.constant 0 : i32
      %dma_start3A_279 = arith.constant 0 : i32
      %dma_start3A_280 = tpu.memref_slice %arg4[%add3A_246, %dma_start3A_277, %rem3A_272, %dma_start3A_278, %dma_start3A_279] : memref<200x8x32x8x128xf32, #tpu.memory_space<hbm>> -> memref<1x8x1x8x128xf32, #tpu.memory_space<hbm>>
      %dma_start3A_281 = tpu.memref_squeeze %dma_start3A_280 : memref<1x8x1x8x128xf32, #tpu.memory_space<hbm>> -> memref<8x8x128xf32, #tpu.memory_space<hbm>>
      %dma_start3A_282 = arith.constant 0 : i32
      %dma_start3A_283 = arith.constant 0 : i32
      %dma_start3A_284 = arith.constant 0 : i32
      %dma_start3A_285 = tpu.memref_slice %arg4[%add3A_246, %dma_start3A_282, %rem3A_272, %dma_start3A_283, %dma_start3A_284] : memref<200x8x32x8x128xf32, #tpu.memory_space<hbm>> -> memref<1x8x1x8x128xf32, #tpu.memory_space<hbm>>
      %dma_start3A_286 = tpu.memref_squeeze %dma_start3A_285 : memref<1x8x1x8x128xf32, #tpu.memory_space<hbm>> -> memref<8x8x128xf32, #tpu.memory_space<hbm>>
      %dma_start3A_287 = arith.constant 0 : i32
      %dma_start3A_288 = arith.constant 0 : i32
      %dma_start3A_289 = arith.constant 0 : i32
      %dma_start3A_290 = tpu.memref_slice %arg11[%dma_start3A_287, %dma_start3A_288, %dma_start3A_289] : memref<8x8x129xf32, #tpu.memory_space<vmem>> -> memref<8x8x128xf32, #tpu.memory_space<vmem>>
      tpu.enqueue_dma source(%dma_start3A_290 : memref<8x8x128xf32, #tpu.memory_space<vmem>>) target(%dma_start3A_286 : memref<8x8x128xf32, #tpu.memory_space<hbm>>) target_semaphore(%arg19 : memref<!tpu.dma_semaphore, #tpu.memory_space<semaphore_mem>>)
      %mul3A_291 = arith.constant 4 : i32
      %mul3A_292 = arith.muli %scan3A_100, %mul3A_291 : i32
      %add3A_293 = arith.constant 2 : i32
      %add3A_294 = arith.addi %mul3A_292, %add3A_293 : i32
      %lt3A = arith.constant 49 : i32
      %lt3A_295 = arith.cmpi slt, %scan3A_100, %lt3A : i32
      %convert_element_type3A_296 = arith.extui %lt3A_295 : i1 to i32
      %cond3A_297 = arith.constant 0 : i32
      %cond3A_298 = arith.cmpi ne, %convert_element_type3A_296, %cond3A_297 : i32
      scf.if %cond3A_298 {
        %add3A_486 = arith.constant 2 : i32
        %add3A_487 = arith.addi %add3A_294, %add3A_486 : i32
        %dma_start3A_488 = arith.constant 0 : i32
        %dma_start3A_489 = tpu.memref_slice %arg5[%add3A_487, %dma_start3A_488] : memref<200x128xi32, #tpu.memory_space<vmem>> -> memref<1x128xi32, #tpu.memory_space<vmem>>
        %dma_start3A_490 = tpu.memref_squeeze %dma_start3A_489 : memref<1x128xi32, #tpu.memory_space<vmem>> -> memref<128xi32, #tpu.memory_space<vmem>>
        %dma_start3A_491 = arith.constant 0 : i32
        %dma_start3A_492 = arith.constant 0 : i32
        %dma_start3A_493 = tpu.memref_slice %arg3[%dma_start3A_491, %dma_start3A_492] : memref<1000000x64xf32, #tpu.memory_space<hbm>> -> memref<1000000x64xf32, #tpu.memory_space<hbm>>
        tpu.enqueue_indirect_dma source(%dma_start3A_493 : memref<1000000x64xf32, #tpu.memory_space<hbm>>) target(%arg6 : memref<128x64xf32, #tpu.memory_space<vmem>>) offsets(%dma_start3A_490 : memref<128xi32, #tpu.memory_space<vmem>>) semaphore(%arg14 : memref<!tpu.dma_semaphore, #tpu.memory_space<semaphore_mem>>)
      } else {
      }
      %dma_wait3A_299 = arith.constant 0 : i32
      %dma_wait3A_300 = arith.constant 0 : i32
      %dma_wait3A_301 = tpu.memref_slice %arg5[%dma_wait3A_299, %dma_wait3A_300] : memref<200x128xi32, #tpu.memory_space<vmem>> -> memref<1x128xi32, #tpu.memory_space<vmem>>
      %dma_wait3A_302 = tpu.memref_squeeze %dma_wait3A_301 : memref<1x128xi32, #tpu.memory_space<vmem>> -> memref<128xi32, #tpu.memory_space<vmem>>
      %dma_wait3A_303 = arith.constant 0 : i32
      %dma_wait3A_304 = arith.constant 0 : i32
      %dma_wait3A_305 = tpu.memref_slice %arg3[%dma_wait3A_303, %dma_wait3A_304] : memref<1000000x64xf32, #tpu.memory_space<hbm>> -> memref<1000000x64xf32, #tpu.memory_space<hbm>>
      tpu.wait_indirect_dma semaphore(%arg16 : memref<!tpu.dma_semaphore, #tpu.memory_space<semaphore_mem>>) src(%dma_wait3A_305 : memref<1000000x64xf32, #tpu.memory_space<hbm>>) dst(%arg8 : memref<128x64xf32, #tpu.memory_space<vmem>>)
      %gt3A_306 = arith.constant 0 : i32
      %gt3A_307 = arith.cmpi sgt, %scan3A_100, %gt3A_306 : i32
      %convert_element_type3A_308 = arith.extui %gt3A_307 : i1 to i32
      %cond3A_309 = arith.constant 0 : i32
      %cond3A_310 = arith.cmpi ne, %convert_element_type3A_308, %cond3A_309 : i32
      scf.if %cond3A_310 {
        %dma_wait3A_486 = arith.constant 0 : i32
        %dma_wait3A_487 = arith.constant 0 : i32
        %dma_wait3A_488 = arith.constant 0 : i32
        %dma_wait3A_489 = arith.constant 0 : i32
        %dma_wait3A_490 = arith.constant 0 : i32
        %dma_wait3A_491 = tpu.memref_slice %arg12[%dma_wait3A_488, %dma_wait3A_489, %dma_wait3A_490] : memref<8x8x129xf32, #tpu.memory_space<vmem>> -> memref<8x8x128xf32, #tpu.memory_space<vmem>>
        %dma_wait3A_492 = arith.constant 0 : i32
        %dma_wait3A_493 = arith.constant 0 : i32
        %dma_wait3A_494 = arith.constant 0 : i32
        %dma_wait3A_495 = tpu.memref_slice %arg4[%dma_wait3A_486, %dma_wait3A_492, %dma_wait3A_487, %dma_wait3A_493, %dma_wait3A_494] : memref<200x8x32x8x128xf32, #tpu.memory_space<hbm>> -> memref<1x8x1x8x128xf32, #tpu.memory_space<hbm>>
        %dma_wait3A_496 = tpu.memref_squeeze %dma_wait3A_495 : memref<1x8x1x8x128xf32, #tpu.memory_space<hbm>> -> memref<8x8x128xf32, #tpu.memory_space<hbm>>
        %dma_wait3A_497 = arith.constant 0 : i32
        %dma_wait3A_498 = arith.constant 0 : i32
        %dma_wait3A_499 = arith.constant 0 : i32
        %dma_wait3A_500 = tpu.memref_slice %arg4[%dma_wait3A_486, %dma_wait3A_497, %dma_wait3A_487, %dma_wait3A_498, %dma_wait3A_499] : memref<200x8x32x8x128xf32, #tpu.memory_space<hbm>> -> memref<1x8x1x8x128xf32, #tpu.memory_space<hbm>>
        %dma_wait3A_501 = tpu.memref_squeeze %dma_wait3A_500 : memref<1x8x1x8x128xf32, #tpu.memory_space<hbm>> -> memref<8x8x128xf32, #tpu.memory_space<hbm>>
        %dma_wait3A_502 = arith.constant 0 : i32
        %dma_wait3A_503 = arith.constant 0 : i32
        %dma_wait3A_504 = arith.constant 0 : i32
        %dma_wait3A_505 = tpu.memref_slice %arg12[%dma_wait3A_502, %dma_wait3A_503, %dma_wait3A_504] : memref<8x8x129xf32, #tpu.memory_space<vmem>> -> memref<8x8x128xf32, #tpu.memory_space<vmem>>
        tpu.wait_dma2 semaphore(%arg20 : memref<!tpu.dma_semaphore, #tpu.memory_space<semaphore_mem>>) src(%dma_wait3A_505 : memref<8x8x128xf32, #tpu.memory_space<vmem>>) dst(%dma_wait3A_501 : memref<8x8x128xf32, #tpu.memory_space<hbm>>)
      } else {
      }
      %parallel_loop3A_311 = arith.constant 0 : i32
      %parallel_loop3A_312 = arith.constant 128 : i32
      %parallel_loop3A_313 = arith.constant 1 : i32
      scf.for %parallel_loop3A_486 = %parallel_loop3A_311 to %parallel_loop3A_312 step %parallel_loop3A_313  : i32 {
        %parallel_loop3A_487 = arith.constant 0 : i32
        %parallel_loop3A_488 = vector.broadcast %parallel_loop3A_487 : i32 to vector<16xi32>
        %parallel_loop3A_489 = vector.broadcast %parallel_loop3A_486 : i32 to vector<16xi32>
        %parallel_loop3A_490 = arith.addi %parallel_loop3A_488, %parallel_loop3A_489 : vector<16xi32>
        %parallel_loop3A_491 = tpu.iota {dimensions = array<i32: 0>} : vector<16xi32>
        %parallel_loop3A_492 = arith.constant 0 : i32
        %parallel_loop3A_493 = vector.broadcast %parallel_loop3A_492 : i32 to vector<16xi32>
        %parallel_loop3A_494 = arith.addi %parallel_loop3A_491, %parallel_loop3A_493 : vector<16xi32>
        %parallel_loop3A_495 = arith.index_cast %parallel_loop3A_486 : i32 to index
        %parallel_loop3A_496 = arith.constant 0 : index
        %parallel_loop3A_497 = tpu.vector_load %arg8[%parallel_loop3A_495, %parallel_loop3A_496] {strides = array<i32>} : memref<128x64xf32, #tpu.memory_space<vmem>>, vector<16xf32>,
        %parallel_loop3A_498 = arith.constant 8 : i32
        %parallel_loop3A_499 = vector.broadcast %parallel_loop3A_498 : i32 to vector<16xi32>
        %parallel_loop3A_500 = arith.divsi %parallel_loop3A_494, %parallel_loop3A_499 : vector<16xi32>
        %parallel_loop3A_501 = arith.constant 0 : i32
        %parallel_loop3A_502 = vector.broadcast %parallel_loop3A_501 : i32 to vector<16xi32>
        %parallel_loop3A_503 = arith.cmpi sgt, %parallel_loop3A_494, %parallel_loop3A_502 : vector<16xi32>
        %parallel_loop3A_504 = arith.extui %parallel_loop3A_503 : vector<16xi1> to vector<16xi32>
        %parallel_loop3A_505 = arith.constant 0 : i32
        %parallel_loop3A_506 = vector.broadcast %parallel_loop3A_505 : i32 to vector<16xi32>
        %parallel_loop3A_507 = arith.cmpi slt, %parallel_loop3A_494, %parallel_loop3A_506 : vector<16xi32>
        %parallel_loop3A_508 = arith.extui %parallel_loop3A_507 : vector<16xi1> to vector<16xi32>
        %parallel_loop3A_509 = arith.subi %parallel_loop3A_504, %parallel_loop3A_508 : vector<16xi32>
        %parallel_loop3A_510 = arith.constant 0 : i32
        %parallel_loop3A_511 = arith.cmpi sgt, %parallel_loop3A_498, %parallel_loop3A_510 : i32
        %parallel_loop3A_512 = arith.extui %parallel_loop3A_511 : i1 to i32
        %parallel_loop3A_513 = arith.constant 0 : i32
        %parallel_loop3A_514 = arith.cmpi slt, %parallel_loop3A_498, %parallel_loop3A_513 : i32
        %parallel_loop3A_515 = arith.extui %parallel_loop3A_514 : i1 to i32
        %parallel_loop3A_516 = arith.subi %parallel_loop3A_512, %parallel_loop3A_515 : i32
        %parallel_loop3A_517 = vector.broadcast %parallel_loop3A_516 : i32 to vector<16xi32>
        %parallel_loop3A_518 = arith.cmpi ne, %parallel_loop3A_509, %parallel_loop3A_517 : vector<16xi32>
        %parallel_loop3A_519 = vector.broadcast %parallel_loop3A_498 : i32 to vector<16xi32>
        %parallel_loop3A_520 = arith.remsi %parallel_loop3A_494, %parallel_loop3A_519 : vector<16xi32>
        %parallel_loop3A_521 = arith.constant 0 : i32
        %parallel_loop3A_522 = vector.broadcast %parallel_loop3A_521 : i32 to vector<16xi32>
        %parallel_loop3A_523 = arith.cmpi ne, %parallel_loop3A_520, %parallel_loop3A_522 : vector<16xi32>
        %parallel_loop3A_524 = arith.andi %parallel_loop3A_518, %parallel_loop3A_523 : vector<16xi1>
        %parallel_loop3A_525 = arith.constant 1 : i32
        %parallel_loop3A_526 = vector.broadcast %parallel_loop3A_525 : i32 to vector<16xi32>
        %parallel_loop3A_527 = arith.subi %parallel_loop3A_500, %parallel_loop3A_526 : vector<16xi32>
        %parallel_loop3A_528 = arith.select %parallel_loop3A_524, %parallel_loop3A_527, %parallel_loop3A_500 : vector<16xi1>, vector<16xi32>
        %parallel_loop3A_529 = arith.constant 8 : i32
        %parallel_loop3A_530 = vector.broadcast %parallel_loop3A_529 : i32 to vector<16xi32>
        %parallel_loop3A_531 = arith.remsi %parallel_loop3A_494, %parallel_loop3A_530 : vector<16xi32>
        %parallel_loop3A_532 = arith.constant 8.000000e+00 : f32
        %parallel_loop3A_533 = vector.broadcast %parallel_loop3A_532 : f32 to vector<16xf32>
        %parallel_loop3A_534 = arith.mulf %parallel_loop3A_497, %parallel_loop3A_533 : vector<16xf32>
        tpu.vector_store_idx %arg12[%parallel_loop3A_528, %parallel_loop3A_531, %parallel_loop3A_490], %parallel_loop3A_534 : memref<8x8x129xf32, #tpu.memory_space<vmem>>[vector<16xi32>, vector<16xi32>, vector<16xi32>], vector<16xf32>,
        %parallel_loop3A_535 = tpu.iota {dimensions = array<i32: 0>} : vector<16xi32>
        %parallel_loop3A_536 = arith.constant 16 : i32
        %parallel_loop3A_537 = vector.broadcast %parallel_loop3A_536 : i32 to vector<16xi32>
        %parallel_loop3A_538 = arith.addi %parallel_loop3A_535, %parallel_loop3A_537 : vector<16xi32>
        %parallel_loop3A_539 = arith.index_cast %parallel_loop3A_486 : i32 to index
        %parallel_loop3A_540 = arith.constant 16 : index
        %parallel_loop3A_541 = tpu.vector_load %arg8[%parallel_loop3A_539, %parallel_loop3A_540] {strides = array<i32>} : memref<128x64xf32, #tpu.memory_space<vmem>>, vector<16xf32>,
        %parallel_loop3A_542 = arith.constant 8 : i32
        %parallel_loop3A_543 = vector.broadcast %parallel_loop3A_542 : i32 to vector<16xi32>
        %parallel_loop3A_544 = arith.divsi %parallel_loop3A_538, %parallel_loop3A_543 : vector<16xi32>
        %parallel_loop3A_545 = arith.constant 0 : i32
        %parallel_loop3A_546 = vector.broadcast %parallel_loop3A_545 : i32 to vector<16xi32>
        %parallel_loop3A_547 = arith.cmpi sgt, %parallel_loop3A_538, %parallel_loop3A_546 : vector<16xi32>
        %parallel_loop3A_548 = arith.extui %parallel_loop3A_547 : vector<16xi1> to vector<16xi32>
        %parallel_loop3A_549 = arith.constant 0 : i32
        %parallel_loop3A_550 = vector.broadcast %parallel_loop3A_549 : i32 to vector<16xi32>
        %parallel_loop3A_551 = arith.cmpi slt, %parallel_loop3A_538, %parallel_loop3A_550 : vector<16xi32>
        %parallel_loop3A_552 = arith.extui %parallel_loop3A_551 : vector<16xi1> to vector<16xi32>
        %parallel_loop3A_553 = arith.subi %parallel_loop3A_548, %parallel_loop3A_552 : vector<16xi32>
        %parallel_loop3A_554 = arith.constant 0 : i32
        %parallel_loop3A_555 = arith.cmpi sgt, %parallel_loop3A_542, %parallel_loop3A_554 : i32
        %parallel_loop3A_556 = arith.extui %parallel_loop3A_555 : i1 to i32
        %parallel_loop3A_557 = arith.constant 0 : i32
        %parallel_loop3A_558 = arith.cmpi slt, %parallel_loop3A_542, %parallel_loop3A_557 : i32
        %parallel_loop3A_559 = arith.extui %parallel_loop3A_558 : i1 to i32
        %parallel_loop3A_560 = arith.subi %parallel_loop3A_556, %parallel_loop3A_559 : i32
        %parallel_loop3A_561 = vector.broadcast %parallel_loop3A_560 : i32 to vector<16xi32>
        %parallel_loop3A_562 = arith.cmpi ne, %parallel_loop3A_553, %parallel_loop3A_561 : vector<16xi32>
        %parallel_loop3A_563 = vector.broadcast %parallel_loop3A_542 : i32 to vector<16xi32>
        %parallel_loop3A_564 = arith.remsi %parallel_loop3A_538, %parallel_loop3A_563 : vector<16xi32>
        %parallel_loop3A_565 = arith.constant 0 : i32
        %parallel_loop3A_566 = vector.broadcast %parallel_loop3A_565 : i32 to vector<16xi32>
        %parallel_loop3A_567 = arith.cmpi ne, %parallel_loop3A_564, %parallel_loop3A_566 : vector<16xi32>
        %parallel_loop3A_568 = arith.andi %parallel_loop3A_562, %parallel_loop3A_567 : vector<16xi1>
        %parallel_loop3A_569 = arith.constant 1 : i32
        %parallel_loop3A_570 = vector.broadcast %parallel_loop3A_569 : i32 to vector<16xi32>
        %parallel_loop3A_571 = arith.subi %parallel_loop3A_544, %parallel_loop3A_570 : vector<16xi32>
        %parallel_loop3A_572 = arith.select %parallel_loop3A_568, %parallel_loop3A_571, %parallel_loop3A_544 : vector<16xi1>, vector<16xi32>
        %parallel_loop3A_573 = arith.constant 8 : i32
        %parallel_loop3A_574 = vector.broadcast %parallel_loop3A_573 : i32 to vector<16xi32>
        %parallel_loop3A_575 = arith.remsi %parallel_loop3A_538, %parallel_loop3A_574 : vector<16xi32>
        %parallel_loop3A_576 = arith.constant 8.000000e+00 : f32
        %parallel_loop3A_577 = vector.broadcast %parallel_loop3A_576 : f32 to vector<16xf32>
        %parallel_loop3A_578 = arith.mulf %parallel_loop3A_541, %parallel_loop3A_577 : vector<16xf32>
        tpu.vector_store_idx %arg12[%parallel_loop3A_572, %parallel_loop3A_575, %parallel_loop3A_490], %parallel_loop3A_578 : memref<8x8x129xf32, #tpu.memory_space<vmem>>[vector<16xi32>, vector<16xi32>, vector<16xi32>], vector<16xf32>,
        %parallel_loop3A_579 = tpu.iota {dimensions = array<i32: 0>} : vector<16xi32>
        %parallel_loop3A_580 = arith.constant 32 : i32
        %parallel_loop3A_581 = vector.broadcast %parallel_loop3A_580 : i32 to vector<16xi32>
        %parallel_loop3A_582 = arith.addi %parallel_loop3A_579, %parallel_loop3A_581 : vector<16xi32>
        %parallel_loop3A_583 = arith.index_cast %parallel_loop3A_486 : i32 to index
        %parallel_loop3A_584 = arith.constant 32 : index
        %parallel_loop3A_585 = tpu.vector_load %arg8[%parallel_loop3A_583, %parallel_loop3A_584] {strides = array<i32>} : memref<128x64xf32, #tpu.memory_space<vmem>>, vector<16xf32>,
        %parallel_loop3A_586 = arith.constant 8 : i32
        %parallel_loop3A_587 = vector.broadcast %parallel_loop3A_586 : i32 to vector<16xi32>
        %parallel_loop3A_588 = arith.divsi %parallel_loop3A_582, %parallel_loop3A_587 : vector<16xi32>
        %parallel_loop3A_589 = arith.constant 0 : i32
        %parallel_loop3A_590 = vector.broadcast %parallel_loop3A_589 : i32 to vector<16xi32>
        %parallel_loop3A_591 = arith.cmpi sgt, %parallel_loop3A_582, %parallel_loop3A_590 : vector<16xi32>
        %parallel_loop3A_592 = arith.extui %parallel_loop3A_591 : vector<16xi1> to vector<16xi32>
        %parallel_loop3A_593 = arith.constant 0 : i32
        %parallel_loop3A_594 = vector.broadcast %parallel_loop3A_593 : i32 to vector<16xi32>
        %parallel_loop3A_595 = arith.cmpi slt, %parallel_loop3A_582, %parallel_loop3A_594 : vector<16xi32>
        %parallel_loop3A_596 = arith.extui %parallel_loop3A_595 : vector<16xi1> to vector<16xi32>
        %parallel_loop3A_597 = arith.subi %parallel_loop3A_592, %parallel_loop3A_596 : vector<16xi32>
        %parallel_loop3A_598 = arith.constant 0 : i32
        %parallel_loop3A_599 = arith.cmpi sgt, %parallel_loop3A_586, %parallel_loop3A_598 : i32
        %parallel_loop3A_600 = arith.extui %parallel_loop3A_599 : i1 to i32
        %parallel_loop3A_601 = arith.constant 0 : i32
        %parallel_loop3A_602 = arith.cmpi slt, %parallel_loop3A_586, %parallel_loop3A_601 : i32
        %parallel_loop3A_603 = arith.extui %parallel_loop3A_602 : i1 to i32
        %parallel_loop3A_604 = arith.subi %parallel_loop3A_600, %parallel_loop3A_603 : i32
        %parallel_loop3A_605 = vector.broadcast %parallel_loop3A_604 : i32 to vector<16xi32>
        %parallel_loop3A_606 = arith.cmpi ne, %parallel_loop3A_597, %parallel_loop3A_605 : vector<16xi32>
        %parallel_loop3A_607 = vector.broadcast %parallel_loop3A_586 : i32 to vector<16xi32>
        %parallel_loop3A_608 = arith.remsi %parallel_loop3A_582, %parallel_loop3A_607 : vector<16xi32>
        %parallel_loop3A_609 = arith.constant 0 : i32
        %parallel_loop3A_610 = vector.broadcast %parallel_loop3A_609 : i32 to vector<16xi32>
        %parallel_loop3A_611 = arith.cmpi ne, %parallel_loop3A_608, %parallel_loop3A_610 : vector<16xi32>
        %parallel_loop3A_612 = arith.andi %parallel_loop3A_606, %parallel_loop3A_611 : vector<16xi1>
        %parallel_loop3A_613 = arith.constant 1 : i32
        %parallel_loop3A_614 = vector.broadcast %parallel_loop3A_613 : i32 to vector<16xi32>
        %parallel_loop3A_615 = arith.subi %parallel_loop3A_588, %parallel_loop3A_614 : vector<16xi32>
        %parallel_loop3A_616 = arith.select %parallel_loop3A_612, %parallel_loop3A_615, %parallel_loop3A_588 : vector<16xi1>, vector<16xi32>
        %parallel_loop3A_617 = arith.constant 8 : i32
        %parallel_loop3A_618 = vector.broadcast %parallel_loop3A_617 : i32 to vector<16xi32>
        %parallel_loop3A_619 = arith.remsi %parallel_loop3A_582, %parallel_loop3A_618 : vector<16xi32>
        %parallel_loop3A_620 = arith.constant 8.000000e+00 : f32
        %parallel_loop3A_621 = vector.broadcast %parallel_loop3A_620 : f32 to vector<16xf32>
        %parallel_loop3A_622 = arith.mulf %parallel_loop3A_585, %parallel_loop3A_621 : vector<16xf32>
        tpu.vector_store_idx %arg12[%parallel_loop3A_616, %parallel_loop3A_619, %parallel_loop3A_490], %parallel_loop3A_622 : memref<8x8x129xf32, #tpu.memory_space<vmem>>[vector<16xi32>, vector<16xi32>, vector<16xi32>], vector<16xf32>,
        %parallel_loop3A_623 = tpu.iota {dimensions = array<i32: 0>} : vector<16xi32>
        %parallel_loop3A_624 = arith.constant 48 : i32
        %parallel_loop3A_625 = vector.broadcast %parallel_loop3A_624 : i32 to vector<16xi32>
        %parallel_loop3A_626 = arith.addi %parallel_loop3A_623, %parallel_loop3A_625 : vector<16xi32>
        %parallel_loop3A_627 = arith.index_cast %parallel_loop3A_486 : i32 to index
        %parallel_loop3A_628 = arith.constant 48 : index
        %parallel_loop3A_629 = tpu.vector_load %arg8[%parallel_loop3A_627, %parallel_loop3A_628] {strides = array<i32>} : memref<128x64xf32, #tpu.memory_space<vmem>>, vector<16xf32>,
        %parallel_loop3A_630 = arith.constant 8 : i32
        %parallel_loop3A_631 = vector.broadcast %parallel_loop3A_630 : i32 to vector<16xi32>
        %parallel_loop3A_632 = arith.divsi %parallel_loop3A_626, %parallel_loop3A_631 : vector<16xi32>
        %parallel_loop3A_633 = arith.constant 0 : i32
        %parallel_loop3A_634 = vector.broadcast %parallel_loop3A_633 : i32 to vector<16xi32>
        %parallel_loop3A_635 = arith.cmpi sgt, %parallel_loop3A_626, %parallel_loop3A_634 : vector<16xi32>
        %parallel_loop3A_636 = arith.extui %parallel_loop3A_635 : vector<16xi1> to vector<16xi32>
        %parallel_loop3A_637 = arith.constant 0 : i32
        %parallel_loop3A_638 = vector.broadcast %parallel_loop3A_637 : i32 to vector<16xi32>
        %parallel_loop3A_639 = arith.cmpi slt, %parallel_loop3A_626, %parallel_loop3A_638 : vector<16xi32>
        %parallel_loop3A_640 = arith.extui %parallel_loop3A_639 : vector<16xi1> to vector<16xi32>
        %parallel_loop3A_641 = arith.subi %parallel_loop3A_636, %parallel_loop3A_640 : vector<16xi32>
        %parallel_loop3A_642 = arith.constant 0 : i32
        %parallel_loop3A_643 = arith.cmpi sgt, %parallel_loop3A_630, %parallel_loop3A_642 : i32
        %parallel_loop3A_644 = arith.extui %parallel_loop3A_643 : i1 to i32
        %parallel_loop3A_645 = arith.constant 0 : i32
        %parallel_loop3A_646 = arith.cmpi slt, %parallel_loop3A_630, %parallel_loop3A_645 : i32
        %parallel_loop3A_647 = arith.extui %parallel_loop3A_646 : i1 to i32
        %parallel_loop3A_648 = arith.subi %parallel_loop3A_644, %parallel_loop3A_647 : i32
        %parallel_loop3A_649 = vector.broadcast %parallel_loop3A_648 : i32 to vector<16xi32>
        %parallel_loop3A_650 = arith.cmpi ne, %parallel_loop3A_641, %parallel_loop3A_649 : vector<16xi32>
        %parallel_loop3A_651 = vector.broadcast %parallel_loop3A_630 : i32 to vector<16xi32>
        %parallel_loop3A_652 = arith.remsi %parallel_loop3A_626, %parallel_loop3A_651 : vector<16xi32>
        %parallel_loop3A_653 = arith.constant 0 : i32
        %parallel_loop3A_654 = vector.broadcast %parallel_loop3A_653 : i32 to vector<16xi32>
        %parallel_loop3A_655 = arith.cmpi ne, %parallel_loop3A_652, %parallel_loop3A_654 : vector<16xi32>
        %parallel_loop3A_656 = arith.andi %parallel_loop3A_650, %parallel_loop3A_655 : vector<16xi1>
        %parallel_loop3A_657 = arith.constant 1 : i32
        %parallel_loop3A_658 = vector.broadcast %parallel_loop3A_657 : i32 to vector<16xi32>
        %parallel_loop3A_659 = arith.subi %parallel_loop3A_632, %parallel_loop3A_658 : vector<16xi32>
        %parallel_loop3A_660 = arith.select %parallel_loop3A_656, %parallel_loop3A_659, %parallel_loop3A_632 : vector<16xi1>, vector<16xi32>
        %parallel_loop3A_661 = arith.constant 8 : i32
        %parallel_loop3A_662 = vector.broadcast %parallel_loop3A_661 : i32 to vector<16xi32>
        %parallel_loop3A_663 = arith.remsi %parallel_loop3A_626, %parallel_loop3A_662 : vector<16xi32>
        %parallel_loop3A_664 = arith.constant 8.000000e+00 : f32
        %parallel_loop3A_665 = vector.broadcast %parallel_loop3A_664 : f32 to vector<16xf32>
        %parallel_loop3A_666 = arith.mulf %parallel_loop3A_629, %parallel_loop3A_665 : vector<16xf32>
        tpu.vector_store_idx %arg12[%parallel_loop3A_660, %parallel_loop3A_663, %parallel_loop3A_490], %parallel_loop3A_666 : memref<8x8x129xf32, #tpu.memory_space<vmem>>[vector<16xi32>, vector<16xi32>, vector<16xi32>], vector<16xf32>,
      } {sc.loop_unroll_factor = 2 : i64, sc.parallel_access}
      %add3A_314 = arith.addi %mul3A_2, %add3A_294 : i32
      %jit3A_315 = arith.constant 256 : i32
      %div3A_316 = arith.divsi %add3A_314, %jit3A_315 : i32
      %sign3A_317 = arith.constant 0 : i32
      %sign3A_318 = arith.cmpi sgt, %add3A_314, %sign3A_317 : i32
      %sign3A_319 = arith.extui %sign3A_318 : i1 to i32
      %sign3A_320 = arith.constant 0 : i32
      %sign3A_321 = arith.cmpi slt, %add3A_314, %sign3A_320 : i32
      %sign3A_322 = arith.extui %sign3A_321 : i1 to i32
      %sign3A_323 = arith.subi %sign3A_319, %sign3A_322 : i32
      %sign3A_324 = arith.constant 0 : i32
      %sign3A_325 = arith.cmpi sgt, %jit3A_315, %sign3A_324 : i32
      %sign3A_326 = arith.extui %sign3A_325 : i1 to i32
      %sign3A_327 = arith.constant 0 : i32
      %sign3A_328 = arith.cmpi slt, %jit3A_315, %sign3A_327 : i32
      %sign3A_329 = arith.extui %sign3A_328 : i1 to i32
      %sign3A_330 = arith.subi %sign3A_326, %sign3A_329 : i32
      %ne3A_331 = arith.cmpi ne, %sign3A_323, %sign3A_330 : i32
      %rem3A_332 = arith.remsi %add3A_314, %jit3A_315 : i32
      %ne3A_333 = arith.constant 0 : i32
      %ne3A_334 = arith.cmpi ne, %rem3A_332, %ne3A_333 : i32
      %and3A_335 = arith.andi %ne3A_331, %ne3A_334 : i1
      %sub3A_336 = arith.constant 1 : i32
      %sub3A_337 = arith.subi %div3A_316, %sub3A_336 : i32
      %select_n3A_338 = arith.select %and3A_335, %sub3A_337, %div3A_316 : i32
      %mul3A_339 = arith.constant 8 : i32
      %mul3A_340 = arith.muli %select_n3A_338, %mul3A_339 : i32
      %rem3A_341 = arith.constant 8 : i32
      %rem3A_342 = arith.remsi %add3A_314, %rem3A_341 : i32
      %add3A_343 = arith.addi %mul3A_340, %rem3A_342 : i32
      %jit3A_344 = arith.constant 8 : i32
      %div3A_345 = arith.divsi %add3A_314, %jit3A_344 : i32
      %sign3A_346 = arith.constant 0 : i32
      %sign3A_347 = arith.cmpi sgt, %add3A_314, %sign3A_346 : i32
      %sign3A_348 = arith.extui %sign3A_347 : i1 to i32
      %sign3A_349 = arith.constant 0 : i32
      %sign3A_350 = arith.cmpi slt, %add3A_314, %sign3A_349 : i32
      %sign3A_351 = arith.extui %sign3A_350 : i1 to i32
      %sign3A_352 = arith.subi %sign3A_348, %sign3A_351 : i32
      %sign3A_353 = arith.constant 0 : i32
      %sign3A_354 = arith.cmpi sgt, %jit3A_344, %sign3A_353 : i32
      %sign3A_355 = arith.extui %sign3A_354 : i1 to i32
      %sign3A_356 = arith.constant 0 : i32
      %sign3A_357 = arith.cmpi slt, %jit3A_344, %sign3A_356 : i32
      %sign3A_358 = arith.extui %sign3A_357 : i1 to i32
      %sign3A_359 = arith.subi %sign3A_355, %sign3A_358 : i32
      %ne3A_360 = arith.cmpi ne, %sign3A_352, %sign3A_359 : i32
      %rem3A_361 = arith.remsi %add3A_314, %jit3A_344 : i32
      %ne3A_362 = arith.constant 0 : i32
      %ne3A_363 = arith.cmpi ne, %rem3A_361, %ne3A_362 : i32
      %and3A_364 = arith.andi %ne3A_360, %ne3A_363 : i1
      %sub3A_365 = arith.constant 1 : i32
      %sub3A_366 = arith.subi %div3A_345, %sub3A_365 : i32
      %select_n3A_367 = arith.select %and3A_364, %sub3A_366, %div3A_345 : i32
      %rem3A_368 = arith.constant 32 : i32
      %rem3A_369 = arith.remsi %select_n3A_367, %rem3A_368 : i32
      %dma_start3A_370 = arith.constant 0 : i32
      %dma_start3A_371 = arith.constant 0 : i32
      %dma_start3A_372 = arith.constant 0 : i32
      %dma_start3A_373 = tpu.memref_slice %arg12[%dma_start3A_370, %dma_start3A_371, %dma_start3A_372] : memref<8x8x129xf32, #tpu.memory_space<vmem>> -> memref<8x8x128xf32, #tpu.memory_space<vmem>>
      %dma_start3A_374 = arith.constant 0 : i32
      %dma_start3A_375 = arith.constant 0 : i32
      %dma_start3A_376 = arith.constant 0 : i32
      %dma_start3A_377 = tpu.memref_slice %arg4[%add3A_343, %dma_start3A_374, %rem3A_369, %dma_start3A_375, %dma_start3A_376] : memref<200x8x32x8x128xf32, #tpu.memory_space<hbm>> -> memref<1x8x1x8x128xf32, #tpu.memory_space<hbm>>
      %dma_start3A_378 = tpu.memref_squeeze %dma_start3A_377 : memref<1x8x1x8x128xf32, #tpu.memory_space<hbm>> -> memref<8x8x128xf32, #tpu.memory_space<hbm>>
      %dma_start3A_379 = arith.constant 0 : i32
      %dma_start3A_380 = arith.constant 0 : i32
      %dma_start3A_381 = arith.constant 0 : i32
      %dma_start3A_382 = tpu.memref_slice %arg4[%add3A_343, %dma_start3A_379, %rem3A_369, %dma_start3A_380, %dma_start3A_381] : memref<200x8x32x8x128xf32, #tpu.memory_space<hbm>> -> memref<1x8x1x8x128xf32, #tpu.memory_space<hbm>>
      %dma_start3A_383 = tpu.memref_squeeze %dma_start3A_382 : memref<1x8x1x8x128xf32, #tpu.memory_space<hbm>> -> memref<8x8x128xf32, #tpu.memory_space<hbm>>
      %dma_start3A_384 = arith.constant 0 : i32
      %dma_start3A_385 = arith.constant 0 : i32
      %dma_start3A_386 = arith.constant 0 : i32
      %dma_start3A_387 = tpu.memref_slice %arg12[%dma_start3A_384, %dma_start3A_385, %dma_start3A_386] : memref<8x8x129xf32, #tpu.memory_space<vmem>> -> memref<8x8x128xf32, #tpu.memory_space<vmem>>
      tpu.enqueue_dma source(%dma_start3A_387 : memref<8x8x128xf32, #tpu.memory_space<vmem>>) target(%dma_start3A_383 : memref<8x8x128xf32, #tpu.memory_space<hbm>>) target_semaphore(%arg20 : memref<!tpu.dma_semaphore, #tpu.memory_space<semaphore_mem>>)
      %mul3A_388 = arith.constant 4 : i32
      %mul3A_389 = arith.muli %scan3A_100, %mul3A_388 : i32
      %add3A_390 = arith.constant 3 : i32
      %add3A_391 = arith.addi %mul3A_389, %add3A_390 : i32
      %lt3A_392 = arith.constant 49 : i32
      %lt3A_393 = arith.cmpi slt, %scan3A_100, %lt3A_392 : i32
      %convert_element_type3A_394 = arith.extui %lt3A_393 : i1 to i32
      %cond3A_395 = arith.constant 0 : i32
      %cond3A_396 = arith.cmpi ne, %convert_element_type3A_394, %cond3A_395 : i32
      scf.if %cond3A_396 {
        %add3A_486 = arith.constant 2 : i32
        %add3A_487 = arith.addi %add3A_391, %add3A_486 : i32
        %dma_start3A_488 = arith.constant 0 : i32
        %dma_start3A_489 = tpu.memref_slice %arg5[%add3A_487, %dma_start3A_488] : memref<200x128xi32, #tpu.memory_space<vmem>> -> memref<1x128xi32, #tpu.memory_space<vmem>>
        %dma_start3A_490 = tpu.memref_squeeze %dma_start3A_489 : memref<1x128xi32, #tpu.memory_space<vmem>> -> memref<128xi32, #tpu.memory_space<vmem>>
        %dma_start3A_491 = arith.constant 0 : i32
        %dma_start3A_492 = arith.constant 0 : i32
        %dma_start3A_493 = tpu.memref_slice %arg3[%dma_start3A_491, %dma_start3A_492] : memref<1000000x64xf32, #tpu.memory_space<hbm>> -> memref<1000000x64xf32, #tpu.memory_space<hbm>>
        tpu.enqueue_indirect_dma source(%dma_start3A_493 : memref<1000000x64xf32, #tpu.memory_space<hbm>>) target(%arg7 : memref<128x64xf32, #tpu.memory_space<vmem>>) offsets(%dma_start3A_490 : memref<128xi32, #tpu.memory_space<vmem>>) semaphore(%arg15 : memref<!tpu.dma_semaphore, #tpu.memory_space<semaphore_mem>>)
      } else {
      }
      %dma_wait3A_397 = arith.constant 0 : i32
      %dma_wait3A_398 = arith.constant 0 : i32
      %dma_wait3A_399 = tpu.memref_slice %arg5[%dma_wait3A_397, %dma_wait3A_398] : memref<200x128xi32, #tpu.memory_space<vmem>> -> memref<1x128xi32, #tpu.memory_space<vmem>>
      %dma_wait3A_400 = tpu.memref_squeeze %dma_wait3A_399 : memref<1x128xi32, #tpu.memory_space<vmem>> -> memref<128xi32, #tpu.memory_space<vmem>>
      %dma_wait3A_401 = arith.constant 0 : i32
      %dma_wait3A_402 = arith.constant 0 : i32
      %dma_wait3A_403 = tpu.memref_slice %arg3[%dma_wait3A_401, %dma_wait3A_402] : memref<1000000x64xf32, #tpu.memory_space<hbm>> -> memref<1000000x64xf32, #tpu.memory_space<hbm>>
      tpu.wait_indirect_dma semaphore(%arg17 : memref<!tpu.dma_semaphore, #tpu.memory_space<semaphore_mem>>) src(%dma_wait3A_403 : memref<1000000x64xf32, #tpu.memory_space<hbm>>) dst(%arg9 : memref<128x64xf32, #tpu.memory_space<vmem>>)
      %gt3A_404 = arith.constant 0 : i32
      %gt3A_405 = arith.cmpi sgt, %scan3A_100, %gt3A_404 : i32
      %convert_element_type3A_406 = arith.extui %gt3A_405 : i1 to i32
      %cond3A_407 = arith.constant 0 : i32
      %cond3A_408 = arith.cmpi ne, %convert_element_type3A_406, %cond3A_407 : i32
      scf.if %cond3A_408 {
        %dma_wait3A_486 = arith.constant 0 : i32
        %dma_wait3A_487 = arith.constant 0 : i32
        %dma_wait3A_488 = arith.constant 0 : i32
        %dma_wait3A_489 = arith.constant 0 : i32
        %dma_wait3A_490 = arith.constant 0 : i32
        %dma_wait3A_491 = tpu.memref_slice %arg13[%dma_wait3A_488, %dma_wait3A_489, %dma_wait3A_490] : memref<8x8x129xf32, #tpu.memory_space<vmem>> -> memref<8x8x128xf32, #tpu.memory_space<vmem>>
        %dma_wait3A_492 = arith.constant 0 : i32
        %dma_wait3A_493 = arith.constant 0 : i32
        %dma_wait3A_494 = arith.constant 0 : i32
        %dma_wait3A_495 = tpu.memref_slice %arg4[%dma_wait3A_486, %dma_wait3A_492, %dma_wait3A_487, %dma_wait3A_493, %dma_wait3A_494] : memref<200x8x32x8x128xf32, #tpu.memory_space<hbm>> -> memref<1x8x1x8x128xf32, #tpu.memory_space<hbm>>
        %dma_wait3A_496 = tpu.memref_squeeze %dma_wait3A_495 : memref<1x8x1x8x128xf32, #tpu.memory_space<hbm>> -> memref<8x8x128xf32, #tpu.memory_space<hbm>>
        %dma_wait3A_497 = arith.constant 0 : i32
        %dma_wait3A_498 = arith.constant 0 : i32
        %dma_wait3A_499 = arith.constant 0 : i32
        %dma_wait3A_500 = tpu.memref_slice %arg4[%dma_wait3A_486, %dma_wait3A_497, %dma_wait3A_487, %dma_wait3A_498, %dma_wait3A_499] : memref<200x8x32x8x128xf32, #tpu.memory_space<hbm>> -> memref<1x8x1x8x128xf32, #tpu.memory_space<hbm>>
        %dma_wait3A_501 = tpu.memref_squeeze %dma_wait3A_500 : memref<1x8x1x8x128xf32, #tpu.memory_space<hbm>> -> memref<8x8x128xf32, #tpu.memory_space<hbm>>
        %dma_wait3A_502 = arith.constant 0 : i32
        %dma_wait3A_503 = arith.constant 0 : i32
        %dma_wait3A_504 = arith.constant 0 : i32
        %dma_wait3A_505 = tpu.memref_slice %arg13[%dma_wait3A_502, %dma_wait3A_503, %dma_wait3A_504] : memref<8x8x129xf32, #tpu.memory_space<vmem>> -> memref<8x8x128xf32, #tpu.memory_space<vmem>>
        tpu.wait_dma2 semaphore(%arg21 : memref<!tpu.dma_semaphore, #tpu.memory_space<semaphore_mem>>) src(%dma_wait3A_505 : memref<8x8x128xf32, #tpu.memory_space<vmem>>) dst(%dma_wait3A_501 : memref<8x8x128xf32, #tpu.memory_space<hbm>>)
      } else {
      }
      %parallel_loop3A_409 = arith.constant 0 : i32
      %parallel_loop3A_410 = arith.constant 128 : i32
      %parallel_loop3A_411 = arith.constant 1 : i32
      scf.for %parallel_loop3A_486 = %parallel_loop3A_409 to %parallel_loop3A_410 step %parallel_loop3A_411  : i32 {
        %parallel_loop3A_487 = arith.constant 0 : i32
        %parallel_loop3A_488 = vector.broadcast %parallel_loop3A_487 : i32 to vector<16xi32>
        %parallel_loop3A_489 = vector.broadcast %parallel_loop3A_486 : i32 to vector<16xi32>
        %parallel_loop3A_490 = arith.addi %parallel_loop3A_488, %parallel_loop3A_489 : vector<16xi32>
        %parallel_loop3A_491 = tpu.iota {dimensions = array<i32: 0>} : vector<16xi32>
        %parallel_loop3A_492 = arith.constant 0 : i32
        %parallel_loop3A_493 = vector.broadcast %parallel_loop3A_492 : i32 to vector<16xi32>
        %parallel_loop3A_494 = arith.addi %parallel_loop3A_491, %parallel_loop3A_493 : vector<16xi32>
        %parallel_loop3A_495 = arith.index_cast %parallel_loop3A_486 : i32 to index
        %parallel_loop3A_496 = arith.constant 0 : index
        %parallel_loop3A_497 = tpu.vector_load %arg9[%parallel_loop3A_495, %parallel_loop3A_496] {strides = array<i32>} : memref<128x64xf32, #tpu.memory_space<vmem>>, vector<16xf32>,
        %parallel_loop3A_498 = arith.constant 8 : i32
        %parallel_loop3A_499 = vector.broadcast %parallel_loop3A_498 : i32 to vector<16xi32>
        %parallel_loop3A_500 = arith.divsi %parallel_loop3A_494, %parallel_loop3A_499 : vector<16xi32>
        %parallel_loop3A_501 = arith.constant 0 : i32
        %parallel_loop3A_502 = vector.broadcast %parallel_loop3A_501 : i32 to vector<16xi32>
        %parallel_loop3A_503 = arith.cmpi sgt, %parallel_loop3A_494, %parallel_loop3A_502 : vector<16xi32>
        %parallel_loop3A_504 = arith.extui %parallel_loop3A_503 : vector<16xi1> to vector<16xi32>
        %parallel_loop3A_505 = arith.constant 0 : i32
        %parallel_loop3A_506 = vector.broadcast %parallel_loop3A_505 : i32 to vector<16xi32>
        %parallel_loop3A_507 = arith.cmpi slt, %parallel_loop3A_494, %parallel_loop3A_506 : vector<16xi32>
        %parallel_loop3A_508 = arith.extui %parallel_loop3A_507 : vector<16xi1> to vector<16xi32>
        %parallel_loop3A_509 = arith.subi %parallel_loop3A_504, %parallel_loop3A_508 : vector<16xi32>
        %parallel_loop3A_510 = arith.constant 0 : i32
        %parallel_loop3A_511 = arith.cmpi sgt, %parallel_loop3A_498, %parallel_loop3A_510 : i32
        %parallel_loop3A_512 = arith.extui %parallel_loop3A_511 : i1 to i32
        %parallel_loop3A_513 = arith.constant 0 : i32
        %parallel_loop3A_514 = arith.cmpi slt, %parallel_loop3A_498, %parallel_loop3A_513 : i32
        %parallel_loop3A_515 = arith.extui %parallel_loop3A_514 : i1 to i32
        %parallel_loop3A_516 = arith.subi %parallel_loop3A_512, %parallel_loop3A_515 : i32
        %parallel_loop3A_517 = vector.broadcast %parallel_loop3A_516 : i32 to vector<16xi32>
        %parallel_loop3A_518 = arith.cmpi ne, %parallel_loop3A_509, %parallel_loop3A_517 : vector<16xi32>
        %parallel_loop3A_519 = vector.broadcast %parallel_loop3A_498 : i32 to vector<16xi32>
        %parallel_loop3A_520 = arith.remsi %parallel_loop3A_494, %parallel_loop3A_519 : vector<16xi32>
        %parallel_loop3A_521 = arith.constant 0 : i32
        %parallel_loop3A_522 = vector.broadcast %parallel_loop3A_521 : i32 to vector<16xi32>
        %parallel_loop3A_523 = arith.cmpi ne, %parallel_loop3A_520, %parallel_loop3A_522 : vector<16xi32>
        %parallel_loop3A_524 = arith.andi %parallel_loop3A_518, %parallel_loop3A_523 : vector<16xi1>
        %parallel_loop3A_525 = arith.constant 1 : i32
        %parallel_loop3A_526 = vector.broadcast %parallel_loop3A_525 : i32 to vector<16xi32>
        %parallel_loop3A_527 = arith.subi %parallel_loop3A_500, %parallel_loop3A_526 : vector<16xi32>
        %parallel_loop3A_528 = arith.select %parallel_loop3A_524, %parallel_loop3A_527, %parallel_loop3A_500 : vector<16xi1>, vector<16xi32>
        %parallel_loop3A_529 = arith.constant 8 : i32
        %parallel_loop3A_530 = vector.broadcast %parallel_loop3A_529 : i32 to vector<16xi32>
        %parallel_loop3A_531 = arith.remsi %parallel_loop3A_494, %parallel_loop3A_530 : vector<16xi32>
        %parallel_loop3A_532 = arith.constant 8.000000e+00 : f32
        %parallel_loop3A_533 = vector.broadcast %parallel_loop3A_532 : f32 to vector<16xf32>
        %parallel_loop3A_534 = arith.mulf %parallel_loop3A_497, %parallel_loop3A_533 : vector<16xf32>
        tpu.vector_store_idx %arg13[%parallel_loop3A_528, %parallel_loop3A_531, %parallel_loop3A_490], %parallel_loop3A_534 : memref<8x8x129xf32, #tpu.memory_space<vmem>>[vector<16xi32>, vector<16xi32>, vector<16xi32>], vector<16xf32>,
        %parallel_loop3A_535 = tpu.iota {dimensions = array<i32: 0>} : vector<16xi32>
        %parallel_loop3A_536 = arith.constant 16 : i32
        %parallel_loop3A_537 = vector.broadcast %parallel_loop3A_536 : i32 to vector<16xi32>
        %parallel_loop3A_538 = arith.addi %parallel_loop3A_535, %parallel_loop3A_537 : vector<16xi32>
        %parallel_loop3A_539 = arith.index_cast %parallel_loop3A_486 : i32 to index
        %parallel_loop3A_540 = arith.constant 16 : index
        %parallel_loop3A_541 = tpu.vector_load %arg9[%parallel_loop3A_539, %parallel_loop3A_540] {strides = array<i32>} : memref<128x64xf32, #tpu.memory_space<vmem>>, vector<16xf32>,
        %parallel_loop3A_542 = arith.constant 8 : i32
        %parallel_loop3A_543 = vector.broadcast %parallel_loop3A_542 : i32 to vector<16xi32>
        %parallel_loop3A_544 = arith.divsi %parallel_loop3A_538, %parallel_loop3A_543 : vector<16xi32>
        %parallel_loop3A_545 = arith.constant 0 : i32
        %parallel_loop3A_546 = vector.broadcast %parallel_loop3A_545 : i32 to vector<16xi32>
        %parallel_loop3A_547 = arith.cmpi sgt, %parallel_loop3A_538, %parallel_loop3A_546 : vector<16xi32>
        %parallel_loop3A_548 = arith.extui %parallel_loop3A_547 : vector<16xi1> to vector<16xi32>
        %parallel_loop3A_549 = arith.constant 0 : i32
        %parallel_loop3A_550 = vector.broadcast %parallel_loop3A_549 : i32 to vector<16xi32>
        %parallel_loop3A_551 = arith.cmpi slt, %parallel_loop3A_538, %parallel_loop3A_550 : vector<16xi32>
        %parallel_loop3A_552 = arith.extui %parallel_loop3A_551 : vector<16xi1> to vector<16xi32>
        %parallel_loop3A_553 = arith.subi %parallel_loop3A_548, %parallel_loop3A_552 : vector<16xi32>
        %parallel_loop3A_554 = arith.constant 0 : i32
        %parallel_loop3A_555 = arith.cmpi sgt, %parallel_loop3A_542, %parallel_loop3A_554 : i32
        %parallel_loop3A_556 = arith.extui %parallel_loop3A_555 : i1 to i32
        %parallel_loop3A_557 = arith.constant 0 : i32
        %parallel_loop3A_558 = arith.cmpi slt, %parallel_loop3A_542, %parallel_loop3A_557 : i32
        %parallel_loop3A_559 = arith.extui %parallel_loop3A_558 : i1 to i32
        %parallel_loop3A_560 = arith.subi %parallel_loop3A_556, %parallel_loop3A_559 : i32
        %parallel_loop3A_561 = vector.broadcast %parallel_loop3A_560 : i32 to vector<16xi32>
        %parallel_loop3A_562 = arith.cmpi ne, %parallel_loop3A_553, %parallel_loop3A_561 : vector<16xi32>
        %parallel_loop3A_563 = vector.broadcast %parallel_loop3A_542 : i32 to vector<16xi32>
        %parallel_loop3A_564 = arith.remsi %parallel_loop3A_538, %parallel_loop3A_563 : vector<16xi32>
        %parallel_loop3A_565 = arith.constant 0 : i32
        %parallel_loop3A_566 = vector.broadcast %parallel_loop3A_565 : i32 to vector<16xi32>
        %parallel_loop3A_567 = arith.cmpi ne, %parallel_loop3A_564, %parallel_loop3A_566 : vector<16xi32>
        %parallel_loop3A_568 = arith.andi %parallel_loop3A_562, %parallel_loop3A_567 : vector<16xi1>
        %parallel_loop3A_569 = arith.constant 1 : i32
        %parallel_loop3A_570 = vector.broadcast %parallel_loop3A_569 : i32 to vector<16xi32>
        %parallel_loop3A_571 = arith.subi %parallel_loop3A_544, %parallel_loop3A_570 : vector<16xi32>
        %parallel_loop3A_572 = arith.select %parallel_loop3A_568, %parallel_loop3A_571, %parallel_loop3A_544 : vector<16xi1>, vector<16xi32>
        %parallel_loop3A_573 = arith.constant 8 : i32
        %parallel_loop3A_574 = vector.broadcast %parallel_loop3A_573 : i32 to vector<16xi32>
        %parallel_loop3A_575 = arith.remsi %parallel_loop3A_538, %parallel_loop3A_574 : vector<16xi32>
        %parallel_loop3A_576 = arith.constant 8.000000e+00 : f32
        %parallel_loop3A_577 = vector.broadcast %parallel_loop3A_576 : f32 to vector<16xf32>
        %parallel_loop3A_578 = arith.mulf %parallel_loop3A_541, %parallel_loop3A_577 : vector<16xf32>
        tpu.vector_store_idx %arg13[%parallel_loop3A_572, %parallel_loop3A_575, %parallel_loop3A_490], %parallel_loop3A_578 : memref<8x8x129xf32, #tpu.memory_space<vmem>>[vector<16xi32>, vector<16xi32>, vector<16xi32>], vector<16xf32>,
        %parallel_loop3A_579 = tpu.iota {dimensions = array<i32: 0>} : vector<16xi32>
        %parallel_loop3A_580 = arith.constant 32 : i32
        %parallel_loop3A_581 = vector.broadcast %parallel_loop3A_580 : i32 to vector<16xi32>
        %parallel_loop3A_582 = arith.addi %parallel_loop3A_579, %parallel_loop3A_581 : vector<16xi32>
        %parallel_loop3A_583 = arith.index_cast %parallel_loop3A_486 : i32 to index
        %parallel_loop3A_584 = arith.constant 32 : index
        %parallel_loop3A_585 = tpu.vector_load %arg9[%parallel_loop3A_583, %parallel_loop3A_584] {strides = array<i32>} : memref<128x64xf32, #tpu.memory_space<vmem>>, vector<16xf32>,
        %parallel_loop3A_586 = arith.constant 8 : i32
        %parallel_loop3A_587 = vector.broadcast %parallel_loop3A_586 : i32 to vector<16xi32>
        %parallel_loop3A_588 = arith.divsi %parallel_loop3A_582, %parallel_loop3A_587 : vector<16xi32>
        %parallel_loop3A_589 = arith.constant 0 : i32
        %parallel_loop3A_590 = vector.broadcast %parallel_loop3A_589 : i32 to vector<16xi32>
        %parallel_loop3A_591 = arith.cmpi sgt, %parallel_loop3A_582, %parallel_loop3A_590 : vector<16xi32>
        %parallel_loop3A_592 = arith.extui %parallel_loop3A_591 : vector<16xi1> to vector<16xi32>
        %parallel_loop3A_593 = arith.constant 0 : i32
        %parallel_loop3A_594 = vector.broadcast %parallel_loop3A_593 : i32 to vector<16xi32>
        %parallel_loop3A_595 = arith.cmpi slt, %parallel_loop3A_582, %parallel_loop3A_594 : vector<16xi32>
        %parallel_loop3A_596 = arith.extui %parallel_loop3A_595 : vector<16xi1> to vector<16xi32>
        %parallel_loop3A_597 = arith.subi %parallel_loop3A_592, %parallel_loop3A_596 : vector<16xi32>
        %parallel_loop3A_598 = arith.constant 0 : i32
        %parallel_loop3A_599 = arith.cmpi sgt, %parallel_loop3A_586, %parallel_loop3A_598 : i32
        %parallel_loop3A_600 = arith.extui %parallel_loop3A_599 : i1 to i32
        %parallel_loop3A_601 = arith.constant 0 : i32
        %parallel_loop3A_602 = arith.cmpi slt, %parallel_loop3A_586, %parallel_loop3A_601 : i32
        %parallel_loop3A_603 = arith.extui %parallel_loop3A_602 : i1 to i32
        %parallel_loop3A_604 = arith.subi %parallel_loop3A_600, %parallel_loop3A_603 : i32
        %parallel_loop3A_605 = vector.broadcast %parallel_loop3A_604 : i32 to vector<16xi32>
        %parallel_loop3A_606 = arith.cmpi ne, %parallel_loop3A_597, %parallel_loop3A_605 : vector<16xi32>
        %parallel_loop3A_607 = vector.broadcast %parallel_loop3A_586 : i32 to vector<16xi32>
        %parallel_loop3A_608 = arith.remsi %parallel_loop3A_582, %parallel_loop3A_607 : vector<16xi32>
        %parallel_loop3A_609 = arith.constant 0 : i32
        %parallel_loop3A_610 = vector.broadcast %parallel_loop3A_609 : i32 to vector<16xi32>
        %parallel_loop3A_611 = arith.cmpi ne, %parallel_loop3A_608, %parallel_loop3A_610 : vector<16xi32>
        %parallel_loop3A_612 = arith.andi %parallel_loop3A_606, %parallel_loop3A_611 : vector<16xi1>
        %parallel_loop3A_613 = arith.constant 1 : i32
        %parallel_loop3A_614 = vector.broadcast %parallel_loop3A_613 : i32 to vector<16xi32>
        %parallel_loop3A_615 = arith.subi %parallel_loop3A_588, %parallel_loop3A_614 : vector<16xi32>
        %parallel_loop3A_616 = arith.select %parallel_loop3A_612, %parallel_loop3A_615, %parallel_loop3A_588 : vector<16xi1>, vector<16xi32>
        %parallel_loop3A_617 = arith.constant 8 : i32
        %parallel_loop3A_618 = vector.broadcast %parallel_loop3A_617 : i32 to vector<16xi32>
        %parallel_loop3A_619 = arith.remsi %parallel_loop3A_582, %parallel_loop3A_618 : vector<16xi32>
        %parallel_loop3A_620 = arith.constant 8.000000e+00 : f32
        %parallel_loop3A_621 = vector.broadcast %parallel_loop3A_620 : f32 to vector<16xf32>
        %parallel_loop3A_622 = arith.mulf %parallel_loop3A_585, %parallel_loop3A_621 : vector<16xf32>
        tpu.vector_store_idx %arg13[%parallel_loop3A_616, %parallel_loop3A_619, %parallel_loop3A_490], %parallel_loop3A_622 : memref<8x8x129xf32, #tpu.memory_space<vmem>>[vector<16xi32>, vector<16xi32>, vector<16xi32>], vector<16xf32>,
        %parallel_loop3A_623 = tpu.iota {dimensions = array<i32: 0>} : vector<16xi32>
        %parallel_loop3A_624 = arith.constant 48 : i32
        %parallel_loop3A_625 = vector.broadcast %parallel_loop3A_624 : i32 to vector<16xi32>
        %parallel_loop3A_626 = arith.addi %parallel_loop3A_623, %parallel_loop3A_625 : vector<16xi32>
        %parallel_loop3A_627 = arith.index_cast %parallel_loop3A_486 : i32 to index
        %parallel_loop3A_628 = arith.constant 48 : index
        %parallel_loop3A_629 = tpu.vector_load %arg9[%parallel_loop3A_627, %parallel_loop3A_628] {strides = array<i32>} : memref<128x64xf32, #tpu.memory_space<vmem>>, vector<16xf32>,
        %parallel_loop3A_630 = arith.constant 8 : i32
        %parallel_loop3A_631 = vector.broadcast %parallel_loop3A_630 : i32 to vector<16xi32>
        %parallel_loop3A_632 = arith.divsi %parallel_loop3A_626, %parallel_loop3A_631 : vector<16xi32>
        %parallel_loop3A_633 = arith.constant 0 : i32
        %parallel_loop3A_634 = vector.broadcast %parallel_loop3A_633 : i32 to vector<16xi32>
        %parallel_loop3A_635 = arith.cmpi sgt, %parallel_loop3A_626, %parallel_loop3A_634 : vector<16xi32>
        %parallel_loop3A_636 = arith.extui %parallel_loop3A_635 : vector<16xi1> to vector<16xi32>
        %parallel_loop3A_637 = arith.constant 0 : i32
        %parallel_loop3A_638 = vector.broadcast %parallel_loop3A_637 : i32 to vector<16xi32>
        %parallel_loop3A_639 = arith.cmpi slt, %parallel_loop3A_626, %parallel_loop3A_638 : vector<16xi32>
        %parallel_loop3A_640 = arith.extui %parallel_loop3A_639 : vector<16xi1> to vector<16xi32>
        %parallel_loop3A_641 = arith.subi %parallel_loop3A_636, %parallel_loop3A_640 : vector<16xi32>
        %parallel_loop3A_642 = arith.constant 0 : i32
        %parallel_loop3A_643 = arith.cmpi sgt, %parallel_loop3A_630, %parallel_loop3A_642 : i32
        %parallel_loop3A_644 = arith.extui %parallel_loop3A_643 : i1 to i32
        %parallel_loop3A_645 = arith.constant 0 : i32
        %parallel_loop3A_646 = arith.cmpi slt, %parallel_loop3A_630, %parallel_loop3A_645 : i32
        %parallel_loop3A_647 = arith.extui %parallel_loop3A_646 : i1 to i32
        %parallel_loop3A_648 = arith.subi %parallel_loop3A_644, %parallel_loop3A_647 : i32
        %parallel_loop3A_649 = vector.broadcast %parallel_loop3A_648 : i32 to vector<16xi32>
        %parallel_loop3A_650 = arith.cmpi ne, %parallel_loop3A_641, %parallel_loop3A_649 : vector<16xi32>
        %parallel_loop3A_651 = vector.broadcast %parallel_loop3A_630 : i32 to vector<16xi32>
        %parallel_loop3A_652 = arith.remsi %parallel_loop3A_626, %parallel_loop3A_651 : vector<16xi32>
        %parallel_loop3A_653 = arith.constant 0 : i32
        %parallel_loop3A_654 = vector.broadcast %parallel_loop3A_653 : i32 to vector<16xi32>
        %parallel_loop3A_655 = arith.cmpi ne, %parallel_loop3A_652, %parallel_loop3A_654 : vector<16xi32>
        %parallel_loop3A_656 = arith.andi %parallel_loop3A_650, %parallel_loop3A_655 : vector<16xi1>
        %parallel_loop3A_657 = arith.constant 1 : i32
        %parallel_loop3A_658 = vector.broadcast %parallel_loop3A_657 : i32 to vector<16xi32>
        %parallel_loop3A_659 = arith.subi %parallel_loop3A_632, %parallel_loop3A_658 : vector<16xi32>
        %parallel_loop3A_660 = arith.select %parallel_loop3A_656, %parallel_loop3A_659, %parallel_loop3A_632 : vector<16xi1>, vector<16xi32>
        %parallel_loop3A_661 = arith.constant 8 : i32
        %parallel_loop3A_662 = vector.broadcast %parallel_loop3A_661 : i32 to vector<16xi32>
        %parallel_loop3A_663 = arith.remsi %parallel_loop3A_626, %parallel_loop3A_662 : vector<16xi32>
        %parallel_loop3A_664 = arith.constant 8.000000e+00 : f32
        %parallel_loop3A_665 = vector.broadcast %parallel_loop3A_664 : f32 to vector<16xf32>
        %parallel_loop3A_666 = arith.mulf %parallel_loop3A_629, %parallel_loop3A_665 : vector<16xf32>
        tpu.vector_store_idx %arg13[%parallel_loop3A_660, %parallel_loop3A_663, %parallel_loop3A_490], %parallel_loop3A_666 : memref<8x8x129xf32, #tpu.memory_space<vmem>>[vector<16xi32>, vector<16xi32>, vector<16xi32>], vector<16xf32>,
      } {sc.loop_unroll_factor = 2 : i64, sc.parallel_access}
      %add3A_412 = arith.addi %mul3A_2, %add3A_391 : i32
      %jit3A_413 = arith.constant 256 : i32
      %div3A_414 = arith.divsi %add3A_412, %jit3A_413 : i32
      %sign3A_415 = arith.constant 0 : i32
      %sign3A_416 = arith.cmpi sgt, %add3A_412, %sign3A_415 : i32
      %sign3A_417 = arith.extui %sign3A_416 : i1 to i32
      %sign3A_418 = arith.constant 0 : i32
      %sign3A_419 = arith.cmpi slt, %add3A_412, %sign3A_418 : i32
      %sign3A_420 = arith.extui %sign3A_419 : i1 to i32
      %sign3A_421 = arith.subi %sign3A_417, %sign3A_420 : i32
      %sign3A_422 = arith.constant 0 : i32
      %sign3A_423 = arith.cmpi sgt, %jit3A_413, %sign3A_422 : i32
      %sign3A_424 = arith.extui %sign3A_423 : i1 to i32
      %sign3A_425 = arith.constant 0 : i32
      %sign3A_426 = arith.cmpi slt, %jit3A_413, %sign3A_425 : i32
      %sign3A_427 = arith.extui %sign3A_426 : i1 to i32
      %sign3A_428 = arith.subi %sign3A_424, %sign3A_427 : i32
      %ne3A_429 = arith.cmpi ne, %sign3A_421, %sign3A_428 : i32
      %rem3A_430 = arith.remsi %add3A_412, %jit3A_413 : i32
      %ne3A_431 = arith.constant 0 : i32
      %ne3A_432 = arith.cmpi ne, %rem3A_430, %ne3A_431 : i32
      %and3A_433 = arith.andi %ne3A_429, %ne3A_432 : i1
      %sub3A_434 = arith.constant 1 : i32
      %sub3A_435 = arith.subi %div3A_414, %sub3A_434 : i32
      %select_n3A_436 = arith.select %and3A_433, %sub3A_435, %div3A_414 : i32
      %mul3A_437 = arith.constant 8 : i32
      %mul3A_438 = arith.muli %select_n3A_436, %mul3A_437 : i32
      %rem3A_439 = arith.constant 8 : i32
      %rem3A_440 = arith.remsi %add3A_412, %rem3A_439 : i32
      %add3A_441 = arith.addi %mul3A_438, %rem3A_440 : i32
      %jit3A_442 = arith.constant 8 : i32
      %div3A_443 = arith.divsi %add3A_412, %jit3A_442 : i32
      %sign3A_444 = arith.constant 0 : i32
      %sign3A_445 = arith.cmpi sgt, %add3A_412, %sign3A_444 : i32
      %sign3A_446 = arith.extui %sign3A_445 : i1 to i32
      %sign3A_447 = arith.constant 0 : i32
      %sign3A_448 = arith.cmpi slt, %add3A_412, %sign3A_447 : i32
      %sign3A_449 = arith.extui %sign3A_448 : i1 to i32
      %sign3A_450 = arith.subi %sign3A_446, %sign3A_449 : i32
      %sign3A_451 = arith.constant 0 : i32
      %sign3A_452 = arith.cmpi sgt, %jit3A_442, %sign3A_451 : i32
      %sign3A_453 = arith.extui %sign3A_452 : i1 to i32
      %sign3A_454 = arith.constant 0 : i32
      %sign3A_455 = arith.cmpi slt, %jit3A_442, %sign3A_454 : i32
      %sign3A_456 = arith.extui %sign3A_455 : i1 to i32
      %sign3A_457 = arith.subi %sign3A_453, %sign3A_456 : i32
      %ne3A_458 = arith.cmpi ne, %sign3A_450, %sign3A_457 : i32
      %rem3A_459 = arith.remsi %add3A_412, %jit3A_442 : i32
      %ne3A_460 = arith.constant 0 : i32
      %ne3A_461 = arith.cmpi ne, %rem3A_459, %ne3A_460 : i32
      %and3A_462 = arith.andi %ne3A_458, %ne3A_461 : i1
      %sub3A_463 = arith.constant 1 : i32
      %sub3A_464 = arith.subi %div3A_443, %sub3A_463 : i32
      %select_n3A_465 = arith.select %and3A_462, %sub3A_464, %div3A_443 : i32
      %rem3A_466 = arith.constant 32 : i32
      %rem3A_467 = arith.remsi %select_n3A_465, %rem3A_466 : i32
      %dma_start3A_468 = arith.constant 0 : i32
      %dma_start3A_469 = arith.constant 0 : i32
      %dma_start3A_470 = arith.constant 0 : i32
      %dma_start3A_471 = tpu.memref_slice %arg13[%dma_start3A_468, %dma_start3A_469, %dma_start3A_470] : memref<8x8x129xf32, #tpu.memory_space<vmem>> -> memref<8x8x128xf32, #tpu.memory_space<vmem>>
      %dma_start3A_472 = arith.constant 0 : i32
      %dma_start3A_473 = arith.constant 0 : i32
      %dma_start3A_474 = arith.constant 0 : i32
      %dma_start3A_475 = tpu.memref_slice %arg4[%add3A_441, %dma_start3A_472, %rem3A_467, %dma_start3A_473, %dma_start3A_474] : memref<200x8x32x8x128xf32, #tpu.memory_space<hbm>> -> memref<1x8x1x8x128xf32, #tpu.memory_space<hbm>>
      %dma_start3A_476 = tpu.memref_squeeze %dma_start3A_475 : memref<1x8x1x8x128xf32, #tpu.memory_space<hbm>> -> memref<8x8x128xf32, #tpu.memory_space<hbm>>
      %dma_start3A_477 = arith.constant 0 : i32
      %dma_start3A_478 = arith.constant 0 : i32
      %dma_start3A_479 = arith.constant 0 : i32
      %dma_start3A_480 = tpu.memref_slice %arg4[%add3A_441, %dma_start3A_477, %rem3A_467, %dma_start3A_478, %dma_start3A_479] : memref<200x8x32x8x128xf32, #tpu.memory_space<hbm>> -> memref<1x8x1x8x128xf32, #tpu.memory_space<hbm>>
      %dma_start3A_481 = tpu.memref_squeeze %dma_start3A_480 : memref<1x8x1x8x128xf32, #tpu.memory_space<hbm>> -> memref<8x8x128xf32, #tpu.memory_space<hbm>>
      %dma_start3A_482 = arith.constant 0 : i32
      %dma_start3A_483 = arith.constant 0 : i32
      %dma_start3A_484 = arith.constant 0 : i32
      %dma_start3A_485 = tpu.memref_slice %arg13[%dma_start3A_482, %dma_start3A_483, %dma_start3A_484] : memref<8x8x129xf32, #tpu.memory_space<vmem>> -> memref<8x8x128xf32, #tpu.memory_space<vmem>>
      tpu.enqueue_dma source(%dma_start3A_485 : memref<8x8x128xf32, #tpu.memory_space<vmem>>) target(%dma_start3A_481 : memref<8x8x128xf32, #tpu.memory_space<hbm>>) target_semaphore(%arg21 : memref<!tpu.dma_semaphore, #tpu.memory_space<semaphore_mem>>)
    }
    %scan3A_20 = arith.constant 50 : i32
    %dma_wait3A = arith.constant 0 : i32
    %dma_wait3A_21 = arith.constant 0 : i32
    %dma_wait3A_22 = arith.constant 0 : i32
    %dma_wait3A_23 = arith.constant 0 : i32
    %dma_wait3A_24 = arith.constant 0 : i32
    %dma_wait3A_25 = tpu.memref_slice %arg10[%dma_wait3A_22, %dma_wait3A_23, %dma_wait3A_24] : memref<8x8x129xf32, #tpu.memory_space<vmem>> -> memref<8x8x128xf32, #tpu.memory_space<vmem>>
    %dma_wait3A_26 = arith.constant 0 : i32
    %dma_wait3A_27 = arith.constant 0 : i32
    %dma_wait3A_28 = arith.constant 0 : i32
    %dma_wait3A_29 = tpu.memref_slice %arg4[%dma_wait3A, %dma_wait3A_26, %dma_wait3A_21, %dma_wait3A_27, %dma_wait3A_28] : memref<200x8x32x8x128xf32, #tpu.memory_space<hbm>> -> memref<1x8x1x8x128xf32, #tpu.memory_space<hbm>>
    %dma_wait3A_30 = tpu.memref_squeeze %dma_wait3A_29 : memref<1x8x1x8x128xf32, #tpu.memory_space<hbm>> -> memref<8x8x128xf32, #tpu.memory_space<hbm>>
    %dma_wait3A_31 = arith.constant 0 : i32
    %dma_wait3A_32 = arith.constant 0 : i32
    %dma_wait3A_33 = arith.constant 0 : i32
    %dma_wait3A_34 = tpu.memref_slice %arg4[%dma_wait3A, %dma_wait3A_31, %dma_wait3A_21, %dma_wait3A_32, %dma_wait3A_33] : memref<200x8x32x8x128xf32, #tpu.memory_space<hbm>> -> memref<1x8x1x8x128xf32, #tpu.memory_space<hbm>>
    %dma_wait3A_35 = tpu.memref_squeeze %dma_wait3A_34 : memref<1x8x1x8x128xf32, #tpu.memory_space<hbm>> -> memref<8x8x128xf32, #tpu.memory_space<hbm>>
    %dma_wait3A_36 = arith.constant 0 : i32
    %dma_wait3A_37 = arith.constant 0 : i32
    %dma_wait3A_38 = arith.constant 0 : i32
    %dma_wait3A_39 = tpu.memref_slice %arg10[%dma_wait3A_36, %dma_wait3A_37, %dma_wait3A_38] : memref<8x8x129xf32, #tpu.memory_space<vmem>> -> memref<8x8x128xf32, #tpu.memory_space<vmem>>
    tpu.wait_dma2 semaphore(%arg18 : memref<!tpu.dma_semaphore, #tpu.memory_space<semaphore_mem>>) src(%dma_wait3A_39 : memref<8x8x128xf32, #tpu.memory_space<vmem>>) dst(%dma_wait3A_35 : memref<8x8x128xf32, #tpu.memory_space<hbm>>)
    %dma_wait3A_40 = arith.constant 0 : i32
    %dma_wait3A_41 = arith.constant 0 : i32
    %dma_wait3A_42 = arith.constant 0 : i32
    %dma_wait3A_43 = arith.constant 0 : i32
    %dma_wait3A_44 = arith.constant 0 : i32
    %dma_wait3A_45 = tpu.memref_slice %arg11[%dma_wait3A_42, %dma_wait3A_43, %dma_wait3A_44] : memref<8x8x129xf32, #tpu.memory_space<vmem>> -> memref<8x8x128xf32, #tpu.memory_space<vmem>>
    %dma_wait3A_46 = arith.constant 0 : i32
    %dma_wait3A_47 = arith.constant 0 : i32
    %dma_wait3A_48 = arith.constant 0 : i32
    %dma_wait3A_49 = tpu.memref_slice %arg4[%dma_wait3A_40, %dma_wait3A_46, %dma_wait3A_41, %dma_wait3A_47, %dma_wait3A_48] : memref<200x8x32x8x128xf32, #tpu.memory_space<hbm>> -> memref<1x8x1x8x128xf32, #tpu.memory_space<hbm>>
    %dma_wait3A_50 = tpu.memref_squeeze %dma_wait3A_49 : memref<1x8x1x8x128xf32, #tpu.memory_space<hbm>> -> memref<8x8x128xf32, #tpu.memory_space<hbm>>
    %dma_wait3A_51 = arith.constant 0 : i32
    %dma_wait3A_52 = arith.constant 0 : i32
    %dma_wait3A_53 = arith.constant 0 : i32
    %dma_wait3A_54 = tpu.memref_slice %arg4[%dma_wait3A_40, %dma_wait3A_51, %dma_wait3A_41, %dma_wait3A_52, %dma_wait3A_53] : memref<200x8x32x8x128xf32, #tpu.memory_space<hbm>> -> memref<1x8x1x8x128xf32, #tpu.memory_space<hbm>>
    %dma_wait3A_55 = tpu.memref_squeeze %dma_wait3A_54 : memref<1x8x1x8x128xf32, #tpu.memory_space<hbm>> -> memref<8x8x128xf32, #tpu.memory_space<hbm>>
    %dma_wait3A_56 = arith.constant 0 : i32
    %dma_wait3A_57 = arith.constant 0 : i32
    %dma_wait3A_58 = arith.constant 0 : i32
    %dma_wait3A_59 = tpu.memref_slice %arg11[%dma_wait3A_56, %dma_wait3A_57, %dma_wait3A_58] : memref<8x8x129xf32, #tpu.memory_space<vmem>> -> memref<8x8x128xf32, #tpu.memory_space<vmem>>
    tpu.wait_dma2 semaphore(%arg19 : memref<!tpu.dma_semaphore, #tpu.memory_space<semaphore_mem>>) src(%dma_wait3A_59 : memref<8x8x128xf32, #tpu.memory_space<vmem>>) dst(%dma_wait3A_55 : memref<8x8x128xf32, #tpu.memory_space<hbm>>)
    %dma_wait3A_60 = arith.constant 0 : i32
    %dma_wait3A_61 = arith.constant 0 : i32
    %dma_wait3A_62 = arith.constant 0 : i32
    %dma_wait3A_63 = arith.constant 0 : i32
    %dma_wait3A_64 = arith.constant 0 : i32
    %dma_wait3A_65 = tpu.memref_slice %arg12[%dma_wait3A_62, %dma_wait3A_63, %dma_wait3A_64] : memref<8x8x129xf32, #tpu.memory_space<vmem>> -> memref<8x8x128xf32, #tpu.memory_space<vmem>>
    %dma_wait3A_66 = arith.constant 0 : i32
    %dma_wait3A_67 = arith.constant 0 : i32
    %dma_wait3A_68 = arith.constant 0 : i32
    %dma_wait3A_69 = tpu.memref_slice %arg4[%dma_wait3A_60, %dma_wait3A_66, %dma_wait3A_61, %dma_wait3A_67, %dma_wait3A_68] : memref<200x8x32x8x128xf32, #tpu.memory_space<hbm>> -> memref<1x8x1x8x128xf32, #tpu.memory_space<hbm>>
    %dma_wait3A_70 = tpu.memref_squeeze %dma_wait3A_69 : memref<1x8x1x8x128xf32, #tpu.memory_space<hbm>> -> memref<8x8x128xf32, #tpu.memory_space<hbm>>
    %dma_wait3A_71 = arith.constant 0 : i32
    %dma_wait3A_72 = arith.constant 0 : i32
    %dma_wait3A_73 = arith.constant 0 : i32
    %dma_wait3A_74 = tpu.memref_slice %arg4[%dma_wait3A_60, %dma_wait3A_71, %dma_wait3A_61, %dma_wait3A_72, %dma_wait3A_73] : memref<200x8x32x8x128xf32, #tpu.memory_space<hbm>> -> memref<1x8x1x8x128xf32, #tpu.memory_space<hbm>>
    %dma_wait3A_75 = tpu.memref_squeeze %dma_wait3A_74 : memref<1x8x1x8x128xf32, #tpu.memory_space<hbm>> -> memref<8x8x128xf32, #tpu.memory_space<hbm>>
    %dma_wait3A_76 = arith.constant 0 : i32
    %dma_wait3A_77 = arith.constant 0 : i32
    %dma_wait3A_78 = arith.constant 0 : i32
    %dma_wait3A_79 = tpu.memref_slice %arg12[%dma_wait3A_76, %dma_wait3A_77, %dma_wait3A_78] : memref<8x8x129xf32, #tpu.memory_space<vmem>> -> memref<8x8x128xf32, #tpu.memory_space<vmem>>
    tpu.wait_dma2 semaphore(%arg20 : memref<!tpu.dma_semaphore, #tpu.memory_space<semaphore_mem>>) src(%dma_wait3A_79 : memref<8x8x128xf32, #tpu.memory_space<vmem>>) dst(%dma_wait3A_75 : memref<8x8x128xf32, #tpu.memory_space<hbm>>)
    %dma_wait3A_80 = arith.constant 0 : i32
    %dma_wait3A_81 = arith.constant 0 : i32
    %dma_wait3A_82 = arith.constant 0 : i32
    %dma_wait3A_83 = arith.constant 0 : i32
    %dma_wait3A_84 = arith.constant 0 : i32
    %dma_wait3A_85 = tpu.memref_slice %arg13[%dma_wait3A_82, %dma_wait3A_83, %dma_wait3A_84] : memref<8x8x129xf32, #tpu.memory_space<vmem>> -> memref<8x8x128xf32, #tpu.memory_space<vmem>>
    %dma_wait3A_86 = arith.constant 0 : i32
    %dma_wait3A_87 = arith.constant 0 : i32
    %dma_wait3A_88 = arith.constant 0 : i32
    %dma_wait3A_89 = tpu.memref_slice %arg4[%dma_wait3A_80, %dma_wait3A_86, %dma_wait3A_81, %dma_wait3A_87, %dma_wait3A_88] : memref<200x8x32x8x128xf32, #tpu.memory_space<hbm>> -> memref<1x8x1x8x128xf32, #tpu.memory_space<hbm>>
    %dma_wait3A_90 = tpu.memref_squeeze %dma_wait3A_89 : memref<1x8x1x8x128xf32, #tpu.memory_space<hbm>> -> memref<8x8x128xf32, #tpu.memory_space<hbm>>
    %dma_wait3A_91 = arith.constant 0 : i32
    %dma_wait3A_92 = arith.constant 0 : i32
    %dma_wait3A_93 = arith.constant 0 : i32
    %dma_wait3A_94 = tpu.memref_slice %arg4[%dma_wait3A_80, %dma_wait3A_91, %dma_wait3A_81, %dma_wait3A_92, %dma_wait3A_93] : memref<200x8x32x8x128xf32, #tpu.memory_space<hbm>> -> memref<1x8x1x8x128xf32, #tpu.memory_space<hbm>>
    %dma_wait3A_95 = tpu.memref_squeeze %dma_wait3A_94 : memref<1x8x1x8x128xf32, #tpu.memory_space<hbm>> -> memref<8x8x128xf32, #tpu.memory_space<hbm>>
    %dma_wait3A_96 = arith.constant 0 : i32
    %dma_wait3A_97 = arith.constant 0 : i32
    %dma_wait3A_98 = arith.constant 0 : i32
    %dma_wait3A_99 = tpu.memref_slice %arg13[%dma_wait3A_96, %dma_wait3A_97, %dma_wait3A_98] : memref<8x8x129xf32, #tpu.memory_space<vmem>> -> memref<8x8x128xf32, #tpu.memory_space<vmem>>
    tpu.wait_dma2 semaphore(%arg21 : memref<!tpu.dma_semaphore, #tpu.memory_space<semaphore_mem>>) src(%dma_wait3A_99 : memref<8x8x128xf32, #tpu.memory_space<vmem>>) dst(%dma_wait3A_95 : memref<8x8x128xf32, #tpu.memory_space<hbm>>)
    return
  }
}

</mosaic_0001>

<sc_bundles>
// kernel: kernel.3.cloned.1.call-start
scs
__scs_entry_jumppad:
0x0: {  	(pc) =	sbr.rel $0x88, $3  }
0x1: {  	(tag) =	ssettag $0x0;
	lr =	simm.s32 $0x1  }
0x2: {  	[smem:$0x3F9F] =	sst lr;
	_ =	strace $0xD0000000  }
0x3: {  	_ = 	snop  }
0x4: {  	_ = 	snop  }
0x5: {  	_ = 	snop  }
0x6: {  	_ = 	snop  }
0x7: {  	_ = 	snop  }
__scs_overlays_trampoline_lowered:
0x8: {  	[smem:$0x3FAE] =	sst s0  }
0x9: {  	[smem:$0x3FAF] =	sst s1  }
0xa: {  	[smem:$0x3FB0] =	sst s2  }
0xb: {  	[smem:$0x3FB1] =	sst s3  }
0xc: {  	[smem:$0x3FB2] =	sst s4  }
0xd: {  	[smem:$0x3FB3] =	sst s5  }
0xe: {  	[smem:$0x3FB4] =	sst s6  }
0xf: {  	[smem:$0x3FB5] =	sst s7  }
0x10: {  	[smem:$0x3FB6] =	sst s8  }
0x11: {  	[smem:$0x3FB7] =	sst s9;
	s0 =	simm.s32 @!p0 $0x0  }
0x12: {  	s1 =	sld [smem:$0x3F9D];
	s0 =	simm.s32 @p0 $0x1  }
0x13: {  	[smem:$0x3FB8] =	sst s0;
	s0 =	simm.s32 @!p1 $0x0  }
0x14: {  	s2 =	sld [smem:$0x3F9C];
	s0 =	simm.s32 @p1 $0x1  }
0x15: {  	[smem:$0x3FB9] =	sst s0;
	s0 =	simm.s32 @!p2 $0x0  }
0x16: {  	s3 =	sld [smem:$0x3FDB];
	s0 =	simm.s32 @p2 $0x1  }
0x17: {  	s4 =	simm.s32 $0x1BF5;
	[smem:$0x3FBB] =	sst s0  }
0x18: {  	s0 =	sld [smem:$0x3F9E];
	_ =	swait.ge [sflag:s4], $0x0  }
0x19: {  	s7 =	sld [smem:$0x3F9F]  }
0x1a: {  	s8 =	sadd.s32 $0xFFFFE003, lr  }
0x1b: {  	s9 =	sadd.s32 $0xFFFFFEF7, lr;
	s5 =	simm.s32 $0xFFFFFFFF;
	p2 =	slt.u32 s8, $0xFFFFF086  }
0x1c: {  	p1 =	slt.u32 s9, $0xF7A;
	s5 =	simm.s32 @!p2 $0x0  }
0x1d: {  	s5 =	simm.s32 @p1 $0x1;
	p0 =	seq.s32 s7, s2  }
0x1e: {  	s7 =	smul.u32 @!p0 $0xF7A, s2;
	p2 =	seq.s32 @!p0 s5, $0x0  }
0x1f: {  	s9 =	smul.u32 $0xF7A, s1;
	s8 =	simm.s32 @!p0 $0x1BF5;
	p2 =	por !p2, p0  }
0x20: {  	[sflag:s8] =	ssyncset.s32 @!p0 $0xFFFFF086;
	s6 =	sadd.s32 @!p0 s3, s7;
	s7 =	simm.s32 @!p0 $0x108  }
0x21: {  	s3 =	sadd.s32 s3, s9;
	s6 =	sadd.s32 @!p0 $0x88, s6;
	s7 =	simm.s32 @p2 $0x1082  }
0x22: {  	[simem:s7], [sflag:s8] =	dma.local @!p0 [hbm:s6], $0xF7A  }
0x23: {  	s9 =	sor.u32 $0xD0000000, s2;
	s6 =	simm.s32 $0x108;
	_ =	swait.ge @!p0 [sflag:s8], $0x0  }
0x24: {  	s3 =	sadd.s32 $0x88, s3;
	s6 =	simm.s32 @!p1 $0x1082;
	[sflag:s4] =	ssyncset.s32 $0xFFFFF086  }
0x25: {  	[simem:s6], [sflag:s4] =	dma.local [hbm:s3], $0xF7A  }
0x26: {  	[smem:$0x3F9F] =	sst s1;
	(tag) =	ssettag s2;
	_ =	strace s9  }
0x27: {  	s1 =	sld [smem:$0x3FAF]  }
0x28: {  	s2 =	sld [smem:$0x3FB0]  }
0x29: {  	s4 =	sld [smem:$0x3FB2]  }
0x2a: {  	p0 =	seq.s32 s5, $0x0;
	s5 =	sld [smem:$0x3FB3]  }
0x2b: {  	s6 =	sld [smem:$0x3FB4]  }
0x2c: {  	s7 =	sld [smem:$0x3FB5]  }
0x2d: {  	s3 =	simm.s32 $0x108;
	s8 =	sld [smem:$0x3FB6]  }
0x2e: {  	s3 =	simm.s32 @!p0 $0x1082;
	s9 =	sld [smem:$0x3FB7]  }
0x2f: {  	lr =	sadd.s32 s0, s3;
	s0 =	sld [smem:$0x3FAE]  }
0x30: {  	s3 =	sld [smem:$0x3FB1]  }
0x31: {  	[smem:$0x3FBA] =	sst s10  }
0x32: {  	s10 =	sld [smem:$0x3FB8];
	_ =	sdelay $0x3  }
0x33: {  	p0 =	seq.s32 s10, $0x1;
	s10 =	sld [smem:$0x3FBA];
	_ =	sdelay $0x3  }
0x34: {  	[smem:$0x3FBA] =	sst s10  }
0x35: {  	s10 =	sld [smem:$0x3FB9];
	_ =	sdelay $0x3  }
0x36: {  	p1 =	seq.s32 s10, $0x1;
	s10 =	sld [smem:$0x3FBA];
	_ =	sdelay $0x3  }
0x37: {  	[smem:$0x3FBA] =	sst s10  }
0x38: {  	s10 =	sld [smem:$0x3FBB]  }
0x39: {  	_ = 	snop;
	(pc) =	sbr.ind lr, $3  }
0x3a: {  	_ = 	snop  }
0x3b: {  	_ = 	snop  }
0x3c: {  	p2 =	seq.s32 s10, $0x1;
	s10 =	sld [smem:$0x3FBA]  }
0x3d: {  	_ =	shalt  }
0x3e: {  	_ =	shalt  }
0x3f: {  	_ =	shalt  }
0x40: {  	_ =	shalt  }
0x41: {  	_ =	shalt  }
0x42: {  	_ =	shalt  }
0x43: {  	_ =	shalt  }
0x44: {  	_ =	shalt  }
0x45: {  	_ =	shalt  }
0x46: {  	_ =	shalt  }
0x47: {  	_ =	shalt  }
0x48: {  	_ =	shalt  }
0x49: {  	_ =	shalt  }
0x4a: {  	_ =	shalt  }
0x4b: {  	_ =	shalt  }
0x4c: {  	_ =	shalt  }
0x4d: {  	_ =	shalt  }
0x4e: {  	_ =	shalt  }
0x4f: {  	_ =	shalt  }
0x50: {  	_ =	shalt  }
0x51: {  	_ =	shalt  }
0x52: {  	_ =	shalt  }
0x53: {  	_ =	shalt  }
0x54: {  	_ =	shalt  }
0x55: {  	_ =	shalt  }
0x56: {  	_ =	shalt  }
0x57: {  	_ =	shalt  }
0x58: {  	_ =	shalt  }
0x59: {  	_ =	shalt  }
0x5a: {  	_ =	shalt  }
0x5b: {  	_ =	shalt  }
0x5c: {  	_ =	shalt  }
0x5d: {  	_ =	shalt  }
0x5e: {  	_ =	shalt  }
0x5f: {  	_ =	shalt  }
0x60: {  	_ =	shalt  }
0x61: {  	_ =	shalt  }
0x62: {  	_ =	shalt  }
0x63: {  	_ =	shalt  }
0x64: {  	_ =	shalt  }
0x65: {  	_ =	shalt  }
0x66: {  	_ =	shalt  }
0x67: {  	_ =	shalt  }
0x68: {  	_ =	shalt  }
0x69: {  	_ =	shalt  }
0x6a: {  	_ =	shalt  }
0x6b: {  	_ =	shalt  }
0x6c: {  	_ =	shalt  }
0x6d: {  	_ =	shalt  }
0x6e: {  	_ =	shalt  }
0x6f: {  	_ =	shalt  }
0x70: {  	_ =	shalt  }
0x71: {  	_ =	shalt  }
0x72: {  	_ =	shalt  }
0x73: {  	_ =	shalt  }
0x74: {  	_ =	shalt  }
0x75: {  	_ =	shalt  }
0x76: {  	_ =	shalt  }
0x77: {  	_ =	shalt  }
0x78: {  	_ =	shalt  }
0x79: {  	_ =	shalt  }
0x7a: {  	_ =	shalt  }
0x7b: {  	_ =	shalt  }
0x7c: {  	_ =	shalt  }
0x7d: {  	_ =	shalt  }
0x7e: {  	_ =	shalt  }
0x7f: {  	_ =	shalt  }
0x80: {  	_ =	shalt  }
0x81: {  	_ =	shalt  }
0x82: {  	_ =	shalt  }
0x83: {  	_ =	shalt  }
0x84: {  	_ =	shalt  }
0x85: {  	_ =	shalt  }
0x86: {  	_ =	shalt  }
0x87: {  	_ =	shalt  }
.Lfunc_end0:
.L_simem_size_0:
called_computation_lowered:
.L_overlay_start_0:
0x88: {  	s2 =	sld [smem:$0x3FD9]  }
0x89: {  	s3 =	sld [smem:$0x3FFE];
	_ =	sdelay $0x1  }
0x8a: {  	s1 =	srdreg.scid  }
0x8b: {  	s0 =	sand.u32 $0x1, s1  }
0x8c: {  	s17 =	sshll.u32 s0, $0xA;
	s2 =	sadd.s32 s3, s2  }
0x8d: {  	s2 =	sadd.s32 s2, s17  }
0x8e: {  	[smem:$0x3FC6] =	sst s2  }
0x8f: {  	_ = 	snop  }
0x90: {  	s2 =	sld [smem:$0x3FC9]  }
0x91: {  	s18 =	sld [smem:$0x3FD0];
	(tm) =	ssettm $0x1  }
0x92: {  	s4 =	sld [smem:$0x3FFB];
	_ =	sdelay $0x3  }
0x93: {  	_ =	strace s4  }
0x94: {  	s4 =	sld [smem:$0x3FFC];
	_ =	sdelay $0x3  }
0x95: {  	_ =	strace s4  }
0x96: {  	s4 =	sld [smem:$0x3FFD];
	_ =	sdelay $0x3  }
0x97: {  	_ =	strace s4  }
0x98: {  	_ =	strace $0x8FFFFFFF  }
0x99: {  	s19 =	sld [smem:$0x3FDB];
	_ =	sdelay $0x1  }
0x9a: {  	s5 =	simm.s32 $_scs_section_size  }
0x9b: {  	s6 =	simm.s32 $_size__tile_overlayer_lowered;
	s7 =	simm.s32 $_tile_overlayer_lowered  }
0x9c: {  	s22 =	simm.s32 $0x1BFF;
	s21 =	sshll.u32 s7, $0x1;
	s4 =	sadd.s32 s5, s19  }
0x9d: {  	s8 =	simm.s32 $0x0;
	s20 =	sshll.u32 s6, $0x1;
	s6 =	sadd.s32 s21, s4  }
0x9e: {  	[timem:s8], [sflag:s22] =	dma.local [hbm:s6], s20  }
0x9f: {  	_ =	swait.ge [sflag:s22], s20  }
0xa0: {  	s5 =	ssub.s32 $0x0, s20;
	[sflag:s22] =	ssyncset.done $0x0  }
0xa1: {  	[sflag:s22] =	ssyncadd.s32 s5;
	_ =	sdelay $0x1  }
0xa2: {  	s23 =	simm.s32 $0x1B8B  }
0xa3: {  	_ =	swait.ge [sflag:s23], $0x1  }
0xa4: {  	[sflag:s23] =	ssyncset.done $0x0  }
0xa5: {  	s25 =	simm.s32 $0x1B8E;
	s24 =	sld [smem:$0x3FFE];
	[sflag:s23] =	ssyncadd.s32 $0xFFFFFFFF  }
0xa6: {  	s26 =	simm.s32 $execute0_lowered;
	[smem:$0x3FD2] =	sst s25  }
0xa7: {  	s6 =	sshll.u32 s26, $0x1;
	_ =	strace $0x80000046;
	[dreg:$0x1] =	wrdreg $0xFFFFFFFF  }
0xa8: {  	s28 =	simm.s32 $_size_execute0_lowered;
	s4 =	sadd.s32 s4, s6;
	[dreg:$0x0] =	wrdreg $0x0  }
0xa9: {  	s6 =	sshll.u32 s28, $0x1;
	[dreg:$0x2] =	wrdreg s4  }
0xaa: {  	[dreg:$0x3] =	wrdreg s6  }
0xab: {  	[dreg:$0x4] =	wrdreg $0xC0  }
0xac: {  	_ =	task [dreg:s8], $0x5FFFF  }
0xad: {  	[dreg:$0x1] =	wrdreg $0xFFFFFFFF  }
0xae: {  	[dreg:$0x0] =	wrdreg $0x60  }
0xaf: {  	[dreg:$0x2] =	wrdreg s2  }
0xb0: {  	[dreg:$0x3] =	wrdreg s24  }
0xb1: {  	[dreg:$0x4] =	wrdreg s18  }
0xb2: {  	[dreg:$0x5] =	wrdreg $0x9  }
0xb3: {  	_ =	task.clear_ibuf [dreg:s8], $0x6FFFF;
	_ =	strace $0x90000046  }
0xb4: {  	s29 =	simm.s32 $0x9;
	_ =	strace $0x80000048  }
0xb5: {  	_ =	swait.ge [sflag:s29], $0x1  }
0xb6: {  	[sflag:s29] =	ssyncadd.s32 $0xFFFFFFFF  }
0xb7: {  	_ =	strace $0x90000048  }
0xb8: {  	_ =	sfence  }
0xb9: {  	s30 =	sld [smem:$0x0];
	_ =	sdelay $0x2  }
0xba: {  	s31 =	sshll.u32 s1, $0xD;
	s1 =	sshrl.u32 s1, $0x2  }
0xbb: {  	s3 =	sand.u32 $0x4000, s31;
	s1 =	sadd.s32 s1, s30  }
0xbc: {  	s0 =	sor.u32 s3, s0;
	s1 =	sshll.u32 s1, $0x11  }
0xbd: {  	s0 =	sor.u32 s1, s0  }
0xbe: {  	s0 =	sadd.s32 $0x8F2B, s0  }
0xbf: {  	[sflag:s0] =	ssyncadd.remote.s32 $0x1  }
0xc0: {  	_ =	sfence.sel $0xFFFF  }
0xc1: {  	[dreg:$0x0] =	wrdreg $0xFFFFFFFF;
	(pc) =	sbr.abs _section_cstart, $3  }
0xc2: {  	[dreg:$0x1] =	wrdreg $0xFFFFFFFF  }
0xc3: {  	_ =	task.clear_ibuf [dreg:s8], $0x2FFFF;
	_ =	strace $0x9FFFFFFF  }
0xc4: {  	(tm) =	ssettm $0x7FFFFFFF  }
0xc5: {  	_ =	shalt  }
tec
execute0_lowered:
.L_overlay_start_1:
0x0: {  	(tag) =	ssettag $0x1  }
0x1: {  	s0 =	rddreg [dreg:$0x0]  }
0x2: {  	s1 =	rddreg [dreg:$0x1]  }
0x3: {  	s2 =	rddreg [dreg:$0x2];
	s4 =	srdreg.scid  }
0x4: {  	s5 =	stileid.u32;
	s3 =	simm.s32 $0x0;
	s9 =	simm.s32 $0x80  }
0x5: {  	s10 =	simm.s32 $0x6400;
	s11 =	simm.s32 $0x8400;
	s12 =	simm.s32 $0xA400  }
0x6: {  	s13 =	simm.s32 $0x1;
	s14 =	simm.s32 $0xE400;
	s15 =	simm.s32 $0xC400  }
0x7: {  	s16 =	simm.s32 $0x2;
	s17 =	simm.s32 $0x10600;
	s18 =	simm.s32 $0x3  }
0x8: {  	s19 =	simm.s32 $0x7;
	s4 =	sand.u32 $0x1, s4;
	s5 =	sshll.u32 s5, $0x1  }
0x9: {  	s20 =	simm.s32 $0x12800;
	s21 =	simm.s32 $0x4;
	s5 =	sor.u32 s4, s5  }
0xa: {  	s22 =	simm.s32 $0x8;
	s6 =	ssub.s32 $0x2, s4;
	s8 =	smul.u32 $0xC80, s5  }
0xb: {  	v0 =	vlaneseq.u32;
	s23 =	simm.s32 $0x14A00;
	[smem:$0x7FF] =	sst s3;
	s7 =	sshrl.u32 s6, $0x1  }
0xc: {  	v0 =	vmul.u32 $0x88, v0;
	_ =	strace $0x80000047;
	s30 =	ssub.s32 s6, s7;
	s0 =	sadd.s32 s0, s8  }
0xd: {  	s4 =	sadd.s32 $0xF42800, s1;
	s31 =	smax.u32 s30, $0x1;
	[dreg:$0x4] =	wrdreg s0  }
0xe: {  	s1 =	simm.s32 $0x0;
	s5 =	smul.u32 $0xC8, s5;
	v1 =	vadd.s32 $0x880, v0;
	v2 =	vadd.s32 $0x1100, v0;
	v3 =	vadd.s32 $0x1980, v0;
	[dreg:$0x5] =	wrdreg s31  }
.LBB2_1:
0xf: {  	[dreg:$0x6] =	wrdreg s1  }
0x10: {  	s0 =	rddreg [dreg:$0x4];
	s31 =	simm.s32 $0x9  }
0x11: {  	[tilespmem:s3], [sflag:$0x9] =	stream.linear.gather [hbm4b:s0+s3], $0x6400, $0x38;
	[tilespmem:$0x16C00] =	vst v63  }
0x12: {  	_ =	swait.ge [sflag:s31], $0x6400  }
0x13: {  	[sflag:s31] =	ssyncset.done $0x0  }
0x14: {  	[sflag:s31] =	ssyncadd.s32 $0xFFFF9C00  }
0x15: {  	[tilespmem:s10], [sflag:$0x1] =	stream.indirect.gather [hbm4b:s4+s9], $0x40, s3, s9, $0xb8;
	[tilespmem:$0x16C00] =	vst v63  }
0x16: {  	s28 =	simm.s32 $0x0  }
0x17: {  	[tilespmem:s11], [sflag:$0x2] =	stream.indirect.gather [hbm4b:s4+s9], $0x40, s9, s9, $0xb8;
	[tilespmem:$0x16C00] =	vst v63  }
.LBB2_2:
0x18: {  	s31 =	sshll.u32 s28, $0x2  }
0x19: {  	s29 =	sor.u32 $0x2, s31  }
0x1a: {  	s0 =	sshll.u32 s29, $0x7  }
0x1b: {  	s0 =	sand.u32 $0x3FFFFF00, s0  }
0x1c: {  	[tilespmem:s12], [sflag:$0x3] =	stream.indirect.gather [hbm4b:s4+s9], $0x40, s0, s9, $0xb8;
	[tilespmem:$0x16C00] =	vst v63  }
0x1d: {  	_ =	swait.ge [sflag:s13], $0x2000  }
0x1e: {  	p0 =	seq.s32 s28, $0x0;
	[sflag:s13] =	ssyncset.done $0x0  }
0x1f: {  	s0 =	simm.s32 @!p0 $0x5;
	[sflag:s13] =	ssyncadd.s32 $0xFFFFE000  }
0x20: {  	_ =	swait.ge @!p0 [sflag:s0], $0x2000  }
0x21: {  	[sflag:s0] =	ssyncset.done @!p0 $0x0  }
0x22: {  	s6 =	simm.s32 $0x6440;
	s1 =	simm.s32 $0x1;
	[sflag:s0] =	ssyncadd.s32 @!p0 $0xFFFFE000  }
0x23: {  	v4 =	vmov s1;
	v5 =	vld [tilespmem:s6+$0x0]  }
0x24: {  	v9 =	vand.u32 $0x7F, v4  }
0x25: {  	v4 =	vadd.s32 v0, v9  }
0x26: {  	s7 =	simm.s32 $0x0  }
0x27: {  	v6 =	vmov s7;
	v7 =	vld [tilespmem:s6+$0xFFFFFFC0]  }
0x28: {  	v14 =	vand.u32 $0x7E, v6;
	v5 =	vmul.f32 $8.000000000e+00, v5  }
0x29: {  	s8 =	simm.s32 $0x3;
	s30 =	simm.s32 $0x64C0;
	v6 =	vadd.s32 v0, v14  }
0x2a: {  	v8 =	vld [tilespmem:s30+$0x0];
	[tilespmem:v4+s14+$0x0] =	vst.idx.msk $0xffff, v5;
	v4 =	vmov s8  }
0x2b: {  	v4 =	vand.u32 $0x7F, v4;
	v10 =	vld [tilespmem:s6+$0x10]  }
0x2c: {  	v5 =	vmul.f32 $8.000000000e+00, v7;
	v7 =	vadd.s32 v0, v4  }
0x2d: {  	s24 =	simm.s32 $0x2;
	v11 =	vadd.s32 v1, v9  }
0x2e: {  	v12 =	vld [tilespmem:s30+$0xFFFFFFC0];
	[tilespmem:v6+s14+$0x0] =	vst.idx.msk $0xffff, v5;
	v5 =	vmov s24  }
0x2f: {  	v6 =	vmul.f32 $8.000000000e+00, v8;
	v5 =	vand.u32 $0x7E, v5;
	v8 =	vld [tilespmem:s6+$0xFFFFFFD0]  }
0x30: {  	s1 =	simm.s32 $0x5;
	s0 =	simm.s32 $0x6540;
	v13 =	vadd.s32 v0, v5;
	v10 =	vmul.f32 $8.000000000e+00, v10  }
0x31: {  	v15 =	vld [tilespmem:s0+$0x0];
	[tilespmem:v7+s14+$0x0] =	vst.idx.msk $0xffff, v6;
	v7 =	vadd.s32 v1, v14;
	v6 =	vmov s1  }
0x32: {  	[tilespmem:v11+s14+$0x0] =	vst.idx.msk $0xffff, v10;
	v6 =	vand.u32 $0x7F, v6;
	v10 =	vld [tilespmem:s30+$0x10]  }
0x33: {  	v11 =	vmul.f32 $8.000000000e+00, v12;
	v12 =	vadd.s32 v0, v6;
	v16 =	vld [tilespmem:s6+$0x20]  }
0x34: {  	s25 =	simm.s32 $0x4;
	v17 =	vadd.s32 v1, v4;
	v8 =	vmul.f32 $8.000000000e+00, v8  }
0x35: {  	v18 =	vadd.s32 v2, v9;
	[tilespmem:v13+s14+$0x0] =	vst.idx.msk $0xffff, v11;
	v11 =	vmov s25;
	v13 =	vld [tilespmem:s0+$0xFFFFFFC0]  }
0x36: {  	[tilespmem:v7+s14+$0x0] =	vst.idx.msk $0xffff, v8;
	v7 =	vand.u32 $0x7E, v11;
	v8 =	vmul.f32 $8.000000000e+00, v15;
	v11 =	vld [tilespmem:s30+$0xFFFFFFD0]  }
0x37: {  	s7 =	simm.s32 $0x7;
	s1 =	simm.s32 $0x65C0;
	v15 =	vadd.s32 v0, v7;
	v10 =	vmul.f32 $8.000000000e+00, v10;
	v19 =	vld [tilespmem:s6+$0xFFFFFFE0]  }
0x38: {  	v20 =	vld [tilespmem:s1+$0x0];
	[tilespmem:v12+s14+$0x0] =	vst.idx.msk $0xffff, v8;
	v12 =	vadd.s32 v1, v5;
	v16 =	vmul.f32 $8.000000000e+00, v16;
	v8 =	vmov s7  }
0x39: {  	[tilespmem:v17+s14+$0x0] =	vst.idx.msk $0xffff, v10;
	v10 =	vadd.s32 v2, v14;
	v8 =	vand.u32 $0x7F, v8;
	v17 =	vld [tilespmem:s0+$0x10]  }
0x3a: {  	v13 =	vmul.f32 $8.000000000e+00, v13;
	[tilespmem:v18+s14+$0x0] =	vst.idx.msk $0xffff, v16;
	v16 =	vadd.s32 v0, v8;
	v18 =	vld [tilespmem:s30+$0x20]  }
0x3b: {  	s26 =	simm.s32 $0x6;
	v21 =	vadd.s32 v1, v6;
	v11 =	vmul.f32 $8.000000000e+00, v11;
	v22 =	vld [tilespmem:s6+$0x30]  }
0x3c: {  	v23 =	vadd.s32 v2, v4;
	[tilespmem:v15+s14+$0x0] =	vst.idx.msk $0xffff, v13;
	v13 =	vmul.f32 $8.000000000e+00, v19;
	v15 =	vld [tilespmem:s1+$0xFFFFFFC0];
	v19 =	vmov s26  }
0x3d: {  	v25 =	vadd.s32 v3, v9;
	[tilespmem:v12+s14+$0x0] =	vst.idx.msk $0xffff, v11;
	v12 =	vmul.f32 $8.000000000e+00, v20;
	v24 =	vld [tilespmem:s0+$0xFFFFFFD0];
	v9 =	vand.u32 $0x7E, v19  }
0x3e: {  	[tilespmem:v10+s14+$0x0] =	vst.idx.msk $0xffff, v13;
	v10 =	vmul.f32 $8.000000000e+00, v17;
	v11 =	vld [tilespmem:s30+$0xFFFFFFE0];
	v17 =	vadd.s32 v0, v9  }
0x3f: {  	s8 =	simm.s32 $0x9;
	s7 =	simm.s32 $0x6640;
	[tilespmem:v16+s14+$0x0] =	vst.idx.msk $0xffff, v12;
	v20 =	vmul.f32 $8.000000000e+00, v18;
	v12 =	vld [tilespmem:s6+$0xFFFFFFF0];
	v16 =	vadd.s32 v1, v7  }
0x40: {  	v19 =	vld [tilespmem:s7+$0x0];
	v13 =	vadd.s32 v2, v5;
	v18 =	vmov s8;
	[tilespmem:v21+s14+$0x0] =	vst.idx.msk $0xffff, v10;
	v26 =	vmul.f32 $8.000000000e+00, v22  }
0x41: {  	v14 =	vadd.s32 v3, v14;
	v10 =	vand.u32 $0x7F, v18;
	v18 =	vld [tilespmem:s1+$0x10];
	v22 =	vmul.f32 $8.000000000e+00, v15;
	[tilespmem:v23+s14+$0x0] =	vst.idx.msk $0xffff, v20  }
0x42: {  	s24 =	simm.s32 $0x8;
	s8 =	simm.s32 $0xA;
	s6 =	simm.s32 $0x6640;
	v20 =	vadd.s32 v0, v10;
	v15 =	vld [tilespmem:s0+$0x20];
	v21 =	vmul.f32 $8.000000000e+00, v24;
	[tilespmem:v25+s14+$0x0] =	vst.idx.msk $0xffff, v26  }
.LBB2_3:
0x43: {  	p1 =	slt.u32 s8, $0x7E;
	[tilespmem:v17+s14+$0x0] =	vst.idx.msk $0xffff, v22;
	v22 =	vadd.s32 v1, v8;
	v11 =	vmul.f32 $8.000000000e+00, v11;
	v23 =	vld [tilespmem:s30+$0x30]  }
0x44: {  	v17 =	vmov s24;
	s24 =	smov.u32 s8;
	v24 =	vld [tilespmem:s7+$0xFFFFFFC0];
	[tilespmem:v16+s14+$0x0] =	vst.idx.msk $0xffff, v21;
	v21 =	vadd.s32 v2, v6;
	v12 =	vmul.f32 $8.000000000e+00, v12  }
0x45: {  	v27 =	vadd.s32 v3, v4;
	v4 =	vmovc v6;
	v25 =	vand.u32 $0x7E, v17;
	v16 =	vmul.f32 $8.000000000e+00, v19;
	v26 =	vld [tilespmem:s1+$0xFFFFFFD0];
	[tilespmem:v13+s14+$0x0] =	vst.idx.msk $0xffff, v11  }
.Ltmp0:
0x46: {  	v6 =	vmovc v8;
	v8 =	vmov v10;
	v17 =	vadd.s32 v0, v25;
	v13 =	vmul.f32 $8.000000000e+00, v18;
	v11 =	vld [tilespmem:s0+$0xFFFFFFE0];
	[tilespmem:v14+s14+$0x0] =	vst.idx.msk $0xffff, v12;
	(pc) =	sbr.rel @p1 .LBB2_3-.Ltmp0, $4  }
0x47: {  	s25 =	sadd.s32 $0x1, s8;
	s7 =	sadd.s32 $0x80, s7;
	[tilespmem:v20+s14+$0x0] =	vst.idx.msk $0xffff, v16;
	v16 =	vadd.s32 v1, v9;
	v14 =	vmul.f32 $8.000000000e+00, v15;
	v12 =	vld [tilespmem:s30+$0xFFFFFFF0];
	s30 =	smov.u32 s0  }
0x48: {  	v10 =	vmov s25;
	s0 =	smov.u32 s1;
	s1 =	smov.u32 s6;
	s6 =	smov.u32 s7;
	v19 =	vld [tilespmem:s7+$0x0];
	[tilespmem:v22+s14+$0x0] =	vst.idx.msk $0xffff, v13;
	v13 =	vadd.s32 v2, v7;
	v23 =	vmul.f32 $8.000000000e+00, v23  }
0x49: {  	v10 =	vand.u32 $0x7F, v10;
	v22 =	vmul.f32 $8.000000000e+00, v24;
	v18 =	vld [tilespmem:s1+$0x10];
	[tilespmem:v21+s14+$0x0] =	vst.idx.msk $0xffff, v14;
	v14 =	vadd.s32 v3, v5;
	v5 =	vmovc v7  }
0x4a: {  	s8 =	sadd.s32 $0x2, s8;
	v20 =	vadd.s32 v0, v10;
	v7 =	vmovc v9;
	v9 =	vmov v25;
	v21 =	vmul.f32 $8.000000000e+00, v26;
	v15 =	vld [tilespmem:s0+$0x20];
	[tilespmem:v27+s14+$0x0] =	vst.idx.msk $0xffff, v23  }
0x4b: {  	v23 =	vmov s24;
	v24 =	vld [tilespmem:s7+$0xFFFFFFC0]  }
0x4c: {  	v23 =	vand.u32 $0x7E, v23  }
0x4d: {  	v25 =	vadd.s32 v0, v23;
	_ =	sdelay $0x1  }
0x4e: {  	v19 =	vmul.f32 $8.000000000e+00, v19  }
0x4f: {  	[tilespmem:v17+s14+$0x0] =	vst.idx.msk $0xffff, v22;
	v62 =	vmul.f32 $8.000000000e+00, v24  }
0x50: {  	v22 =	vld [tilespmem:s1+$0xFFFFFFD0];
	[tilespmem:v20+s14+$0x0] =	vst.idx.msk $0xffff, v19  }
0x51: {  	v63 =	vadd.s32 v1, v8;
	v20 =	vld [tilespmem:s6+$0x10];
	[tilespmem:v25+s14+$0x0] =	vst.idx.msk $0xffff, v62  }
0x52: {  	v28 =	vadd.s32 v1, v9;
	v29 =	vld [tilespmem:s6+$0xFFFFFFD0]  }
0x53: {  	v30 =	vadd.s32 v1, v10  }
0x54: {  	v26 =	vadd.s32 v1, v23;
	v18 =	vmul.f32 $8.000000000e+00, v18  }
0x55: {  	[tilespmem:v16+s14+$0x0] =	vst.idx.msk $0xffff, v21;
	v31 =	vmul.f32 $8.000000000e+00, v22  }
0x56: {  	v32 =	vld [tilespmem:s0+$0xFFFFFFE0];
	[tilespmem:v63+s14+$0x0] =	vst.idx.msk $0xffff, v18;
	v33 =	vmul.f32 $8.000000000e+00, v20  }
0x57: {  	v34 =	vadd.s32 v2, v6;
	v35 =	vld [tilespmem:s1+$0x20];
	[tilespmem:v28+s14+$0x0] =	vst.idx.msk $0xffff, v31;
	v36 =	vmul.f32 $8.000000000e+00, v29  }
0x58: {  	v11 =	vmul.f32 $8.000000000e+00, v11;
	v37 =	vadd.s32 v2, v7;
	v38 =	vld [tilespmem:s1+$0xFFFFFFE0];
	[tilespmem:v30+s14+$0x0] =	vst.idx.msk $0xffff, v33  }
0x59: {  	v39 =	vadd.s32 v2, v8;
	v12 =	vmul.f32 $8.000000000e+00, v12;
	v40 =	vld [tilespmem:s6+$0x20];
	[tilespmem:v26+s14+$0x0] =	vst.idx.msk $0xffff, v36  }
0x5a: {  	v42 =	vadd.s32 v2, v9;
	s26 =	sshrl.u32 s31, $0x2;
	[tilespmem:v13+s14+$0x0] =	vst.idx.msk $0xffff, v11;
	v41 =	vmul.f32 $8.000000000e+00, v15;
	v43 =	vld [tilespmem:s6+$0xFFFFFFE0]  }
0x5b: {  	v44 =	vld [tilespmem:s30+$0x30];
	v46 =	vadd.s32 v2, v10;
	s8 =	sadd.s32 s5, s31;
	s7 =	sand.u32 $0x1, s26;
	[tilespmem:v14+s14+$0x0] =	vst.idx.msk $0xffff, v12;
	v45 =	vmul.f32 $8.000000000e+00, v32  }
0x5c: {  	p1 =	seq.s32 s8, $0x0;
	v49 =	vadd.s32 v2, v23;
	p2 =	seq.s32 s7, $0x1;
	v47 =	vld [tilespmem:s30+$0xFFFFFFF0];
	[tilespmem:v34+s14+$0x0] =	vst.idx.msk $0xffff, v41;
	v48 =	vmul.f32 $8.000000000e+00, v35  }
0x5d: {  	v4 =	vadd.s32 v3, v4;
	p1 =	por !p1, !p2;
	[tilespmem:v37+s14+$0x0] =	vst.idx.msk $0xffff, v45;
	v20 =	vld [tilespmem:s0+$0x30];
	v50 =	vmul.f32 $8.000000000e+00, v38  }
0x5e: {  	v5 =	vadd.s32 v3, v5;
	p1 =	por !p1, !p1;
	v51 =	vld [tilespmem:s0+$0xFFFFFFF0];
	s0 =	simm.s32 $0x1;
	[tilespmem:v39+s14+$0x0] =	vst.idx.msk $0xffff, v48;
	v52 =	vmul.f32 $8.000000000e+00, v40  }
0x5f: {  	v53 =	vadd.s32 v3, v6;
	s30 =	sshrl.u32 s8, $0x3;
	s0 =	simm.s32 @!p1 $0x0;
	v54 =	vld [tilespmem:s1+$0x30];
	[tilespmem:v42+s14+$0x0] =	vst.idx.msk $0xffff, v50;
	v55 =	vmul.f32 $8.000000000e+00, v43  }
0x60: {  	v57 =	vadd.s32 v3, v7;
	v56 =	vmul.f32 $8.000000000e+00, v44;
	s0 =	ssub.s32 s30, s0;
	v58 =	vld [tilespmem:s1+$0xFFFFFFF0];
	[tilespmem:v46+s14+$0x0] =	vst.idx.msk $0xffff, v52  }
0x61: {  	v60 =	vadd.s32 v3, v8;
	v59 =	vmul.f32 $8.000000000e+00, v47;
	s24 =	sshra.s32 s0, $0x1F;
	v14 =	vld [tilespmem:s6+$0x30];
	[tilespmem:v49+s14+$0x0] =	vst.idx.msk $0xffff, v55  }
0x62: {  	v61 =	vadd.s32 v3, v9;
	[tilespmem:v4+s14+$0x0] =	vst.idx.msk $0xffff, v56;
	v4 =	vmul.f32 $8.000000000e+00, v20;
	s1 =	sshrl.u32 s24, $0x1B;
	v12 =	vld [tilespmem:s6+$0xFFFFFFF0]  }
0x63: {  	v62 =	vadd.s32 v3, v10;
	[tilespmem:v5+s14+$0x0] =	vst.idx.msk $0xffff, v59;
	v5 =	vmul.f32 $8.000000000e+00, v51;
	s1 =	sadd.s32 s1, s0  }
0x64: {  	s25 =	sshll.u32 s8, $0xD;
	s26 =	sand.u32 $0x4, s31;
	v63 =	vadd.s32 v3, v23;
	[tilespmem:v53+s14+$0x0] =	vst.idx.msk $0xffff, v4;
	v4 =	vmul.f32 $8.000000000e+00, v54;
	s1 =	sand.u32 $0x3FFFE0, s1  }
0x65: {  	s7 =	sshll.u32 s26, $0x12;
	[tilespmem:v57+s14+$0x0] =	vst.idx.msk $0xffff, v5;
	s0 =	ssub.s32 s0, s1;
	v5 =	vmul.f32 $8.000000000e+00, v58;
	s6 =	sand.u32 $0x7FE00000, s25  }
0x66: {  	[tilespmem:v60+s14+$0x0] =	vst.idx.msk $0xffff, v4;
	s0 =	sshll.u32 s0, $0xA;
	s30 =	sor.u32 s7, s6;
	v4 =	vmul.f32 $8.000000000e+00, v14  }
0x67: {  	[tilespmem:v61+s14+$0x0] =	vst.idx.msk $0xffff, v5;
	s0 =	sadd.s32 s0, s30;
	v5 =	vmul.f32 $8.000000000e+00, v12  }
0x68: {  	s0 =	sshrl.u32 s0, $0x3;
	[tilespmem:v62+s14+$0x0] =	vst.idx.msk $0xffff, v4  }
0x69: {  	s6 =	simm.s32 $0xE400;
	s1 =	sadd.s32 s2, s0;
	[tilespmem:v63+s14+$0x0] =	vst.idx.msk $0xffff, v5  }
0x6a: {  	[hbm4b:s1+s3] =	stream.linear.scatter [tilespmem:s6], [sflag:$0x5], $0x80, $0x38;
	[tilespmem:$0x16C00] =	vst v63  }
0x6b: {  	s7 =	simm.s32 $0xE488;
	s8 =	sadd.s32 $0x10, s1  }
0x6c: {  	[hbm4b:s8+s3] =	stream.linear.scatter [tilespmem:s7], [sflag:$0x5], $0x80, $0x38;
	[tilespmem:$0x16C00] =	vst v63  }
0x6d: {  	s26 =	simm.s32 $0xE598;
	s24 =	simm.s32 $0xE510;
	s25 =	sadd.s32 $0x20, s1  }
0x6e: {  	[hbm4b:s25+s3] =	stream.linear.scatter [tilespmem:s24], [sflag:$0x5], $0x80, $0x38;
	[tilespmem:$0x16C00] =	vst v63  }
0x6f: {  	s0 =	simm.s32 $0x440;
	s30 =	sadd.s32 $0x30, s1;
	s6 =	simm.s32 $0x2200  }
0x70: {  	[hbm4b:s30+s3] =	stream.linear.scatter [tilespmem:s26], [sflag:$0x5], $0x80, $0x38;
	[tilespmem:$0x16C00] =	vst v63  }
0x71: {  	s7 =	simm.s32 $0xE620;
	s8 =	sadd.s32 $0x40, s1;
	s24 =	simm.s32 $0xE6A8  }
0x72: {  	[hbm4b:s8+s3] =	stream.linear.scatter [tilespmem:s7], [sflag:$0x5], $0x80, $0x38;
	[tilespmem:$0x16C00] =	vst v63  }
0x73: {  	s25 =	sadd.s32 $0x50, s1;
	s26 =	simm.s32 $0xE730;
	s30 =	sadd.s32 $0x60, s1  }
0x74: {  	[hbm4b:s25+s3] =	stream.linear.scatter [tilespmem:s24], [sflag:$0x5], $0x80, $0x38;
	[tilespmem:$0x16C00] =	vst v63  }
0x75: {  	s7 =	simm.s32 $0xE7B8;
	s8 =	sadd.s32 $0x70, s1;
	s1 =	sadd.s32 $0x1000, s1  }
0x76: {  	[hbm4b:s30+s3] =	stream.linear.scatter [tilespmem:s26], [sflag:$0x5], $0x80, $0x38;
	[tilespmem:$0x16C00] =	vst v63  }
.LBB2_5:
0x77: {  	[hbm4b:s8+s3] =	stream.linear.scatter [tilespmem:s7], [sflag:$0x5], $0x80, $0x38;
	[tilespmem:$0x16C00] =	vst v63  }
0x78: {  	s7 =	smov.u32 s0;
	s0 =	smov.u32 s6  }
0x79: {  	s24 =	sadd.s32 $0x1100, s6;
	s0 =	sshra.s32 s0, $0x2;
	s8 =	sadd.s32 $0xE400, s7  }
0x7a: {  	[hbm4b:s1+s3] =	stream.linear.scatter [tilespmem:s8], [sflag:$0x5], $0x80, $0x38;
	[tilespmem:$0x16C00] =	vst v63  }
0x7b: {  	p1 =	sne.s32 s6, $0x7700;
	s6 =	sadd.s32 $0xE488, s7;
	s8 =	sadd.s32 $0x10, s1  }
0x7c: {  	[hbm4b:s8+s3] =	stream.linear.scatter [tilespmem:s6], [sflag:$0x5], $0x80, $0x38;
	[tilespmem:$0x16C00] =	vst v63  }
0x7d: {  	s6 =	sadd.s32 $0xE510, s7;
	s8 =	sadd.s32 $0x20, s1  }
0x7e: {  	[hbm4b:s8+s3] =	stream.linear.scatter [tilespmem:s6], [sflag:$0x5], $0x80, $0x38;
	[tilespmem:$0x16C00] =	vst v63  }
0x7f: {  	s6 =	sadd.s32 $0xE598, s7;
	s8 =	sadd.s32 $0x30, s1  }
0x80: {  	[hbm4b:s8+s3] =	stream.linear.scatter [tilespmem:s6], [sflag:$0x5], $0x80, $0x38;
	[tilespmem:$0x16C00] =	vst v63  }
0x81: {  	s6 =	sadd.s32 $0xE620, s7;
	s8 =	sadd.s32 $0x40, s1  }
0x82: {  	[hbm4b:s8+s3] =	stream.linear.scatter [tilespmem:s6], [sflag:$0x5], $0x80, $0x38;
	[tilespmem:$0x16C00] =	vst v63  }
.Ltmp1:
0x83: {  	s6 =	sadd.s32 $0xE6A8, s7;
	s8 =	sadd.s32 $0x50, s1;
	(pc) =	sbr.rel @p1 .LBB2_5-.Ltmp1, $4  }
0x84: {  	[hbm4b:s8+s3] =	stream.linear.scatter [tilespmem:s6], [sflag:$0x5], $0x80, $0x38;
	[tilespmem:$0x16C00] =	vst v63  }
0x85: {  	s6 =	sadd.s32 $0xE730, s7;
	s8 =	sadd.s32 $0x60, s1;
	s7 =	sadd.s32 $0xE7B8, s7  }
0x86: {  	[hbm4b:s8+s3] =	stream.linear.scatter [tilespmem:s6], [sflag:$0x5], $0x80, $0x38;
	[tilespmem:$0x16C00] =	vst v63  }
0x87: {  	s8 =	sadd.s32 $0x70, s1;
	s1 =	sadd.s32 $0x1000, s1;
	s6 =	smov.u32 s24  }
0x88: {  	[hbm4b:s8+s3] =	stream.linear.scatter [tilespmem:s7], [sflag:$0x5], $0x80, $0x38;
	[tilespmem:$0x16C00] =	vst v63  }
0x89: {  	s6 =	sadd.s32 $0xE400, s0  }
0x8a: {  	[hbm4b:s1+s3] =	stream.linear.scatter [tilespmem:s6], [sflag:$0x5], $0x80, $0x38;
	[tilespmem:$0x16C00] =	vst v63  }
0x8b: {  	s8 =	sadd.s32 $0xE488, s0;
	s24 =	sadd.s32 $0x10, s1  }
0x8c: {  	[hbm4b:s24+s3] =	stream.linear.scatter [tilespmem:s8], [sflag:$0x5], $0x80, $0x38;
	[tilespmem:$0x16C00] =	vst v63  }
0x8d: {  	s25 =	sadd.s32 $0xE510, s0;
	s26 =	sadd.s32 $0x20, s1  }
0x8e: {  	[hbm4b:s26+s3] =	stream.linear.scatter [tilespmem:s25], [sflag:$0x5], $0x80, $0x38;
	[tilespmem:$0x16C00] =	vst v63  }
0x8f: {  	s8 =	sadd.s32 $0xE598, s0;
	s24 =	sadd.s32 $0x30, s1  }
0x90: {  	[hbm4b:s24+s3] =	stream.linear.scatter [tilespmem:s8], [sflag:$0x5], $0x80, $0x38;
	[tilespmem:$0x16C00] =	vst v63  }
0x91: {  	s25 =	sadd.s32 $0xE620, s0;
	s26 =	sadd.s32 $0x40, s1  }
0x92: {  	[hbm4b:s26+s3] =	stream.linear.scatter [tilespmem:s25], [sflag:$0x5], $0x80, $0x38;
	[tilespmem:$0x16C00] =	vst v63  }
0x93: {  	s8 =	sadd.s32 $0xE6A8, s0;
	s24 =	sadd.s32 $0x50, s1  }
0x94: {  	[hbm4b:s24+s3] =	stream.linear.scatter [tilespmem:s8], [sflag:$0x5], $0x80, $0x38;
	[tilespmem:$0x16C00] =	vst v63  }
0x95: {  	s30 =	sor.u32 $0x3, s31;
	s25 =	sadd.s32 $0xE730, s0;
	s26 =	sadd.s32 $0x60, s1  }
0x96: {  	[hbm4b:s26+s3] =	stream.linear.scatter [tilespmem:s25], [sflag:$0x5], $0x80, $0x38;
	[tilespmem:$0x16C00] =	vst v63  }
0x97: {  	s7 =	sadd.s32 $0x70, s1;
	s6 =	sadd.s32 $0xE7B8, s0;
	s8 =	sshll.u32 s30, $0x7  }
0x98: {  	[hbm4b:s7+s3] =	stream.linear.scatter [tilespmem:s6], [sflag:$0x5], $0x80, $0x38;
	[tilespmem:$0x16C00] =	vst v63  }
0x99: {  	s0 =	sand.u32 $0x3FFFFF80, s8  }
0x9a: {  	[tilespmem:s15], [sflag:$0x4] =	stream.indirect.gather [hbm4b:s4+s9], $0x40, s0, s9, $0xb8;
	[tilespmem:$0x16C00] =	vst v63  }
0x9b: {  	_ =	swait.ge [sflag:s16], $0x2000  }
0x9c: {  	[sflag:s16] =	ssyncset.done $0x0  }
0x9d: {  	s0 =	simm.s32 @!p0 $0x6;
	[sflag:s16] =	ssyncadd.s32 $0xFFFFE000  }
0x9e: {  	_ =	swait.ge @!p0 [sflag:s0], $0x2000  }
0x9f: {  	[sflag:s0] =	ssyncset.done @!p0 $0x0  }
0xa0: {  	s24 =	simm.s32 $0x1;
	s7 =	simm.s32 $0x8440;
	[sflag:s0] =	ssyncadd.s32 @!p0 $0xFFFFE000  }
0xa1: {  	v4 =	vmov s24;
	v5 =	vld [tilespmem:s7+$0x0]  }
0xa2: {  	v9 =	vand.u32 $0x7F, v4  }
0xa3: {  	v4 =	vadd.s32 v0, v9  }
0xa4: {  	s25 =	simm.s32 $0x0  }
0xa5: {  	v6 =	vmov s25;
	v7 =	vld [tilespmem:s7+$0xFFFFFFC0]  }
0xa6: {  	v14 =	vand.u32 $0x7E, v6;
	v5 =	vmul.f32 $8.000000000e+00, v5  }
0xa7: {  	s26 =	simm.s32 $0x3;
	v6 =	vadd.s32 v0, v14;
	s0 =	simm.s32 $0x84C0  }
0xa8: {  	v8 =	vld [tilespmem:s0+$0x0];
	[tilespmem:v4+s17+$0x0] =	vst.idx.msk $0xffff, v5;
	v4 =	vmov s26  }
0xa9: {  	v4 =	vand.u32 $0x7F, v4;
	v10 =	vld [tilespmem:s7+$0x10]  }
0xaa: {  	v5 =	vmul.f32 $8.000000000e+00, v7;
	v7 =	vadd.s32 v0, v4  }
0xab: {  	v11 =	vadd.s32 v1, v9;
	s6 =	simm.s32 $0x2  }
0xac: {  	v12 =	vld [tilespmem:s0+$0xFFFFFFC0];
	[tilespmem:v6+s17+$0x0] =	vst.idx.msk $0xffff, v5;
	v5 =	vmov s6  }
0xad: {  	v6 =	vmul.f32 $8.000000000e+00, v8;
	v5 =	vand.u32 $0x7E, v5;
	v8 =	vld [tilespmem:s7+$0xFFFFFFD0]  }
0xae: {  	s1 =	simm.s32 $0x8540;
	s8 =	simm.s32 $0x5;
	v13 =	vadd.s32 v0, v5;
	v10 =	vmul.f32 $8.000000000e+00, v10  }
0xaf: {  	v15 =	vld [tilespmem:s1+$0x0];
	[tilespmem:v7+s17+$0x0] =	vst.idx.msk $0xffff, v6;
	v7 =	vadd.s32 v1, v14;
	v6 =	vmov s8  }
0xb0: {  	[tilespmem:v11+s17+$0x0] =	vst.idx.msk $0xffff, v10;
	v6 =	vand.u32 $0x7F, v6;
	v10 =	vld [tilespmem:s0+$0x10]  }
0xb1: {  	v11 =	vmul.f32 $8.000000000e+00, v12;
	v12 =	vadd.s32 v0, v6;
	v16 =	vld [tilespmem:s7+$0x20]  }
0xb2: {  	s24 =	simm.s32 $0x4;
	v17 =	vadd.s32 v1, v4;
	v8 =	vmul.f32 $8.000000000e+00, v8  }
0xb3: {  	v18 =	vadd.s32 v2, v9;
	[tilespmem:v13+s17+$0x0] =	vst.idx.msk $0xffff, v11;
	v11 =	vmov s24;
	v13 =	vld [tilespmem:s1+$0xFFFFFFC0]  }
0xb4: {  	[tilespmem:v7+s17+$0x0] =	vst.idx.msk $0xffff, v8;
	v7 =	vand.u32 $0x7E, v11;
	v8 =	vmul.f32 $8.000000000e+00, v15;
	v11 =	vld [tilespmem:s0+$0xFFFFFFD0]  }
0xb5: {  	s25 =	simm.s32 $0x7;
	s6 =	simm.s32 $0x85C0;
	v15 =	vadd.s32 v0, v7;
	v10 =	vmul.f32 $8.000000000e+00, v10;
	v19 =	vld [tilespmem:s7+$0xFFFFFFE0]  }
0xb6: {  	v20 =	vld [tilespmem:s6+$0x0];
	[tilespmem:v12+s17+$0x0] =	vst.idx.msk $0xffff, v8;
	v12 =	vadd.s32 v1, v5;
	v16 =	vmul.f32 $8.000000000e+00, v16;
	v8 =	vmov s25  }
0xb7: {  	[tilespmem:v17+s17+$0x0] =	vst.idx.msk $0xffff, v10;
	v10 =	vadd.s32 v2, v14;
	v8 =	vand.u32 $0x7F, v8;
	v17 =	vld [tilespmem:s1+$0x10]  }
0xb8: {  	v13 =	vmul.f32 $8.000000000e+00, v13;
	[tilespmem:v18+s17+$0x0] =	vst.idx.msk $0xffff, v16;
	v16 =	vadd.s32 v0, v8;
	v18 =	vld [tilespmem:s0+$0x20]  }
0xb9: {  	s26 =	simm.s32 $0x6;
	v21 =	vadd.s32 v1, v6;
	v11 =	vmul.f32 $8.000000000e+00, v11;
	v22 =	vld [tilespmem:s7+$0x30]  }
0xba: {  	v23 =	vadd.s32 v2, v4;
	[tilespmem:v15+s17+$0x0] =	vst.idx.msk $0xffff, v13;
	v13 =	vmul.f32 $8.000000000e+00, v19;
	v15 =	vld [tilespmem:s6+$0xFFFFFFC0];
	v19 =	vmov s26  }
0xbb: {  	v25 =	vadd.s32 v3, v9;
	[tilespmem:v12+s17+$0x0] =	vst.idx.msk $0xffff, v11;
	v12 =	vmul.f32 $8.000000000e+00, v20;
	v24 =	vld [tilespmem:s1+$0xFFFFFFD0];
	v9 =	vand.u32 $0x7E, v19  }
0xbc: {  	[tilespmem:v10+s17+$0x0] =	vst.idx.msk $0xffff, v13;
	v10 =	vmul.f32 $8.000000000e+00, v17;
	v11 =	vld [tilespmem:s0+$0xFFFFFFE0];
	v17 =	vadd.s32 v0, v9  }
0xbd: {  	s8 =	simm.s32 $0x8640;
	s24 =	simm.s32 $0x9;
	[tilespmem:v16+s17+$0x0] =	vst.idx.msk $0xffff, v12;
	v20 =	vmul.f32 $8.000000000e+00, v18;
	v12 =	vld [tilespmem:s7+$0xFFFFFFF0];
	v16 =	vadd.s32 v1, v7  }
0xbe: {  	v19 =	vld [tilespmem:s8+$0x0];
	v13 =	vadd.s32 v2, v5;
	v18 =	vmov s24;
	[tilespmem:v21+s17+$0x0] =	vst.idx.msk $0xffff, v10;
	v26 =	vmul.f32 $8.000000000e+00, v22  }
0xbf: {  	s31 =	sor.u32 $0x1, s31;
	v14 =	vadd.s32 v3, v14;
	v10 =	vand.u32 $0x7F, v18;
	v18 =	vld [tilespmem:s6+$0x10];
	v22 =	vmul.f32 $8.000000000e+00, v15;
	[tilespmem:v23+s17+$0x0] =	vst.idx.msk $0xffff, v20  }
0xc0: {  	s25 =	simm.s32 $0x8;
	s24 =	simm.s32 $0xA;
	s7 =	simm.s32 $0x8640;
	v20 =	vadd.s32 v0, v10;
	v15 =	vld [tilespmem:s1+$0x20];
	v21 =	vmul.f32 $8.000000000e+00, v24;
	[tilespmem:v25+s17+$0x0] =	vst.idx.msk $0xffff, v26  }
.LBB2_7:
0xc1: {  	p1 =	slt.u32 s24, $0x7E;
	[tilespmem:v17+s17+$0x0] =	vst.idx.msk $0xffff, v22;
	v22 =	vadd.s32 v1, v8;
	v11 =	vmul.f32 $8.000000000e+00, v11;
	v23 =	vld [tilespmem:s0+$0x30]  }
0xc2: {  	v17 =	vmov s25;
	s25 =	smov.u32 s24;
	v24 =	vld [tilespmem:s8+$0xFFFFFFC0];
	[tilespmem:v16+s17+$0x0] =	vst.idx.msk $0xffff, v21;
	v21 =	vadd.s32 v2, v6;
	v12 =	vmul.f32 $8.000000000e+00, v12  }
0xc3: {  	v27 =	vadd.s32 v3, v4;
	v4 =	vmovc v6;
	v25 =	vand.u32 $0x7E, v17;
	v16 =	vmul.f32 $8.000000000e+00, v19;
	v26 =	vld [tilespmem:s6+$0xFFFFFFD0];
	[tilespmem:v13+s17+$0x0] =	vst.idx.msk $0xffff, v11  }
.Ltmp2:
0xc4: {  	v6 =	vmovc v8;
	v8 =	vmov v10;
	v17 =	vadd.s32 v0, v25;
	v13 =	vmul.f32 $8.000000000e+00, v18;
	v11 =	vld [tilespmem:s1+$0xFFFFFFE0];
	[tilespmem:v14+s17+$0x0] =	vst.idx.msk $0xffff, v12;
	(pc) =	sbr.rel @p1 .LBB2_7-.Ltmp2, $4  }
0xc5: {  	s26 =	sadd.s32 $0x1, s24;
	s8 =	sadd.s32 $0x80, s8;
	[tilespmem:v20+s17+$0x0] =	vst.idx.msk $0xffff, v16;
	v16 =	vadd.s32 v1, v9;
	v14 =	vmul.f32 $8.000000000e+00, v15;
	v12 =	vld [tilespmem:s0+$0xFFFFFFF0];
	s0 =	smov.u32 s1  }
0xc6: {  	v10 =	vmov s26;
	s1 =	smov.u32 s6;
	s6 =	smov.u32 s7;
	s7 =	smov.u32 s8;
	v19 =	vld [tilespmem:s8+$0x0];
	[tilespmem:v22+s17+$0x0] =	vst.idx.msk $0xffff, v13;
	v13 =	vadd.s32 v2, v7;
	v23 =	vmul.f32 $8.000000000e+00, v23  }
0xc7: {  	v10 =	vand.u32 $0x7F, v10;
	v22 =	vmul.f32 $8.000000000e+00, v24;
	v18 =	vld [tilespmem:s6+$0x10];
	[tilespmem:v21+s17+$0x0] =	vst.idx.msk $0xffff, v14;
	v14 =	vadd.s32 v3, v5;
	v5 =	vmovc v7  }
0xc8: {  	s24 =	sadd.s32 $0x2, s24;
	v20 =	vadd.s32 v0, v10;
	v7 =	vmovc v9;
	v9 =	vmov v25;
	v21 =	vmul.f32 $8.000000000e+00, v26;
	v15 =	vld [tilespmem:s1+$0x20];
	[tilespmem:v27+s17+$0x0] =	vst.idx.msk $0xffff, v23  }
0xc9: {  	v23 =	vmov s25;
	v24 =	vld [tilespmem:s8+$0xFFFFFFC0]  }
0xca: {  	v23 =	vand.u32 $0x7E, v23  }
0xcb: {  	v25 =	vadd.s32 v0, v23;
	_ =	sdelay $0x1  }
0xcc: {  	v19 =	vmul.f32 $8.000000000e+00, v19  }
0xcd: {  	[tilespmem:v17+s17+$0x0] =	vst.idx.msk $0xffff, v22;
	v62 =	vmul.f32 $8.000000000e+00, v24  }
0xce: {  	v22 =	vld [tilespmem:s6+$0xFFFFFFD0];
	[tilespmem:v20+s17+$0x0] =	vst.idx.msk $0xffff, v19  }
0xcf: {  	v63 =	vadd.s32 v1, v8;
	v20 =	vld [tilespmem:s7+$0x10];
	[tilespmem:v25+s17+$0x0] =	vst.idx.msk $0xffff, v62  }
0xd0: {  	v28 =	vadd.s32 v1, v9;
	v29 =	vld [tilespmem:s7+$0xFFFFFFD0]  }
0xd1: {  	v30 =	vadd.s32 v1, v10  }
0xd2: {  	v26 =	vadd.s32 v1, v23;
	v18 =	vmul.f32 $8.000000000e+00, v18  }
0xd3: {  	[tilespmem:v16+s17+$0x0] =	vst.idx.msk $0xffff, v21;
	v31 =	vmul.f32 $8.000000000e+00, v22  }
0xd4: {  	v32 =	vld [tilespmem:s1+$0xFFFFFFE0];
	[tilespmem:v63+s17+$0x0] =	vst.idx.msk $0xffff, v18;
	v33 =	vmul.f32 $8.000000000e+00, v20  }
0xd5: {  	v34 =	vadd.s32 v2, v6;
	v35 =	vld [tilespmem:s6+$0x20];
	[tilespmem:v28+s17+$0x0] =	vst.idx.msk $0xffff, v31;
	v36 =	vmul.f32 $8.000000000e+00, v29  }
0xd6: {  	v11 =	vmul.f32 $8.000000000e+00, v11;
	v37 =	vadd.s32 v2, v7;
	v38 =	vld [tilespmem:s6+$0xFFFFFFE0];
	[tilespmem:v30+s17+$0x0] =	vst.idx.msk $0xffff, v33  }
0xd7: {  	v39 =	vadd.s32 v2, v8;
	v12 =	vmul.f32 $8.000000000e+00, v12;
	v40 =	vld [tilespmem:s7+$0x20];
	[tilespmem:v26+s17+$0x0] =	vst.idx.msk $0xffff, v36  }
0xd8: {  	v42 =	vadd.s32 v2, v9;
	[tilespmem:v13+s17+$0x0] =	vst.idx.msk $0xffff, v11;
	v41 =	vmul.f32 $8.000000000e+00, v15;
	v43 =	vld [tilespmem:s7+$0xFFFFFFE0]  }
0xd9: {  	v44 =	vld [tilespmem:s0+$0x30];
	v46 =	vadd.s32 v2, v10;
	[tilespmem:v14+s17+$0x0] =	vst.idx.msk $0xffff, v12;
	v45 =	vmul.f32 $8.000000000e+00, v32  }
0xda: {  	v49 =	vadd.s32 v2, v23;
	v47 =	vld [tilespmem:s0+$0xFFFFFFF0];
	[tilespmem:v34+s17+$0x0] =	vst.idx.msk $0xffff, v41;
	v48 =	vmul.f32 $8.000000000e+00, v35  }
0xdb: {  	v4 =	vadd.s32 v3, v4;
	[tilespmem:v37+s17+$0x0] =	vst.idx.msk $0xffff, v45;
	v20 =	vld [tilespmem:s1+$0x30];
	v50 =	vmul.f32 $8.000000000e+00, v38  }
0xdc: {  	v5 =	vadd.s32 v3, v5;
	v51 =	vld [tilespmem:s1+$0xFFFFFFF0];
	[tilespmem:v39+s17+$0x0] =	vst.idx.msk $0xffff, v48;
	v52 =	vmul.f32 $8.000000000e+00, v40  }
0xdd: {  	v53 =	vadd.s32 v3, v6;
	v54 =	vld [tilespmem:s6+$0x30];
	[tilespmem:v42+s17+$0x0] =	vst.idx.msk $0xffff, v50;
	v55 =	vmul.f32 $8.000000000e+00, v43  }
0xde: {  	v57 =	vadd.s32 v3, v7;
	v56 =	vmul.f32 $8.000000000e+00, v44;
	v58 =	vld [tilespmem:s6+$0xFFFFFFF0];
	[tilespmem:v46+s17+$0x0] =	vst.idx.msk $0xffff, v52  }
0xdf: {  	v60 =	vadd.s32 v3, v8;
	v59 =	vmul.f32 $8.000000000e+00, v47;
	v14 =	vld [tilespmem:s7+$0x30];
	[tilespmem:v49+s17+$0x0] =	vst.idx.msk $0xffff, v55  }
0xe0: {  	v61 =	vadd.s32 v3, v9;
	[tilespmem:v4+s17+$0x0] =	vst.idx.msk $0xffff, v56;
	v4 =	vmul.f32 $8.000000000e+00, v20;
	v12 =	vld [tilespmem:s7+$0xFFFFFFF0]  }
0xe1: {  	v62 =	vadd.s32 v3, v10;
	[tilespmem:v5+s17+$0x0] =	vst.idx.msk $0xffff, v59;
	v5 =	vmul.f32 $8.000000000e+00, v51  }
0xe2: {  	v63 =	vadd.s32 v3, v23;
	[tilespmem:v53+s17+$0x0] =	vst.idx.msk $0xffff, v4;
	v4 =	vmul.f32 $8.000000000e+00, v54  }
0xe3: {  	s25 =	sadd.s32 s5, s31;
	[tilespmem:v57+s17+$0x0] =	vst.idx.msk $0xffff, v5;
	v5 =	vmul.f32 $8.000000000e+00, v58  }
0xe4: {  	s31 =	sshll.u32 s31, $0xF;
	s26 =	sshll.u32 s25, $0xA;
	s0 =	sshll.u32 s25, $0x4;
	[tilespmem:v60+s17+$0x0] =	vst.idx.msk $0xffff, v4;
	v4 =	vmul.f32 $8.000000000e+00, v14  }
0xe5: {  	s0 =	sand.u32 $0xF80, s0;
	s1 =	sand.u32 $0xFFC0000, s26;
	s6 =	sand.u32 $0x28000, s31;
	[tilespmem:v61+s17+$0x0] =	vst.idx.msk $0xffff, v5;
	v5 =	vmul.f32 $8.000000000e+00, v12  }
0xe6: {  	s0 =	sadd.s32 s2, s0;
	s1 =	sor.u32 s1, s6;
	[tilespmem:v62+s17+$0x0] =	vst.idx.msk $0xffff, v4  }
0xe7: {  	s6 =	simm.s32 $0x10600;
	s1 =	sadd.s32 s1, s0;
	[tilespmem:v63+s17+$0x0] =	vst.idx.msk $0xffff, v5  }
0xe8: {  	[hbm4b:s1+s3] =	stream.linear.scatter [tilespmem:s6], [sflag:$0x6], $0x80, $0x38;
	[tilespmem:$0x16C00] =	vst v63  }
0xe9: {  	s8 =	sadd.s32 $0x10, s1;
	s7 =	simm.s32 $0x10688  }
0xea: {  	[hbm4b:s8+s3] =	stream.linear.scatter [tilespmem:s7], [sflag:$0x6], $0x80, $0x38;
	[tilespmem:$0x16C00] =	vst v63  }
0xeb: {  	s24 =	simm.s32 $0x10710;
	s26 =	simm.s32 $0x10798;
	s25 =	sadd.s32 $0x20, s1  }
0xec: {  	[hbm4b:s25+s3] =	stream.linear.scatter [tilespmem:s24], [sflag:$0x6], $0x80, $0x38;
	[tilespmem:$0x16C00] =	vst v63  }
0xed: {  	s0 =	simm.s32 $0x440;
	s31 =	sadd.s32 $0x30, s1;
	s6 =	simm.s32 $0x2200  }
0xee: {  	[hbm4b:s31+s3] =	stream.linear.scatter [tilespmem:s26], [sflag:$0x6], $0x80, $0x38;
	[tilespmem:$0x16C00] =	vst v63  }
0xef: {  	s7 =	simm.s32 $0x10820;
	s8 =	sadd.s32 $0x40, s1;
	s24 =	simm.s32 $0x108A8  }
0xf0: {  	[hbm4b:s8+s3] =	stream.linear.scatter [tilespmem:s7], [sflag:$0x6], $0x80, $0x38;
	[tilespmem:$0x16C00] =	vst v63  }
0xf1: {  	s25 =	sadd.s32 $0x50, s1;
	s26 =	simm.s32 $0x10930;
	s31 =	sadd.s32 $0x60, s1  }
0xf2: {  	[hbm4b:s25+s3] =	stream.linear.scatter [tilespmem:s24], [sflag:$0x6], $0x80, $0x38;
	[tilespmem:$0x16C00] =	vst v63  }
0xf3: {  	s7 =	simm.s32 $0x109B8;
	s8 =	sadd.s32 $0x70, s1;
	s1 =	sadd.s32 $0x1000, s1  }
0xf4: {  	[hbm4b:s31+s3] =	stream.linear.scatter [tilespmem:s26], [sflag:$0x6], $0x80, $0x38;
	[tilespmem:$0x16C00] =	vst v63  }
.LBB2_9:
0xf5: {  	[hbm4b:s8+s3] =	stream.linear.scatter [tilespmem:s7], [sflag:$0x6], $0x80, $0x38;
	[tilespmem:$0x16C00] =	vst v63  }
0xf6: {  	s7 =	smov.u32 s0;
	s0 =	smov.u32 s6  }
0xf7: {  	s24 =	sadd.s32 $0x1100, s6;
	s0 =	sshra.s32 s0, $0x2;
	s8 =	sadd.s32 $0x10600, s7  }
0xf8: {  	[hbm4b:s1+s3] =	stream.linear.scatter [tilespmem:s8], [sflag:$0x6], $0x80, $0x38;
	[tilespmem:$0x16C00] =	vst v63  }
0xf9: {  	p1 =	sne.s32 s6, $0x7700;
	s6 =	sadd.s32 $0x10688, s7;
	s8 =	sadd.s32 $0x10, s1  }
0xfa: {  	[hbm4b:s8+s3] =	stream.linear.scatter [tilespmem:s6], [sflag:$0x6], $0x80, $0x38;
	[tilespmem:$0x16C00] =	vst v63  }
0xfb: {  	s6 =	sadd.s32 $0x10710, s7;
	s8 =	sadd.s32 $0x20, s1  }
0xfc: {  	[hbm4b:s8+s3] =	stream.linear.scatter [tilespmem:s6], [sflag:$0x6], $0x80, $0x38;
	[tilespmem:$0x16C00] =	vst v63  }
0xfd: {  	s6 =	sadd.s32 $0x10798, s7;
	s8 =	sadd.s32 $0x30, s1  }
0xfe: {  	[hbm4b:s8+s3] =	stream.linear.scatter [tilespmem:s6], [sflag:$0x6], $0x80, $0x38;
	[tilespmem:$0x16C00] =	vst v63  }
0xff: {  	s6 =	sadd.s32 $0x10820, s7;
	s8 =	sadd.s32 $0x40, s1  }
0x100: {  	[hbm4b:s8+s3] =	stream.linear.scatter [tilespmem:s6], [sflag:$0x6], $0x80, $0x38;
	[tilespmem:$0x16C00] =	vst v63  }
.Ltmp3:
0x101: {  	s6 =	sadd.s32 $0x108A8, s7;
	s8 =	sadd.s32 $0x50, s1;
	(pc) =	sbr.rel @p1 .LBB2_9-.Ltmp3, $4  }
0x102: {  	[hbm4b:s8+s3] =	stream.linear.scatter [tilespmem:s6], [sflag:$0x6], $0x80, $0x38;
	[tilespmem:$0x16C00] =	vst v63  }
0x103: {  	s6 =	sadd.s32 $0x10930, s7;
	s8 =	sadd.s32 $0x60, s1;
	s7 =	sadd.s32 $0x109B8, s7  }
0x104: {  	[hbm4b:s8+s3] =	stream.linear.scatter [tilespmem:s6], [sflag:$0x6], $0x80, $0x38;
	[tilespmem:$0x16C00] =	vst v63  }
0x105: {  	s8 =	sadd.s32 $0x70, s1;
	s1 =	sadd.s32 $0x1000, s1;
	s6 =	smov.u32 s24  }
0x106: {  	[hbm4b:s8+s3] =	stream.linear.scatter [tilespmem:s7], [sflag:$0x6], $0x80, $0x38;
	[tilespmem:$0x16C00] =	vst v63  }
0x107: {  	s6 =	sadd.s32 $0x10600, s0  }
0x108: {  	[hbm4b:s1+s3] =	stream.linear.scatter [tilespmem:s6], [sflag:$0x6], $0x80, $0x38;
	[tilespmem:$0x16C00] =	vst v63  }
0x109: {  	s26 =	sadd.s32 $0x10688, s0;
	s31 =	sadd.s32 $0x10, s1  }
0x10a: {  	[hbm4b:s31+s3] =	stream.linear.scatter [tilespmem:s26], [sflag:$0x6], $0x80, $0x38;
	[tilespmem:$0x16C00] =	vst v63  }
0x10b: {  	s7 =	sadd.s32 $0x10710, s0;
	s8 =	sadd.s32 $0x20, s1  }
0x10c: {  	[hbm4b:s8+s3] =	stream.linear.scatter [tilespmem:s7], [sflag:$0x6], $0x80, $0x38;
	[tilespmem:$0x16C00] =	vst v63  }
0x10d: {  	s24 =	sadd.s32 $0x10798, s0;
	s25 =	sadd.s32 $0x30, s1  }
0x10e: {  	[hbm4b:s25+s3] =	stream.linear.scatter [tilespmem:s24], [sflag:$0x6], $0x80, $0x38;
	[tilespmem:$0x16C00] =	vst v63  }
0x10f: {  	s26 =	sadd.s32 $0x10820, s0;
	s31 =	sadd.s32 $0x40, s1  }
0x110: {  	[hbm4b:s31+s3] =	stream.linear.scatter [tilespmem:s26], [sflag:$0x6], $0x80, $0x38;
	[tilespmem:$0x16C00] =	vst v63  }
0x111: {  	p1 =	sne.s32 s28, $0x31;
	s7 =	sadd.s32 $0x108A8, s0;
	s8 =	sadd.s32 $0x50, s1  }
0x112: {  	[hbm4b:s8+s3] =	stream.linear.scatter [tilespmem:s7], [sflag:$0x6], $0x80, $0x38;
	[tilespmem:$0x16C00] =	vst v63  }
.Ltmp4:
0x113: {  	_ = 	snop;
	(pc) =	sbr.rel @p1 .LBB2_12-.Ltmp4, $4  }
0x114: {  	s24 =	sadd.s32 $0x10930, s0;
	s25 =	sadd.s32 $0x60, s1  }
0x115: {  	[hbm4b:s25+s3] =	stream.linear.scatter [tilespmem:s24], [sflag:$0x6], $0x80, $0x38;
	[tilespmem:$0x16C00] =	vst v63  }
0x116: {  	s26 =	sadd.s32 $0x109B8, s0;
	s31 =	sadd.s32 $0x70, s1  }
0x117: {  	[hbm4b:s31+s3] =	stream.linear.scatter [tilespmem:s26], [sflag:$0x6], $0x80, $0x38;
	[tilespmem:$0x16C00] =	vst v63  }
.Ltmp5:
0x118: {  	(pc) =	sbr.rel .LBB2_13-.Ltmp5, $4  }
0x119: {  	_ = 	snop  }
0x11a: {  	_ =	swait.ge [sflag:s18], $0x2000  }
0x11b: {  	[sflag:s18] =	ssyncset.done $0x0  }
0x11c: {  	[sflag:s18] =	ssyncadd.s32 $0xFFFFE000  }
.LBB2_12:
0x11d: {  	s0 =	sshll.u32 s28, $0x9  }
0x11e: {  	s0 =	sand.u32 $0x3FFFFE00, s0  }
.Ltmp6:
0x11f: {  	s0 =	sadd.s32 $0x200, s0;
	(pc) =	sbr.rel @p0 .LBB2_14-.Ltmp6, $4  }
0x120: {  	[tilespmem:s10], [sflag:$0x1] =	stream.indirect.gather [hbm4b:s4+s9], $0x40, s0, s9, $0xb8;
	[tilespmem:$0x16C00] =	vst v63  }
0x121: {  	_ =	swait.ge [sflag:s18], $0x2000  }
0x122: {  	[sflag:s18] =	ssyncset.done $0x0  }
0x123: {  	[sflag:s18] =	ssyncadd.s32 $0xFFFFE000  }
.LBB2_13:
0x124: {  	_ =	swait.ge [sflag:s19], $0x2000  }
0x125: {  	[sflag:s19] =	ssyncset.done $0x0  }
0x126: {  	[sflag:s19] =	ssyncadd.s32 $0xFFFFE000  }
.LBB2_14:
0x127: {  	s7 =	simm.s32 $0xA440;
	s0 =	simm.s32 $0x1  }
0x128: {  	v4 =	vmov s0;
	v5 =	vld [tilespmem:s7+$0x0]  }
0x129: {  	v9 =	vand.u32 $0x7F, v4  }
0x12a: {  	v4 =	vadd.s32 v0, v9  }
0x12b: {  	s24 =	simm.s32 $0x0  }
0x12c: {  	v6 =	vmov s24;
	v7 =	vld [tilespmem:s7+$0xFFFFFFC0]  }
0x12d: {  	v14 =	vand.u32 $0x7E, v6;
	v5 =	vmul.f32 $8.000000000e+00, v5  }
0x12e: {  	s1 =	simm.s32 $0x3;
	s0 =	simm.s32 $0xA4C0;
	v6 =	vadd.s32 v0, v14  }
0x12f: {  	v8 =	vld [tilespmem:s0+$0x0];
	[tilespmem:v4+s20+$0x0] =	vst.idx.msk $0xffff, v5;
	v4 =	vmov s1  }
0x130: {  	v4 =	vand.u32 $0x7F, v4;
	v10 =	vld [tilespmem:s7+$0x10]  }
0x131: {  	v5 =	vmul.f32 $8.000000000e+00, v7;
	v7 =	vadd.s32 v0, v4  }
0x132: {  	s25 =	simm.s32 $0x2;
	v11 =	vadd.s32 v1, v9  }
0x133: {  	v12 =	vld [tilespmem:s0+$0xFFFFFFC0];
	[tilespmem:v6+s20+$0x0] =	vst.idx.msk $0xffff, v5;
	v5 =	vmov s25  }
0x134: {  	v6 =	vmul.f32 $8.000000000e+00, v8;
	v5 =	vand.u32 $0x7E, v5;
	v8 =	vld [tilespmem:s7+$0xFFFFFFD0]  }
0x135: {  	s6 =	simm.s32 $0x5;
	s1 =	simm.s32 $0xA540;
	v13 =	vadd.s32 v0, v5;
	v10 =	vmul.f32 $8.000000000e+00, v10  }
0x136: {  	v15 =	vld [tilespmem:s1+$0x0];
	[tilespmem:v7+s20+$0x0] =	vst.idx.msk $0xffff, v6;
	v7 =	vadd.s32 v1, v14;
	v6 =	vmov s6  }
0x137: {  	[tilespmem:v11+s20+$0x0] =	vst.idx.msk $0xffff, v10;
	v6 =	vand.u32 $0x7F, v6;
	v10 =	vld [tilespmem:s0+$0x10]  }
0x138: {  	v11 =	vmul.f32 $8.000000000e+00, v12;
	v12 =	vadd.s32 v0, v6;
	v16 =	vld [tilespmem:s7+$0x20]  }
0x139: {  	s26 =	simm.s32 $0x4;
	v17 =	vadd.s32 v1, v4;
	v8 =	vmul.f32 $8.000000000e+00, v8  }
0x13a: {  	v18 =	vadd.s32 v2, v9;
	[tilespmem:v13+s20+$0x0] =	vst.idx.msk $0xffff, v11;
	v11 =	vmov s26;
	v13 =	vld [tilespmem:s1+$0xFFFFFFC0]  }
0x13b: {  	[tilespmem:v7+s20+$0x0] =	vst.idx.msk $0xffff, v8;
	v7 =	vand.u32 $0x7E, v11;
	v8 =	vmul.f32 $8.000000000e+00, v15;
	v11 =	vld [tilespmem:s0+$0xFFFFFFD0]  }
0x13c: {  	s8 =	simm.s32 $0x7;
	s6 =	simm.s32 $0xA5C0;
	v15 =	vadd.s32 v0, v7;
	v10 =	vmul.f32 $8.000000000e+00, v10;
	v19 =	vld [tilespmem:s7+$0xFFFFFFE0]  }
0x13d: {  	v20 =	vld [tilespmem:s6+$0x0];
	[tilespmem:v12+s20+$0x0] =	vst.idx.msk $0xffff, v8;
	v12 =	vadd.s32 v1, v5;
	v16 =	vmul.f32 $8.000000000e+00, v16;
	v8 =	vmov s8  }
0x13e: {  	[tilespmem:v17+s20+$0x0] =	vst.idx.msk $0xffff, v10;
	v10 =	vadd.s32 v2, v14;
	v8 =	vand.u32 $0x7F, v8;
	v17 =	vld [tilespmem:s1+$0x10]  }
0x13f: {  	v13 =	vmul.f32 $8.000000000e+00, v13;
	[tilespmem:v18+s20+$0x0] =	vst.idx.msk $0xffff, v16;
	v16 =	vadd.s32 v0, v8;
	v18 =	vld [tilespmem:s0+$0x20]  }
0x140: {  	s31 =	simm.s32 $0x6;
	v21 =	vadd.s32 v1, v6;
	v11 =	vmul.f32 $8.000000000e+00, v11;
	v22 =	vld [tilespmem:s7+$0x30]  }
0x141: {  	v23 =	vadd.s32 v2, v4;
	[tilespmem:v15+s20+$0x0] =	vst.idx.msk $0xffff, v13;
	v13 =	vmul.f32 $8.000000000e+00, v19;
	v15 =	vld [tilespmem:s6+$0xFFFFFFC0];
	v19 =	vmov s31  }
0x142: {  	v25 =	vadd.s32 v3, v9;
	[tilespmem:v12+s20+$0x0] =	vst.idx.msk $0xffff, v11;
	v12 =	vmul.f32 $8.000000000e+00, v20;
	v24 =	vld [tilespmem:s1+$0xFFFFFFD0];
	v9 =	vand.u32 $0x7E, v19  }
0x143: {  	[tilespmem:v10+s20+$0x0] =	vst.idx.msk $0xffff, v13;
	v10 =	vmul.f32 $8.000000000e+00, v17;
	v11 =	vld [tilespmem:s0+$0xFFFFFFE0];
	v17 =	vadd.s32 v0, v9  }
0x144: {  	s24 =	simm.s32 $0x9;
	s8 =	simm.s32 $0xA640;
	[tilespmem:v16+s20+$0x0] =	vst.idx.msk $0xffff, v12;
	v20 =	vmul.f32 $8.000000000e+00, v18;
	v12 =	vld [tilespmem:s7+$0xFFFFFFF0];
	v16 =	vadd.s32 v1, v7  }
0x145: {  	v19 =	vld [tilespmem:s8+$0x0];
	v13 =	vadd.s32 v2, v5;
	v18 =	vmov s24;
	[tilespmem:v21+s20+$0x0] =	vst.idx.msk $0xffff, v10;
	v26 =	vmul.f32 $8.000000000e+00, v22  }
0x146: {  	v14 =	vadd.s32 v3, v14;
	v10 =	vand.u32 $0x7F, v18;
	v18 =	vld [tilespmem:s6+$0x10];
	v22 =	vmul.f32 $8.000000000e+00, v15;
	[tilespmem:v23+s20+$0x0] =	vst.idx.msk $0xffff, v20  }
0x147: {  	s25 =	simm.s32 $0x8;
	s24 =	simm.s32 $0xA;
	s7 =	simm.s32 $0xA640;
	v20 =	vadd.s32 v0, v10;
	v15 =	vld [tilespmem:s1+$0x20];
	v21 =	vmul.f32 $8.000000000e+00, v24;
	[tilespmem:v25+s20+$0x0] =	vst.idx.msk $0xffff, v26  }
.LBB2_15:
0x148: {  	p2 =	slt.u32 s24, $0x7E;
	[tilespmem:v17+s20+$0x0] =	vst.idx.msk $0xffff, v22;
	v22 =	vadd.s32 v1, v8;
	v11 =	vmul.f32 $8.000000000e+00, v11;
	v23 =	vld [tilespmem:s0+$0x30]  }
0x149: {  	v17 =	vmov s25;
	s25 =	smov.u32 s24;
	v24 =	vld [tilespmem:s8+$0xFFFFFFC0];
	[tilespmem:v16+s20+$0x0] =	vst.idx.msk $0xffff, v21;
	v21 =	vadd.s32 v2, v6;
	v12 =	vmul.f32 $8.000000000e+00, v12  }
0x14a: {  	v27 =	vadd.s32 v3, v4;
	v4 =	vmovc v6;
	v25 =	vand.u32 $0x7E, v17;
	v16 =	vmul.f32 $8.000000000e+00, v19;
	v26 =	vld [tilespmem:s6+$0xFFFFFFD0];
	[tilespmem:v13+s20+$0x0] =	vst.idx.msk $0xffff, v11  }
.Ltmp7:
0x14b: {  	v6 =	vmovc v8;
	v8 =	vmov v10;
	v17 =	vadd.s32 v0, v25;
	v13 =	vmul.f32 $8.000000000e+00, v18;
	v11 =	vld [tilespmem:s1+$0xFFFFFFE0];
	[tilespmem:v14+s20+$0x0] =	vst.idx.msk $0xffff, v12;
	(pc) =	sbr.rel @p2 .LBB2_15-.Ltmp7, $4  }
0x14c: {  	s26 =	sadd.s32 $0x1, s24;
	s8 =	sadd.s32 $0x80, s8;
	[tilespmem:v20+s20+$0x0] =	vst.idx.msk $0xffff, v16;
	v16 =	vadd.s32 v1, v9;
	v14 =	vmul.f32 $8.000000000e+00, v15;
	v12 =	vld [tilespmem:s0+$0xFFFFFFF0];
	s0 =	smov.u32 s1  }
0x14d: {  	v10 =	vmov s26;
	s1 =	smov.u32 s6;
	s6 =	smov.u32 s7;
	s7 =	smov.u32 s8;
	v19 =	vld [tilespmem:s8+$0x0];
	[tilespmem:v22+s20+$0x0] =	vst.idx.msk $0xffff, v13;
	v13 =	vadd.s32 v2, v7;
	v23 =	vmul.f32 $8.000000000e+00, v23  }
0x14e: {  	v10 =	vand.u32 $0x7F, v10;
	v22 =	vmul.f32 $8.000000000e+00, v24;
	v18 =	vld [tilespmem:s6+$0x10];
	[tilespmem:v21+s20+$0x0] =	vst.idx.msk $0xffff, v14;
	v14 =	vadd.s32 v3, v5;
	v5 =	vmovc v7  }
0x14f: {  	s24 =	sadd.s32 $0x2, s24;
	v20 =	vadd.s32 v0, v10;
	v7 =	vmovc v9;
	v9 =	vmov v25;
	v21 =	vmul.f32 $8.000000000e+00, v26;
	v15 =	vld [tilespmem:s1+$0x20];
	[tilespmem:v27+s20+$0x0] =	vst.idx.msk $0xffff, v23  }
0x150: {  	v23 =	vmov s25;
	v24 =	vld [tilespmem:s8+$0xFFFFFFC0]  }
0x151: {  	v23 =	vand.u32 $0x7E, v23  }
0x152: {  	v25 =	vadd.s32 v0, v23;
	_ =	sdelay $0x1  }
0x153: {  	v19 =	vmul.f32 $8.000000000e+00, v19  }
0x154: {  	[tilespmem:v17+s20+$0x0] =	vst.idx.msk $0xffff, v22;
	v62 =	vmul.f32 $8.000000000e+00, v24  }
0x155: {  	v22 =	vld [tilespmem:s6+$0xFFFFFFD0];
	[tilespmem:v20+s20+$0x0] =	vst.idx.msk $0xffff, v19  }
0x156: {  	v63 =	vadd.s32 v1, v8;
	v20 =	vld [tilespmem:s7+$0x10];
	[tilespmem:v25+s20+$0x0] =	vst.idx.msk $0xffff, v62  }
0x157: {  	v28 =	vadd.s32 v1, v9;
	v29 =	vld [tilespmem:s7+$0xFFFFFFD0]  }
0x158: {  	v30 =	vadd.s32 v1, v10  }
0x159: {  	v26 =	vadd.s32 v1, v23;
	v18 =	vmul.f32 $8.000000000e+00, v18  }
0x15a: {  	[tilespmem:v16+s20+$0x0] =	vst.idx.msk $0xffff, v21;
	v31 =	vmul.f32 $8.000000000e+00, v22  }
0x15b: {  	v32 =	vld [tilespmem:s1+$0xFFFFFFE0];
	[tilespmem:v63+s20+$0x0] =	vst.idx.msk $0xffff, v18;
	v33 =	vmul.f32 $8.000000000e+00, v20  }
0x15c: {  	v34 =	vadd.s32 v2, v6;
	v35 =	vld [tilespmem:s6+$0x20];
	[tilespmem:v28+s20+$0x0] =	vst.idx.msk $0xffff, v31;
	v36 =	vmul.f32 $8.000000000e+00, v29  }
0x15d: {  	v11 =	vmul.f32 $8.000000000e+00, v11;
	v37 =	vadd.s32 v2, v7;
	v38 =	vld [tilespmem:s6+$0xFFFFFFE0];
	[tilespmem:v30+s20+$0x0] =	vst.idx.msk $0xffff, v33  }
0x15e: {  	v39 =	vadd.s32 v2, v8;
	v12 =	vmul.f32 $8.000000000e+00, v12;
	v40 =	vld [tilespmem:s7+$0x20];
	[tilespmem:v26+s20+$0x0] =	vst.idx.msk $0xffff, v36  }
0x15f: {  	v42 =	vadd.s32 v2, v9;
	[tilespmem:v13+s20+$0x0] =	vst.idx.msk $0xffff, v11;
	v41 =	vmul.f32 $8.000000000e+00, v15;
	v43 =	vld [tilespmem:s7+$0xFFFFFFE0]  }
0x160: {  	v44 =	vld [tilespmem:s0+$0x30];
	v46 =	vadd.s32 v2, v10;
	[tilespmem:v14+s20+$0x0] =	vst.idx.msk $0xffff, v12;
	v45 =	vmul.f32 $8.000000000e+00, v32  }
0x161: {  	v49 =	vadd.s32 v2, v23;
	v47 =	vld [tilespmem:s0+$0xFFFFFFF0];
	[tilespmem:v34+s20+$0x0] =	vst.idx.msk $0xffff, v41;
	v48 =	vmul.f32 $8.000000000e+00, v35  }
0x162: {  	v4 =	vadd.s32 v3, v4;
	[tilespmem:v37+s20+$0x0] =	vst.idx.msk $0xffff, v45;
	v20 =	vld [tilespmem:s1+$0x30];
	v50 =	vmul.f32 $8.000000000e+00, v38  }
0x163: {  	v5 =	vadd.s32 v3, v5;
	v51 =	vld [tilespmem:s1+$0xFFFFFFF0];
	[tilespmem:v39+s20+$0x0] =	vst.idx.msk $0xffff, v48;
	v52 =	vmul.f32 $8.000000000e+00, v40  }
0x164: {  	v53 =	vadd.s32 v3, v6;
	v54 =	vld [tilespmem:s6+$0x30];
	[tilespmem:v42+s20+$0x0] =	vst.idx.msk $0xffff, v50;
	v55 =	vmul.f32 $8.000000000e+00, v43  }
0x165: {  	v57 =	vadd.s32 v3, v7;
	v56 =	vmul.f32 $8.000000000e+00, v44;
	v58 =	vld [tilespmem:s6+$0xFFFFFFF0];
	[tilespmem:v46+s20+$0x0] =	vst.idx.msk $0xffff, v52  }
0x166: {  	v60 =	vadd.s32 v3, v8;
	v59 =	vmul.f32 $8.000000000e+00, v47;
	v14 =	vld [tilespmem:s7+$0x30];
	[tilespmem:v49+s20+$0x0] =	vst.idx.msk $0xffff, v55  }
0x167: {  	v61 =	vadd.s32 v3, v9;
	[tilespmem:v4+s20+$0x0] =	vst.idx.msk $0xffff, v56;
	v4 =	vmul.f32 $8.000000000e+00, v20;
	v12 =	vld [tilespmem:s7+$0xFFFFFFF0]  }
0x168: {  	v62 =	vadd.s32 v3, v10;
	[tilespmem:v5+s20+$0x0] =	vst.idx.msk $0xffff, v59;
	v5 =	vmul.f32 $8.000000000e+00, v51  }
0x169: {  	v63 =	vadd.s32 v3, v23;
	[tilespmem:v53+s20+$0x0] =	vst.idx.msk $0xffff, v4;
	v4 =	vmul.f32 $8.000000000e+00, v54  }
0x16a: {  	[tilespmem:v57+s20+$0x0] =	vst.idx.msk $0xffff, v5;
	s6 =	sadd.s32 s5, s29;
	v5 =	vmul.f32 $8.000000000e+00, v58  }
0x16b: {  	s8 =	sshll.u32 s29, $0xF;
	s0 =	sshll.u32 s6, $0x4;
	[tilespmem:v60+s20+$0x0] =	vst.idx.msk $0xffff, v4;
	s7 =	sshll.u32 s6, $0xA;
	v4 =	vmul.f32 $8.000000000e+00, v14  }
0x16c: {  	s0 =	sand.u32 $0xF80, s0;
	[tilespmem:v61+s20+$0x0] =	vst.idx.msk $0xffff, v5;
	s6 =	sand.u32 $0x30000, s8;
	s1 =	sand.u32 $0xFFC0000, s7;
	v5 =	vmul.f32 $8.000000000e+00, v12  }
0x16d: {  	s0 =	sadd.s32 s2, s0;
	s1 =	sor.u32 s1, s6;
	[tilespmem:v62+s20+$0x0] =	vst.idx.msk $0xffff, v4  }
0x16e: {  	s24 =	simm.s32 $0x12800;
	s1 =	sadd.s32 s1, s0;
	[tilespmem:v63+s20+$0x0] =	vst.idx.msk $0xffff, v5  }
0x16f: {  	[hbm4b:s1+s3] =	stream.linear.scatter [tilespmem:s24], [sflag:$0x7], $0x80, $0x38;
	[tilespmem:$0x16C00] =	vst v63  }
0x170: {  	s25 =	simm.s32 $0x12888;
	s26 =	sadd.s32 $0x10, s1  }
0x171: {  	[hbm4b:s26+s3] =	stream.linear.scatter [tilespmem:s25], [sflag:$0x7], $0x80, $0x38;
	[tilespmem:$0x16C00] =	vst v63  }
0x172: {  	s29 =	simm.s32 $0x12910;
	s8 =	simm.s32 $0x12A20;
	s31 =	sadd.s32 $0x20, s1  }
0x173: {  	[hbm4b:s31+s3] =	stream.linear.scatter [tilespmem:s29], [sflag:$0x7], $0x80, $0x38;
	[tilespmem:$0x16C00] =	vst v63  }
0x174: {  	s6 =	simm.s32 $0x12998;
	s0 =	simm.s32 $0x440;
	s7 =	sadd.s32 $0x30, s1  }
0x175: {  	[hbm4b:s7+s3] =	stream.linear.scatter [tilespmem:s6], [sflag:$0x7], $0x80, $0x38;
	[tilespmem:$0x16C00] =	vst v63  }
0x176: {  	s24 =	sadd.s32 $0x40, s1;
	s25 =	simm.s32 $0x12AA8;
	s26 =	sadd.s32 $0x50, s1  }
0x177: {  	[hbm4b:s24+s3] =	stream.linear.scatter [tilespmem:s8], [sflag:$0x7], $0x80, $0x38;
	[tilespmem:$0x16C00] =	vst v63  }
0x178: {  	s29 =	simm.s32 $0x12B30;
	s31 =	sadd.s32 $0x60, s1;
	s6 =	simm.s32 $0x2200  }
0x179: {  	[hbm4b:s26+s3] =	stream.linear.scatter [tilespmem:s25], [sflag:$0x7], $0x80, $0x38;
	[tilespmem:$0x16C00] =	vst v63  }
0x17a: {  	s7 =	simm.s32 $0x12BB8;
	s8 =	sadd.s32 $0x70, s1;
	s1 =	sadd.s32 $0x1000, s1  }
0x17b: {  	[hbm4b:s31+s3] =	stream.linear.scatter [tilespmem:s29], [sflag:$0x7], $0x80, $0x38;
	[tilespmem:$0x16C00] =	vst v63  }
.LBB2_17:
0x17c: {  	[hbm4b:s8+s3] =	stream.linear.scatter [tilespmem:s7], [sflag:$0x7], $0x80, $0x38;
	[tilespmem:$0x16C00] =	vst v63  }
0x17d: {  	s7 =	smov.u32 s0;
	s0 =	smov.u32 s6  }
0x17e: {  	s24 =	sadd.s32 $0x1100, s6;
	s0 =	sshra.s32 s0, $0x2;
	s8 =	sadd.s32 $0x12800, s7  }
0x17f: {  	[hbm4b:s1+s3] =	stream.linear.scatter [tilespmem:s8], [sflag:$0x7], $0x80, $0x38;
	[tilespmem:$0x16C00] =	vst v63  }
0x180: {  	p2 =	sne.s32 s6, $0x7700;
	s6 =	sadd.s32 $0x12888, s7;
	s8 =	sadd.s32 $0x10, s1  }
0x181: {  	[hbm4b:s8+s3] =	stream.linear.scatter [tilespmem:s6], [sflag:$0x7], $0x80, $0x38;
	[tilespmem:$0x16C00] =	vst v63  }
0x182: {  	s6 =	sadd.s32 $0x12910, s7;
	s8 =	sadd.s32 $0x20, s1  }
0x183: {  	[hbm4b:s8+s3] =	stream.linear.scatter [tilespmem:s6], [sflag:$0x7], $0x80, $0x38;
	[tilespmem:$0x16C00] =	vst v63  }
0x184: {  	s6 =	sadd.s32 $0x12998, s7;
	s8 =	sadd.s32 $0x30, s1  }
0x185: {  	[hbm4b:s8+s3] =	stream.linear.scatter [tilespmem:s6], [sflag:$0x7], $0x80, $0x38;
	[tilespmem:$0x16C00] =	vst v63  }
0x186: {  	s6 =	sadd.s32 $0x12A20, s7;
	s8 =	sadd.s32 $0x40, s1  }
0x187: {  	[hbm4b:s8+s3] =	stream.linear.scatter [tilespmem:s6], [sflag:$0x7], $0x80, $0x38;
	[tilespmem:$0x16C00] =	vst v63  }
.Ltmp8:
0x188: {  	s6 =	sadd.s32 $0x12AA8, s7;
	s8 =	sadd.s32 $0x50, s1;
	(pc) =	sbr.rel @p2 .LBB2_17-.Ltmp8, $4  }
0x189: {  	[hbm4b:s8+s3] =	stream.linear.scatter [tilespmem:s6], [sflag:$0x7], $0x80, $0x38;
	[tilespmem:$0x16C00] =	vst v63  }
0x18a: {  	s6 =	sadd.s32 $0x12B30, s7;
	s8 =	sadd.s32 $0x60, s1;
	s7 =	sadd.s32 $0x12BB8, s7  }
0x18b: {  	[hbm4b:s8+s3] =	stream.linear.scatter [tilespmem:s6], [sflag:$0x7], $0x80, $0x38;
	[tilespmem:$0x16C00] =	vst v63  }
0x18c: {  	s8 =	sadd.s32 $0x70, s1;
	s1 =	sadd.s32 $0x1000, s1;
	s6 =	smov.u32 s24  }
0x18d: {  	[hbm4b:s8+s3] =	stream.linear.scatter [tilespmem:s7], [sflag:$0x7], $0x80, $0x38;
	[tilespmem:$0x16C00] =	vst v63  }
0x18e: {  	s6 =	sadd.s32 $0x12800, s0  }
0x18f: {  	[hbm4b:s1+s3] =	stream.linear.scatter [tilespmem:s6], [sflag:$0x7], $0x80, $0x38;
	[tilespmem:$0x16C00] =	vst v63  }
0x190: {  	s29 =	sadd.s32 $0x12888, s0;
	s31 =	sadd.s32 $0x10, s1  }
0x191: {  	[hbm4b:s31+s3] =	stream.linear.scatter [tilespmem:s29], [sflag:$0x7], $0x80, $0x38;
	[tilespmem:$0x16C00] =	vst v63  }
0x192: {  	s8 =	sadd.s32 $0x12910, s0;
	s24 =	sadd.s32 $0x20, s1  }
0x193: {  	[hbm4b:s24+s3] =	stream.linear.scatter [tilespmem:s8], [sflag:$0x7], $0x80, $0x38;
	[tilespmem:$0x16C00] =	vst v63  }
0x194: {  	s25 =	sadd.s32 $0x12998, s0;
	s26 =	sadd.s32 $0x30, s1  }
0x195: {  	[hbm4b:s26+s3] =	stream.linear.scatter [tilespmem:s25], [sflag:$0x7], $0x80, $0x38;
	[tilespmem:$0x16C00] =	vst v63  }
0x196: {  	s29 =	sadd.s32 $0x12A20, s0;
	s31 =	sadd.s32 $0x40, s1  }
0x197: {  	[hbm4b:s31+s3] =	stream.linear.scatter [tilespmem:s29], [sflag:$0x7], $0x80, $0x38;
	[tilespmem:$0x16C00] =	vst v63  }
0x198: {  	s8 =	sadd.s32 $0x12AA8, s0;
	s24 =	sadd.s32 $0x50, s1  }
0x199: {  	[hbm4b:s24+s3] =	stream.linear.scatter [tilespmem:s8], [sflag:$0x7], $0x80, $0x38;
	[tilespmem:$0x16C00] =	vst v63  }
.Ltmp9:
0x19a: {  	_ = 	snop;
	(pc) =	sbr.rel @p1 .LBB2_20-.Ltmp9, $4  }
0x19b: {  	s25 =	sadd.s32 $0x12B30, s0;
	s26 =	sadd.s32 $0x60, s1  }
0x19c: {  	[hbm4b:s26+s3] =	stream.linear.scatter [tilespmem:s25], [sflag:$0x7], $0x80, $0x38;
	[tilespmem:$0x16C00] =	vst v63  }
0x19d: {  	s29 =	sadd.s32 $0x12BB8, s0;
	s31 =	sadd.s32 $0x70, s1  }
0x19e: {  	[hbm4b:s31+s3] =	stream.linear.scatter [tilespmem:s29], [sflag:$0x7], $0x80, $0x38;
	[tilespmem:$0x16C00] =	vst v63  }
.Ltmp10:
0x19f: {  	(pc) =	sbr.rel .LBB2_21-.Ltmp10, $4  }
0x1a0: {  	_ = 	snop  }
0x1a1: {  	_ =	swait.ge [sflag:s21], $0x2000  }
0x1a2: {  	[sflag:s21] =	ssyncset.done $0x0  }
0x1a3: {  	[sflag:s21] =	ssyncadd.s32 $0xFFFFE000  }
.LBB2_20:
0x1a4: {  	s0 =	sshll.u32 s28, $0x9  }
0x1a5: {  	s0 =	sand.u32 $0x3FFFFE00, s0  }
.Ltmp11:
0x1a6: {  	s0 =	sadd.s32 $0x280, s0;
	(pc) =	sbr.rel @p0 .LBB2_22-.Ltmp11, $4  }
0x1a7: {  	[tilespmem:s11], [sflag:$0x2] =	stream.indirect.gather [hbm4b:s4+s9], $0x40, s0, s9, $0xb8;
	[tilespmem:$0x16C00] =	vst v63  }
0x1a8: {  	_ =	swait.ge [sflag:s21], $0x2000  }
0x1a9: {  	[sflag:s21] =	ssyncset.done $0x0  }
0x1aa: {  	[sflag:s21] =	ssyncadd.s32 $0xFFFFE000  }
.LBB2_21:
0x1ab: {  	_ =	swait.ge [sflag:s22], $0x2000  }
0x1ac: {  	[sflag:s22] =	ssyncset.done $0x0  }
0x1ad: {  	[sflag:s22] =	ssyncadd.s32 $0xFFFFE000  }
.LBB2_22:
0x1ae: {  	s7 =	simm.s32 $0xC440;
	s0 =	simm.s32 $0x1  }
0x1af: {  	v4 =	vmov s0;
	v5 =	vld [tilespmem:s7+$0x0]  }
0x1b0: {  	v9 =	vand.u32 $0x7F, v4  }
0x1b1: {  	v4 =	vadd.s32 v0, v9  }
0x1b2: {  	s25 =	simm.s32 $0x0  }
0x1b3: {  	v6 =	vmov s25;
	v7 =	vld [tilespmem:s7+$0xFFFFFFC0]  }
0x1b4: {  	v14 =	vand.u32 $0x7E, v6;
	v5 =	vmul.f32 $8.000000000e+00, v5  }
0x1b5: {  	s1 =	simm.s32 $0x3;
	s0 =	simm.s32 $0xC4C0;
	v6 =	vadd.s32 v0, v14  }
0x1b6: {  	v8 =	vld [tilespmem:s0+$0x0];
	[tilespmem:v4+s23+$0x0] =	vst.idx.msk $0xffff, v5;
	v4 =	vmov s1  }
0x1b7: {  	v4 =	vand.u32 $0x7F, v4;
	v10 =	vld [tilespmem:s7+$0x10]  }
0x1b8: {  	v5 =	vmul.f32 $8.000000000e+00, v7;
	v7 =	vadd.s32 v0, v4  }
0x1b9: {  	s26 =	simm.s32 $0x2;
	v11 =	vadd.s32 v1, v9  }
0x1ba: {  	v12 =	vld [tilespmem:s0+$0xFFFFFFC0];
	[tilespmem:v6+s23+$0x0] =	vst.idx.msk $0xffff, v5;
	v5 =	vmov s26  }
0x1bb: {  	v6 =	vmul.f32 $8.000000000e+00, v8;
	v5 =	vand.u32 $0x7E, v5;
	v8 =	vld [tilespmem:s7+$0xFFFFFFD0]  }
0x1bc: {  	s6 =	simm.s32 $0x5;
	s1 =	simm.s32 $0xC540;
	v13 =	vadd.s32 v0, v5;
	v10 =	vmul.f32 $8.000000000e+00, v10  }
0x1bd: {  	v15 =	vld [tilespmem:s1+$0x0];
	[tilespmem:v7+s23+$0x0] =	vst.idx.msk $0xffff, v6;
	v7 =	vadd.s32 v1, v14;
	v6 =	vmov s6  }
0x1be: {  	[tilespmem:v11+s23+$0x0] =	vst.idx.msk $0xffff, v10;
	v6 =	vand.u32 $0x7F, v6;
	v10 =	vld [tilespmem:s0+$0x10]  }
0x1bf: {  	v11 =	vmul.f32 $8.000000000e+00, v12;
	v12 =	vadd.s32 v0, v6;
	v16 =	vld [tilespmem:s7+$0x20]  }
0x1c0: {  	s29 =	simm.s32 $0x4;
	v17 =	vadd.s32 v1, v4;
	v8 =	vmul.f32 $8.000000000e+00, v8  }
0x1c1: {  	v18 =	vadd.s32 v2, v9;
	[tilespmem:v13+s23+$0x0] =	vst.idx.msk $0xffff, v11;
	v11 =	vmov s29;
	v13 =	vld [tilespmem:s1+$0xFFFFFFC0]  }
0x1c2: {  	[tilespmem:v7+s23+$0x0] =	vst.idx.msk $0xffff, v8;
	v7 =	vand.u32 $0x7E, v11;
	v8 =	vmul.f32 $8.000000000e+00, v15;
	v11 =	vld [tilespmem:s0+$0xFFFFFFD0]  }
0x1c3: {  	s8 =	simm.s32 $0x7;
	s6 =	simm.s32 $0xC5C0;
	v15 =	vadd.s32 v0, v7;
	v10 =	vmul.f32 $8.000000000e+00, v10;
	v19 =	vld [tilespmem:s7+$0xFFFFFFE0]  }
0x1c4: {  	v20 =	vld [tilespmem:s6+$0x0];
	[tilespmem:v12+s23+$0x0] =	vst.idx.msk $0xffff, v8;
	v12 =	vadd.s32 v1, v5;
	v16 =	vmul.f32 $8.000000000e+00, v16;
	v8 =	vmov s8  }
0x1c5: {  	[tilespmem:v17+s23+$0x0] =	vst.idx.msk $0xffff, v10;
	v10 =	vadd.s32 v2, v14;
	v8 =	vand.u32 $0x7F, v8;
	v17 =	vld [tilespmem:s1+$0x10]  }
0x1c6: {  	v13 =	vmul.f32 $8.000000000e+00, v13;
	[tilespmem:v18+s23+$0x0] =	vst.idx.msk $0xffff, v16;
	v16 =	vadd.s32 v0, v8;
	v18 =	vld [tilespmem:s0+$0x20]  }
0x1c7: {  	s31 =	simm.s32 $0x6;
	v21 =	vadd.s32 v1, v6;
	v11 =	vmul.f32 $8.000000000e+00, v11;
	v22 =	vld [tilespmem:s7+$0x30]  }
0x1c8: {  	v23 =	vadd.s32 v2, v4;
	[tilespmem:v15+s23+$0x0] =	vst.idx.msk $0xffff, v13;
	v13 =	vmul.f32 $8.000000000e+00, v19;
	v15 =	vld [tilespmem:s6+$0xFFFFFFC0];
	v19 =	vmov s31  }
0x1c9: {  	v25 =	vadd.s32 v3, v9;
	[tilespmem:v12+s23+$0x0] =	vst.idx.msk $0xffff, v11;
	v12 =	vmul.f32 $8.000000000e+00, v20;
	v24 =	vld [tilespmem:s1+$0xFFFFFFD0];
	v9 =	vand.u32 $0x7E, v19  }
0x1ca: {  	[tilespmem:v10+s23+$0x0] =	vst.idx.msk $0xffff, v13;
	v10 =	vmul.f32 $8.000000000e+00, v17;
	v11 =	vld [tilespmem:s0+$0xFFFFFFE0];
	v17 =	vadd.s32 v0, v9  }
0x1cb: {  	s24 =	simm.s32 $0x9;
	s8 =	simm.s32 $0xC640;
	[tilespmem:v16+s23+$0x0] =	vst.idx.msk $0xffff, v12;
	v20 =	vmul.f32 $8.000000000e+00, v18;
	v12 =	vld [tilespmem:s7+$0xFFFFFFF0];
	v16 =	vadd.s32 v1, v7  }
0x1cc: {  	v19 =	vld [tilespmem:s8+$0x0];
	v13 =	vadd.s32 v2, v5;
	v18 =	vmov s24;
	[tilespmem:v21+s23+$0x0] =	vst.idx.msk $0xffff, v10;
	v26 =	vmul.f32 $8.000000000e+00, v22  }
0x1cd: {  	v14 =	vadd.s32 v3, v14;
	v10 =	vand.u32 $0x7F, v18;
	v18 =	vld [tilespmem:s6+$0x10];
	v22 =	vmul.f32 $8.000000000e+00, v15;
	[tilespmem:v23+s23+$0x0] =	vst.idx.msk $0xffff, v20  }
0x1ce: {  	s25 =	simm.s32 $0x8;
	s24 =	simm.s32 $0xA;
	s7 =	simm.s32 $0xC640;
	v20 =	vadd.s32 v0, v10;
	v15 =	vld [tilespmem:s1+$0x20];
	v21 =	vmul.f32 $8.000000000e+00, v24;
	[tilespmem:v25+s23+$0x0] =	vst.idx.msk $0xffff, v26  }
.LBB2_23:
0x1cf: {  	p0 =	slt.u32 s24, $0x7E;
	[tilespmem:v17+s23+$0x0] =	vst.idx.msk $0xffff, v22;
	v22 =	vadd.s32 v1, v8;
	v11 =	vmul.f32 $8.000000000e+00, v11;
	v23 =	vld [tilespmem:s0+$0x30]  }
0x1d0: {  	v17 =	vmov s25;
	s25 =	smov.u32 s24;
	v24 =	vld [tilespmem:s8+$0xFFFFFFC0];
	[tilespmem:v16+s23+$0x0] =	vst.idx.msk $0xffff, v21;
	v21 =	vadd.s32 v2, v6;
	v12 =	vmul.f32 $8.000000000e+00, v12  }
0x1d1: {  	v27 =	vadd.s32 v3, v4;
	v4 =	vmovc v6;
	v25 =	vand.u32 $0x7E, v17;
	v16 =	vmul.f32 $8.000000000e+00, v19;
	v26 =	vld [tilespmem:s6+$0xFFFFFFD0];
	[tilespmem:v13+s23+$0x0] =	vst.idx.msk $0xffff, v11  }
.Ltmp12:
0x1d2: {  	v6 =	vmovc v8;
	v8 =	vmov v10;
	v17 =	vadd.s32 v0, v25;
	v13 =	vmul.f32 $8.000000000e+00, v18;
	v11 =	vld [tilespmem:s1+$0xFFFFFFE0];
	[tilespmem:v14+s23+$0x0] =	vst.idx.msk $0xffff, v12;
	(pc) =	sbr.rel @p0 .LBB2_23-.Ltmp12, $4  }
0x1d3: {  	s26 =	sadd.s32 $0x1, s24;
	s8 =	sadd.s32 $0x80, s8;
	[tilespmem:v20+s23+$0x0] =	vst.idx.msk $0xffff, v16;
	v16 =	vadd.s32 v1, v9;
	v14 =	vmul.f32 $8.000000000e+00, v15;
	v12 =	vld [tilespmem:s0+$0xFFFFFFF0];
	s0 =	smov.u32 s1  }
0x1d4: {  	v10 =	vmov s26;
	s1 =	smov.u32 s6;
	s6 =	smov.u32 s7;
	s7 =	smov.u32 s8;
	v19 =	vld [tilespmem:s8+$0x0];
	[tilespmem:v22+s23+$0x0] =	vst.idx.msk $0xffff, v13;
	v13 =	vadd.s32 v2, v7;
	v23 =	vmul.f32 $8.000000000e+00, v23  }
0x1d5: {  	v10 =	vand.u32 $0x7F, v10;
	v22 =	vmul.f32 $8.000000000e+00, v24;
	v18 =	vld [tilespmem:s6+$0x10];
	[tilespmem:v21+s23+$0x0] =	vst.idx.msk $0xffff, v14;
	v14 =	vadd.s32 v3, v5;
	v5 =	vmovc v7  }
0x1d6: {  	s24 =	sadd.s32 $0x2, s24;
	v20 =	vadd.s32 v0, v10;
	v7 =	vmovc v9;
	v9 =	vmov v25;
	v21 =	vmul.f32 $8.000000000e+00, v26;
	v15 =	vld [tilespmem:s1+$0x20];
	[tilespmem:v27+s23+$0x0] =	vst.idx.msk $0xffff, v23  }
0x1d7: {  	v23 =	vmov s25;
	v24 =	vld [tilespmem:s8+$0xFFFFFFC0]  }
0x1d8: {  	v23 =	vand.u32 $0x7E, v23  }
0x1d9: {  	v25 =	vadd.s32 v0, v23;
	_ =	sdelay $0x1  }
0x1da: {  	v19 =	vmul.f32 $8.000000000e+00, v19  }
0x1db: {  	[tilespmem:v17+s23+$0x0] =	vst.idx.msk $0xffff, v22;
	v62 =	vmul.f32 $8.000000000e+00, v24  }
0x1dc: {  	v22 =	vld [tilespmem:s6+$0xFFFFFFD0];
	[tilespmem:v20+s23+$0x0] =	vst.idx.msk $0xffff, v19  }
0x1dd: {  	v63 =	vadd.s32 v1, v8;
	v20 =	vld [tilespmem:s7+$0x10];
	[tilespmem:v25+s23+$0x0] =	vst.idx.msk $0xffff, v62  }
0x1de: {  	v28 =	vadd.s32 v1, v9;
	v29 =	vld [tilespmem:s7+$0xFFFFFFD0]  }
0x1df: {  	v30 =	vadd.s32 v1, v10  }
0x1e0: {  	v26 =	vadd.s32 v1, v23;
	v18 =	vmul.f32 $8.000000000e+00, v18  }
0x1e1: {  	[tilespmem:v16+s23+$0x0] =	vst.idx.msk $0xffff, v21;
	v31 =	vmul.f32 $8.000000000e+00, v22  }
0x1e2: {  	v32 =	vld [tilespmem:s1+$0xFFFFFFE0];
	[tilespmem:v63+s23+$0x0] =	vst.idx.msk $0xffff, v18;
	v33 =	vmul.f32 $8.000000000e+00, v20  }
0x1e3: {  	v34 =	vadd.s32 v2, v6;
	v35 =	vld [tilespmem:s6+$0x20];
	[tilespmem:v28+s23+$0x0] =	vst.idx.msk $0xffff, v31;
	v36 =	vmul.f32 $8.000000000e+00, v29  }
0x1e4: {  	v11 =	vmul.f32 $8.000000000e+00, v11;
	v37 =	vadd.s32 v2, v7;
	v38 =	vld [tilespmem:s6+$0xFFFFFFE0];
	[tilespmem:v30+s23+$0x0] =	vst.idx.msk $0xffff, v33  }
0x1e5: {  	v39 =	vadd.s32 v2, v8;
	v12 =	vmul.f32 $8.000000000e+00, v12;
	v40 =	vld [tilespmem:s7+$0x20];
	[tilespmem:v26+s23+$0x0] =	vst.idx.msk $0xffff, v36  }
0x1e6: {  	v42 =	vadd.s32 v2, v9;
	[tilespmem:v13+s23+$0x0] =	vst.idx.msk $0xffff, v11;
	v41 =	vmul.f32 $8.000000000e+00, v15;
	v43 =	vld [tilespmem:s7+$0xFFFFFFE0]  }
0x1e7: {  	v44 =	vld [tilespmem:s0+$0x30];
	v46 =	vadd.s32 v2, v10;
	[tilespmem:v14+s23+$0x0] =	vst.idx.msk $0xffff, v12;
	v45 =	vmul.f32 $8.000000000e+00, v32  }
0x1e8: {  	v49 =	vadd.s32 v2, v23;
	v47 =	vld [tilespmem:s0+$0xFFFFFFF0];
	[tilespmem:v34+s23+$0x0] =	vst.idx.msk $0xffff, v41;
	v48 =	vmul.f32 $8.000000000e+00, v35  }
0x1e9: {  	v4 =	vadd.s32 v3, v4;
	[tilespmem:v37+s23+$0x0] =	vst.idx.msk $0xffff, v45;
	v20 =	vld [tilespmem:s1+$0x30];
	v50 =	vmul.f32 $8.000000000e+00, v38  }
0x1ea: {  	v5 =	vadd.s32 v3, v5;
	v51 =	vld [tilespmem:s1+$0xFFFFFFF0];
	[tilespmem:v39+s23+$0x0] =	vst.idx.msk $0xffff, v48;
	v52 =	vmul.f32 $8.000000000e+00, v40  }
0x1eb: {  	v53 =	vadd.s32 v3, v6;
	v54 =	vld [tilespmem:s6+$0x30];
	[tilespmem:v42+s23+$0x0] =	vst.idx.msk $0xffff, v50;
	v55 =	vmul.f32 $8.000000000e+00, v43  }
0x1ec: {  	v57 =	vadd.s32 v3, v7;
	v56 =	vmul.f32 $8.000000000e+00, v44;
	v58 =	vld [tilespmem:s6+$0xFFFFFFF0];
	[tilespmem:v46+s23+$0x0] =	vst.idx.msk $0xffff, v52  }
0x1ed: {  	v60 =	vadd.s32 v3, v8;
	v59 =	vmul.f32 $8.000000000e+00, v47;
	v14 =	vld [tilespmem:s7+$0x30];
	[tilespmem:v49+s23+$0x0] =	vst.idx.msk $0xffff, v55  }
0x1ee: {  	v61 =	vadd.s32 v3, v9;
	[tilespmem:v4+s23+$0x0] =	vst.idx.msk $0xffff, v56;
	v4 =	vmul.f32 $8.000000000e+00, v20;
	v12 =	vld [tilespmem:s7+$0xFFFFFFF0]  }
0x1ef: {  	v62 =	vadd.s32 v3, v10;
	[tilespmem:v5+s23+$0x0] =	vst.idx.msk $0xffff, v59;
	v5 =	vmul.f32 $8.000000000e+00, v51  }
0x1f0: {  	v63 =	vadd.s32 v3, v23;
	[tilespmem:v53+s23+$0x0] =	vst.idx.msk $0xffff, v4;
	v4 =	vmul.f32 $8.000000000e+00, v54  }
0x1f1: {  	[tilespmem:v57+s23+$0x0] =	vst.idx.msk $0xffff, v5;
	v5 =	vmul.f32 $8.000000000e+00, v58;
	s7 =	sadd.s32 s5, s30  }
0x1f2: {  	s24 =	sshll.u32 s30, $0xF;
	[tilespmem:v60+s23+$0x0] =	vst.idx.msk $0xffff, v4;
	s8 =	sshll.u32 s7, $0xA;
	s0 =	sshll.u32 s7, $0x4;
	v4 =	vmul.f32 $8.000000000e+00, v14  }
0x1f3: {  	s6 =	sand.u32 $0x38000, s24;
	[tilespmem:v61+s23+$0x0] =	vst.idx.msk $0xffff, v5;
	s1 =	sand.u32 $0xFFC0000, s8;
	s0 =	sand.u32 $0xF80, s0;
	v5 =	vmul.f32 $8.000000000e+00, v12  }
0x1f4: {  	s1 =	sor.u32 s1, s6;
	s0 =	sadd.s32 s2, s0;
	[tilespmem:v62+s23+$0x0] =	vst.idx.msk $0xffff, v4  }
0x1f5: {  	s25 =	simm.s32 $0x14A00;
	s1 =	sadd.s32 s1, s0;
	[tilespmem:v63+s23+$0x0] =	vst.idx.msk $0xffff, v5  }
0x1f6: {  	[hbm4b:s1+s3] =	stream.linear.scatter [tilespmem:s25], [sflag:$0x8], $0x80, $0x38;
	[tilespmem:$0x16C00] =	vst v63  }
0x1f7: {  	s26 =	simm.s32 $0x14A88;
	s29 =	sadd.s32 $0x10, s1  }
0x1f8: {  	[hbm4b:s29+s3] =	stream.linear.scatter [tilespmem:s26], [sflag:$0x8], $0x80, $0x38;
	[tilespmem:$0x16C00] =	vst v63  }
0x1f9: {  	s24 =	simm.s32 $0x14C20;
	s30 =	simm.s32 $0x14B10;
	s31 =	sadd.s32 $0x20, s1  }
0x1fa: {  	[hbm4b:s31+s3] =	stream.linear.scatter [tilespmem:s30], [sflag:$0x8], $0x80, $0x38;
	[tilespmem:$0x16C00] =	vst v63  }
0x1fb: {  	s7 =	simm.s32 $0x14B98;
	s6 =	simm.s32 $0x2200;
	s8 =	sadd.s32 $0x30, s1  }
0x1fc: {  	[hbm4b:s8+s3] =	stream.linear.scatter [tilespmem:s7], [sflag:$0x8], $0x80, $0x38;
	[tilespmem:$0x16C00] =	vst v63  }
0x1fd: {  	s0 =	simm.s32 $0x440;
	s25 =	sadd.s32 $0x40, s1;
	s26 =	simm.s32 $0x14CA8  }
0x1fe: {  	[hbm4b:s25+s3] =	stream.linear.scatter [tilespmem:s24], [sflag:$0x8], $0x80, $0x38;
	[tilespmem:$0x16C00] =	vst v63  }
0x1ff: {  	s29 =	sadd.s32 $0x50, s1;
	s30 =	simm.s32 $0x14D30;
	s31 =	sadd.s32 $0x60, s1  }
0x200: {  	[hbm4b:s29+s3] =	stream.linear.scatter [tilespmem:s26], [sflag:$0x8], $0x80, $0x38;
	[tilespmem:$0x16C00] =	vst v63  }
0x201: {  	s7 =	simm.s32 $0x14DB8;
	s8 =	sadd.s32 $0x70, s1;
	s1 =	sadd.s32 $0x1000, s1  }
0x202: {  	[hbm4b:s31+s3] =	stream.linear.scatter [tilespmem:s30], [sflag:$0x8], $0x80, $0x38;
	[tilespmem:$0x16C00] =	vst v63  }
.LBB2_25:
0x203: {  	[hbm4b:s8+s3] =	stream.linear.scatter [tilespmem:s7], [sflag:$0x8], $0x80, $0x38;
	[tilespmem:$0x16C00] =	vst v63  }
0x204: {  	s7 =	smov.u32 s0;
	s0 =	smov.u32 s6  }
0x205: {  	s24 =	sadd.s32 $0x1100, s6;
	s0 =	sshra.s32 s0, $0x2;
	s8 =	sadd.s32 $0x14A00, s7  }
0x206: {  	[hbm4b:s1+s3] =	stream.linear.scatter [tilespmem:s8], [sflag:$0x8], $0x80, $0x38;
	[tilespmem:$0x16C00] =	vst v63  }
0x207: {  	p0 =	sne.s32 s6, $0x7700;
	s6 =	sadd.s32 $0x14A88, s7;
	s8 =	sadd.s32 $0x10, s1  }
0x208: {  	[hbm4b:s8+s3] =	stream.linear.scatter [tilespmem:s6], [sflag:$0x8], $0x80, $0x38;
	[tilespmem:$0x16C00] =	vst v63  }
0x209: {  	s6 =	sadd.s32 $0x14B10, s7;
	s8 =	sadd.s32 $0x20, s1  }
0x20a: {  	[hbm4b:s8+s3] =	stream.linear.scatter [tilespmem:s6], [sflag:$0x8], $0x80, $0x38;
	[tilespmem:$0x16C00] =	vst v63  }
0x20b: {  	s6 =	sadd.s32 $0x14B98, s7;
	s8 =	sadd.s32 $0x30, s1  }
0x20c: {  	[hbm4b:s8+s3] =	stream.linear.scatter [tilespmem:s6], [sflag:$0x8], $0x80, $0x38;
	[tilespmem:$0x16C00] =	vst v63  }
0x20d: {  	s6 =	sadd.s32 $0x14C20, s7;
	s8 =	sadd.s32 $0x40, s1  }
0x20e: {  	[hbm4b:s8+s3] =	stream.linear.scatter [tilespmem:s6], [sflag:$0x8], $0x80, $0x38;
	[tilespmem:$0x16C00] =	vst v63  }
.Ltmp13:
0x20f: {  	s6 =	sadd.s32 $0x14CA8, s7;
	s8 =	sadd.s32 $0x50, s1;
	(pc) =	sbr.rel @p0 .LBB2_25-.Ltmp13, $4  }
0x210: {  	[hbm4b:s8+s3] =	stream.linear.scatter [tilespmem:s6], [sflag:$0x8], $0x80, $0x38;
	[tilespmem:$0x16C00] =	vst v63  }
0x211: {  	s6 =	sadd.s32 $0x14D30, s7;
	s8 =	sadd.s32 $0x60, s1;
	s7 =	sadd.s32 $0x14DB8, s7  }
0x212: {  	[hbm4b:s8+s3] =	stream.linear.scatter [tilespmem:s6], [sflag:$0x8], $0x80, $0x38;
	[tilespmem:$0x16C00] =	vst v63  }
0x213: {  	s8 =	sadd.s32 $0x70, s1;
	s1 =	sadd.s32 $0x1000, s1;
	s6 =	smov.u32 s24  }
0x214: {  	[hbm4b:s8+s3] =	stream.linear.scatter [tilespmem:s7], [sflag:$0x8], $0x80, $0x38;
	[tilespmem:$0x16C00] =	vst v63  }
0x215: {  	s6 =	sadd.s32 $0x14A00, s0  }
0x216: {  	[hbm4b:s1+s3] =	stream.linear.scatter [tilespmem:s6], [sflag:$0x8], $0x80, $0x38;
	[tilespmem:$0x16C00] =	vst v63  }
0x217: {  	s24 =	sadd.s32 $0x14A88, s0;
	s25 =	sadd.s32 $0x10, s1  }
0x218: {  	[hbm4b:s25+s3] =	stream.linear.scatter [tilespmem:s24], [sflag:$0x8], $0x80, $0x38;
	[tilespmem:$0x16C00] =	vst v63  }
0x219: {  	s26 =	sadd.s32 $0x14B10, s0;
	s29 =	sadd.s32 $0x20, s1  }
0x21a: {  	[hbm4b:s29+s3] =	stream.linear.scatter [tilespmem:s26], [sflag:$0x8], $0x80, $0x38;
	[tilespmem:$0x16C00] =	vst v63  }
0x21b: {  	s30 =	sadd.s32 $0x14B98, s0;
	s31 =	sadd.s32 $0x30, s1  }
0x21c: {  	[hbm4b:s31+s3] =	stream.linear.scatter [tilespmem:s30], [sflag:$0x8], $0x80, $0x38;
	[tilespmem:$0x16C00] =	vst v63  }
0x21d: {  	s7 =	sadd.s32 $0x14C20, s0;
	s8 =	sadd.s32 $0x40, s1;
	s28 =	sadd.s32 $0x1, s28  }
0x21e: {  	[hbm4b:s8+s3] =	stream.linear.scatter [tilespmem:s7], [sflag:$0x8], $0x80, $0x38;
	[tilespmem:$0x16C00] =	vst v63  }
0x21f: {  	p0 =	sne.s32 s28, $0x32;
	s24 =	sadd.s32 $0x14CA8, s0;
	s25 =	sadd.s32 $0x50, s1  }
0x220: {  	[hbm4b:s25+s3] =	stream.linear.scatter [tilespmem:s24], [sflag:$0x8], $0x80, $0x38;
	[tilespmem:$0x16C00] =	vst v63  }
.Ltmp14:
0x221: {  	_ = 	snop;
	(pc) =	sbr.rel @p0 .LBB2_2-.Ltmp14, $4  }
0x222: {  	s26 =	sadd.s32 $0x14D30, s0;
	s29 =	sadd.s32 $0x60, s1  }
0x223: {  	[hbm4b:s29+s3] =	stream.linear.scatter [tilespmem:s26], [sflag:$0x8], $0x80, $0x38;
	[tilespmem:$0x16C00] =	vst v63  }
0x224: {  	s30 =	sadd.s32 $0x14DB8, s0;
	s31 =	sadd.s32 $0x70, s1  }
0x225: {  	[hbm4b:s31+s3] =	stream.linear.scatter [tilespmem:s30], [sflag:$0x8], $0x80, $0x38;
	[tilespmem:$0x16C00] =	vst v63  }
0x226: {  	s0 =	simm.s32 $0x5  }
0x227: {  	_ =	swait.ge [sflag:s0], $0x2000  }
0x228: {  	[sflag:s0] =	ssyncset.done $0x0  }
0x229: {  	s30 =	simm.s32 $0x6;
	[sflag:s0] =	ssyncadd.s32 $0xFFFFE000  }
0x22a: {  	_ =	swait.ge [sflag:s30], $0x2000  }
0x22b: {  	[sflag:s30] =	ssyncset.done $0x0  }
0x22c: {  	[sflag:s30] =	ssyncadd.s32 $0xFFFFE000  }
0x22d: {  	_ =	swait.ge [sflag:s19], $0x2000  }
0x22e: {  	[sflag:s19] =	ssyncset.done $0x0  }
0x22f: {  	[sflag:s19] =	ssyncadd.s32 $0xFFFFE000  }
0x230: {  	_ =	swait.ge [sflag:s22], $0x2000  }
0x231: {  	s1 =	rddreg [dreg:$0x6]  }
0x232: {  	s31 =	rddreg [dreg:$0x5];
	s1 =	sadd.s32 $0x1, s1  }
0x233: {  	p0 =	sne.s32 s1, s31  }
.Ltmp15:
0x234: {  	_ = 	snop;
	(pc) =	sbr.rel @p0 .LBB2_1-.Ltmp15, $3  }
0x235: {  	_ =	sdelay $0x1  }
0x236: {  	[sflag:s22] =	ssyncset.done $0x0  }
0x237: {  	[sflag:s22] =	ssyncadd.s32 $0xFFFFE000  }
0x238: {  	_ =	sfence.sel $0x180000  }
0x239: {  	[bflag:$0x0] =	sbarrier.arrive $0xFFFF  }
0x23a: {  	_ =	strace $0x90000047  }
0x23b: {  	s0 =	stileid.u32;
	[bflag:$0x2] =	sbarrier.arrive $0xFFFF  }
0x23c: {  	p0 =	sne.s32 s0, $0x0;
	s0 =	rddreg [dreg:$0x3]  }
0x23d: {  	s0 =	sadd.s32 @!p0 $0x100000, s0  }
0x23e: {  	[sflag:s0] =	ssyncadd.tile.s32 @!p0 $0x1;
	_ =	shalt  }
.Lfunc_end2:
_tile_overlayer_lowered:
.L_overlay_start_2:
0x23f: {  	(tag) =	ssettag $0x2  }
0x240: {  	s0 =	rddreg [dreg:$0x0];
	s2 =	stileid.u32  }
0x241: {  	s1 =	rddreg [dreg:$0x1];
	p0 =	sne.s32 s2, $0x0  }
0x242: {  	s3 =	rddreg [dreg:$0x2];
	[bflag:$0x3] =	sbarrier.arrive $0xFFFF;
	s2 =	simm.s32 @!p0 $0x1C09  }
0x243: {  	[timem:s3], [sflag:s2] =	dma.local @!p0 [hbm:s0], s1  }
0x244: {  	s0 =	simm.s32 @!p0 $0x9  }
0x245: {  	_ =	swait.ge @!p0 [sflag:s0], s1  }
0x246: {  	s1 =	ssub.s32 @!p0 $0x0, s1;
	[sflag:s0] =	ssyncset.done @!p0 $0x0  }
0x247: {  	[sflag:s0] =	ssyncadd.s32 @!p0 s1  }
0x248: {  	[bflag:$0x3] =	sbarrier.arrive $0xFFFF  }
0x249: {  	_ =	shalt  }

</sc_bundles>
